<compile_context>
chip_gen: v7x
topology: tpu7x:2x2x1
jax: 0.10.2.dev20260603
libtpu: 0.0.44.dev20260713+nightly
codegen_flags: <defaults>
</compile_context>

<pallas_src>
import functools

import jax
import jax.numpy as jnp
from jax import lax
from jax.experimental import pallas as pl
from jax.experimental.pallas import tpu as pltpu
from jax.experimental.pallas import tpu_sc as plsc

VOCAB = 1000000
EMB_DIM = 64
NUM_Y = 2
BATCH = 4096
HIST = 200

NC = 2
NS = 16
NW = NC * NS

TOTAL_IDX = BATCH * HIST
IDX_PER_W = TOTAL_IDX // NW
CHUNK = 128
CHUNKS_PER_W = IDX_PER_W // CHUNK
BAGS_PER_W = BATCH // NW
GROUPS_PER_W = BAGS_PER_W // 2

PROJ_BLK = 32768
PROJ_GRID = -(-VOCAB // PROJ_BLK)



def _proj_body(embt_ref, w_ref, out_hbm, pk_v, sems):
    i = pl.program_id(0)
    grid = PROJ_GRID
    slot = lax.rem(i, 2)
    s = lax.dot_general(
        w_ref[...], embt_ref[...],
        (((1,), (0,)), ((), ())),
        preferred_element_type=jnp.float32,
    )
    s0 = s[0:1, :].astype(jnp.bfloat16)
    s1 = s[1:2, :].astype(jnp.bfloat16)
    u0 = lax.convert_element_type(
        lax.bitcast_convert_type(s0, jnp.uint16), jnp.uint32)
    u1 = lax.convert_element_type(
        lax.bitcast_convert_type(s1, jnp.uint16), jnp.uint32)
    packed = u0 | (u1 << 16)
    pk_v[pl.ds(slot, 1), :] = lax.bitcast_convert_type(packed, jnp.int32)

    def cp(j, sl):
        return pltpu.make_async_copy(
            pk_v.at[sl], out_hbm.at[pl.ds(j * PROJ_BLK, PROJ_BLK)],
            sems.at[sl])

    cp(i, slot).start()

    @pl.when(i > 0)
    def _():
        cp(i - 1, 1 - slot).wait()

    @pl.when(i == grid - 1)
    def _():
        cp(i, slot).wait()


def _project_pack(embT, W):
    grid = PROJ_GRID
    return pl.pallas_call(
        _proj_body,
        grid=(grid,),
        in_specs=[
            pl.BlockSpec((EMB_DIM, PROJ_BLK), lambda i: (0, i)),
            pl.BlockSpec((NUM_Y, EMB_DIM), lambda i: (0, 0)),
        ],
        out_specs=pl.BlockSpec(memory_space=pl.ANY),
        out_shape=jax.ShapeDtypeStruct((PROJ_GRID * PROJ_BLK,), jnp.int32),
        scratch_shapes=[pltpu.VMEM((2, PROJ_BLK), jnp.int32),
                        pltpu.SemaphoreType.DMA((2,))],
    )(embT, W)



def _sc_body(p_hbm, idx_hbm, bias_hbm, out_hbm, idx_v, g_v, o_v, b_v, sems):
    wid = lax.axis_index("s") * NC + lax.axis_index("c")
    pltpu.sync_copy(idx_hbm.at[pl.ds(wid * CHUNKS_PER_W, CHUNKS_PER_W)], idx_v)
    pltpu.sync_copy(bias_hbm, b_v)

    def chunk_copy(row, sl):
        return pltpu.make_async_copy(
            p_hbm.at[idx_v.at[row]],
            g_v.at[pl.ds(row * CHUNK, CHUNK)],
            sems.at[sl],
        )

    lanes = lax.iota(jnp.int32, 16)
    bias = b_v[...]
    zero = jnp.zeros((16,), jnp.float32)
    himask = jnp.int32(-65536)
    dnums = lax.GatherDimensionNumbers(
        offset_dims=(), collapsed_slice_dims=(0,), start_index_map=(0,))
    perms = [(lanes + step) % 16 for step in (8, 4, 2, 1)]

    def lane_perm(x, perm):
        return lax.gather(x, perm[:, None], dnums, (1,),
                          mode=lax.GatherScatterMode.PROMISE_IN_BOUNDS)

    def fold(x):
        for p in perms:
            x = x + lane_perm(x, p)
        return x

    def unpack(w):
        lo = plsc.bitcast(w << 16, jnp.float32)
        hi = plsc.bitcast(w & himask, jnp.float32)
        return lo, hi

    def per_quad(q, carry):
        out_acc = zero
        for t4 in range(4):
            t = q * 4 + t4
            base = t * (2 * HIST)

            def redA(k, ab):
                a0, a1 = ab
                lo, hi = unpack(g_v[pl.ds(base + k * 16, 16)])
                return a0 + lo, a1 + hi

            accA0, accA1 = lax.fori_loop(0, 12, redA, (zero, zero))
            lo, hi = unpack(g_v[pl.ds(base + 192, 16)])
            mA = lanes < 8
            accA0 = accA0 + jnp.where(mA, lo, zero)
            accA1 = accA1 + jnp.where(mA, hi, zero)
            accB0 = jnp.where(mA, zero, lo)
            accB1 = jnp.where(mA, zero, hi)

            def redB(k, ab):
                a0, a1 = ab
                lo, hi = unpack(g_v[pl.ds(base + k * 16, 16)])
                return a0 + lo, a1 + hi

            accB0, accB1 = lax.fori_loop(13, 25, redB, (accB0, accB1))

            sA0, sA1 = fold(accA0), fold(accA1)
            sB0, sB1 = fold(accB0), fold(accB1)
            qA = jnp.where((lanes & 1) == 0, sA0, sA1)
            qB = jnp.where((lanes & 1) == 0, sB0, sB1)
            quadv = jnp.where((lanes & 2) == 0, qA, qB)
            out_acc = jnp.where((lanes >> 2) == t4, quadv, out_acc)
        z = out_acc * (1.0 / HIST) + bias
        o_v[pl.ds(q * 16, 16)] = 1.0 / (1.0 + jnp.exp(-z))
        return carry

    BLK = 25
    NBLK = CHUNKS_PER_W // BLK

    def start_blk(b):
        def go(j, c):
            chunk_copy(b * BLK + j, b & 1).start()
            return c
        lax.fori_loop(0, BLK, go, 0)

    start_blk(0)

    def blk_loop(b, carry):
        @pl.when(b + 1 < NBLK)
        def _():
            start_blk(b + 1)

        def wait_b(j, c):
            chunk_copy(b * BLK + j, b & 1).wait()
            return c

        lax.fori_loop(0, BLK, wait_b, 0)
        per_quad(2 * b, 0)
        per_quad(2 * b + 1, 0)
        return carry

    lax.fori_loop(0, NBLK, blk_loop, 0)
    pltpu.sync_copy(o_v, out_hbm.at[pl.ds(wid * (BAGS_PER_W * NUM_Y),
                                          BAGS_PER_W * NUM_Y)])


def _sc_gather_pool(p_flat, idx2, bias16):
    mesh = plsc.VectorSubcoreMesh(core_axis_name="c", subcore_axis_name="s")
    kfn = functools.partial(
        pl.kernel,
        out_type=jax.ShapeDtypeStruct((BATCH * NUM_Y,), jnp.float32),
        mesh=mesh,
        scratch_types=[
            pltpu.VMEM((CHUNKS_PER_W, CHUNK), jnp.int32),
            pltpu.VMEM((IDX_PER_W,), jnp.int32),
            pltpu.VMEM((BAGS_PER_W * NUM_Y,), jnp.float32),
            pltpu.VMEM((16,), jnp.float32),
            pltpu.SemaphoreType.DMA((2,)),
        ],
        compiler_params=pltpu.CompilerParams(use_tc_tiling_on_sc=False,
                                             needs_layout_passes=False),
    )(_sc_body)
    return kfn(p_flat, idx2, bias16)



def kernel(input, emb_weight, W, b):
    idx2 = input.astype(jnp.int32).reshape(TOTAL_IDX // CHUNK, CHUNK)
    Pp = _project_pack(emb_weight.T, W)
    bias16 = jnp.tile(b.astype(jnp.float32), 16 // NUM_Y)
    out = _sc_gather_pool(Pp, idx2, bias16)
    return out.reshape(BATCH, NUM_Y)

# --- scband reference (transcript-rebuilt; emitter-appended) ---
"""Pipeline reference for scband-ffnet-1666447311087 (READ-ONLY COPY).

The authoritative reference and input builder live on the scoring server;
editing this copy changes nothing except your own understanding.
"""

import jax, jax.numpy as jnp
import numpy as np

VOCAB = 1000000
EMB_DIM = 64
NUM_Y = 2
BATCH = 4096
HIST = 200

def setup_inputs(seed: int = 0) -> dict:
    key = jax.random.key(seed)
    k1, k2, k3, k4 = jax.random.split(key, 4)
    inp = jax.random.randint(k1, (BATCH, HIST), 0, VOCAB, dtype=jnp.int64) if jax.config.jax_enable_x64 else jax.random.randint(k1, (BATCH, HIST), 0, VOCAB, dtype=jnp.int32)
    emb_weight = jax.random.normal(k2, (VOCAB, EMB_DIM), dtype=jnp.float32) * 0.02
    W = jax.random.normal(k3, (NUM_Y, EMB_DIM), dtype=jnp.float32) * 0.05
    b = jax.random.normal(k4, (NUM_Y,), dtype=jnp.float32) * 0.01
    return {"input": inp, "emb_weight": emb_weight, "W": W, "b": b}

def reference(input, emb_weight, W, b):
    # nn.EmbeddingBag default mode='mean' over the bag (sequence) dimension
    gathered = jnp.take(emb_weight, input, axis=0)          # [B, L, D]
    pooled = gathered.mean(axis=1)                           # [B, D]
    logits = pooled @ W.T + b                                # [B, num_y]
    return jax.nn.sigmoid(logits)

if __name__ == "__main__":
    import jax
    _d = setup_inputs()
    print(jax.jit(kernel)(*tuple(_d.values())))

</pallas_src>

<mosaic_0001>
#map = affine_map<(d0, d1) -> (0)>
#map1 = affine_map<(d0, d1) -> (0, 0)>
module attributes {stable_mosaic.version = 14 : i64} {
  func.func @_sc_body(%arg0: i32, %arg1: i32, %arg2: memref<1015808xi32, #tpu.memory_space<hbm>>, %arg3: memref<6400x128xi32, #tpu.memory_space<hbm>>, %arg4: memref<16xf32, #tpu.memory_space<hbm>>, %arg5: memref<8192xf32, #tpu.memory_space<hbm>>, %arg6: memref<200x128xi32, #tpu.memory_space<vmem>>, %arg7: memref<25600xi32, #tpu.memory_space<vmem>>, %arg8: memref<256xf32, #tpu.memory_space<vmem>>, %arg9: memref<16xf32, #tpu.memory_space<vmem>>, %arg10: memref<2x!tpu.dma_semaphore, #tpu.memory_space<semaphore_mem>>) attributes {dimension_semantics = [#tpu.dimension_semantics<core_parallel>, #tpu.dimension_semantics<subcore_parallel>], iteration_bounds = array<i64: 2, 16>, scalar_prefetch = 0 : i64, scratch_operands = 5 : i64, tpu.core_type = #tpu.core_type<sc_vector_subcore>, window_params = [{transform_indices = #map}, {transform_indices = #map1}, {transform_indices = #map}, {transform_indices = #map}]} {
    %mul3A = arith.constant 2 : i32
    %mul3A_0 = arith.muli %arg1, %mul3A : i32
    %add3A = arith.addi %mul3A_0, %arg0 : i32
    %mul3A_1 = arith.constant 200 : i32
    %mul3A_2 = arith.muli %add3A, %mul3A_1 : i32
    "tpu.region"() ({
      %run_scoped3A = tpu.sem_alloc : memref<!tpu.dma_semaphore, #tpu.memory_space<semaphore_mem>>
      %dma_start3A = arith.constant 0 : i32
      %dma_start3A_112 = tpu.memref_slice %arg3[%mul3A_2, %dma_start3A] : memref<6400x128xi32, #tpu.memory_space<hbm>> -> memref<200x128xi32, #tpu.memory_space<hbm>>
      %dma_start3A_113 = arith.constant 0 : i32
      %dma_start3A_114 = tpu.memref_slice %arg3[%mul3A_2, %dma_start3A_113] : memref<6400x128xi32, #tpu.memory_space<hbm>> -> memref<200x128xi32, #tpu.memory_space<hbm>>
      tpu.enqueue_dma source(%dma_start3A_114 : memref<200x128xi32, #tpu.memory_space<hbm>>) target(%arg6 : memref<200x128xi32, #tpu.memory_space<vmem>>) target_semaphore(%run_scoped3A : memref<!tpu.dma_semaphore, #tpu.memory_space<semaphore_mem>>)
      %dma_wait3A = arith.constant 0 : i32
      %dma_wait3A_115 = tpu.memref_slice %arg3[%mul3A_2, %dma_wait3A] : memref<6400x128xi32, #tpu.memory_space<hbm>> -> memref<200x128xi32, #tpu.memory_space<hbm>>
      %dma_wait3A_116 = arith.constant 0 : i32
      %dma_wait3A_117 = tpu.memref_slice %arg3[%mul3A_2, %dma_wait3A_116] : memref<6400x128xi32, #tpu.memory_space<hbm>> -> memref<200x128xi32, #tpu.memory_space<hbm>>
      tpu.wait_dma2 semaphore(%run_scoped3A : memref<!tpu.dma_semaphore, #tpu.memory_space<semaphore_mem>>) src(%dma_wait3A_117 : memref<200x128xi32, #tpu.memory_space<hbm>>) dst(%arg6 : memref<200x128xi32, #tpu.memory_space<vmem>>)
      tpu.yield
    }) : () -> ()
    "tpu.region"() ({
      %run_scoped3A = tpu.sem_alloc : memref<!tpu.dma_semaphore, #tpu.memory_space<semaphore_mem>>
      tpu.enqueue_dma source(%arg4 : memref<16xf32, #tpu.memory_space<hbm>>) target(%arg9 : memref<16xf32, #tpu.memory_space<vmem>>) target_semaphore(%run_scoped3A : memref<!tpu.dma_semaphore, #tpu.memory_space<semaphore_mem>>)
      tpu.wait_dma2 semaphore(%run_scoped3A : memref<!tpu.dma_semaphore, #tpu.memory_space<semaphore_mem>>) src(%arg4 : memref<16xf32, #tpu.memory_space<hbm>>) dst(%arg9 : memref<16xf32, #tpu.memory_space<vmem>>)
      tpu.yield
    }) : () -> ()
    %iota3A = tpu.iota {dimensions = array<i32: 0>} : vector<16xi32>
    %get3A = arith.constant 0 : index
    %get3A_3 = tpu.vector_load %arg9[%get3A] {strides = array<i32>} : memref<16xf32, #tpu.memory_space<vmem>>, vector<16xf32>,
    %broadcast_in_dim3A = arith.constant 0.000000e+00 : f32
    %broadcast_in_dim3A_4 = vector.broadcast %broadcast_in_dim3A : f32 to vector<16xf32>
    %add3A_5 = arith.constant 8 : i32
    %add3A_6 = vector.broadcast %add3A_5 : i32 to vector<16xi32>
    %add3A_7 = arith.addi %iota3A, %add3A_6 : vector<16xi32>
    %jit3A = arith.constant 16 : i32
    %eq3A = arith.constant 0 : i32
    %eq3A_8 = arith.cmpi eq, %jit3A, %eq3A : i32
    %jit3A_9 = arith.constant 1 : i32
    %select_n3A = arith.select %eq3A_8, %jit3A_9, %jit3A : i32
    %rem3A = vector.broadcast %select_n3A : i32 to vector<16xi32>
    %rem3A_10 = arith.remsi %add3A_7, %rem3A : vector<16xi32>
    %ne3A = arith.constant 0 : i32
    %ne3A_11 = vector.broadcast %ne3A : i32 to vector<16xi32>
    %ne3A_12 = arith.cmpi ne, %rem3A_10, %ne3A_11 : vector<16xi32>
    %lt3A = arith.constant 0 : i32
    %lt3A_13 = vector.broadcast %lt3A : i32 to vector<16xi32>
    %lt3A_14 = arith.cmpi slt, %rem3A_10, %lt3A_13 : vector<16xi32>
    %lt3A_15 = arith.constant 0 : i32
    %lt3A_16 = arith.cmpi slt, %select_n3A, %lt3A_15 : i32
    %ne3A_17 = vector.broadcast %lt3A_16 : i1 to vector<16xi1>
    %ne3A_18 = vector.broadcast %ne3A_17 : vector<16xi1> to vector<16xi1>
    %ne3A_19 = arith.xori %lt3A_14, %ne3A_18 : vector<16xi1>
    %and3A = arith.andi %ne3A_19, %ne3A_12 : vector<16xi1>
    %add3A_20 = vector.broadcast %select_n3A : i32 to vector<16xi32>
    %add3A_21 = arith.addi %rem3A_10, %add3A_20 : vector<16xi32>
    %select_n3A_22 = arith.select %and3A, %add3A_21, %rem3A_10 : vector<16xi1>, vector<16xi32>
    %add3A_23 = arith.constant 4 : i32
    %add3A_24 = vector.broadcast %add3A_23 : i32 to vector<16xi32>
    %add3A_25 = arith.addi %iota3A, %add3A_24 : vector<16xi32>
    %jit3A_26 = arith.constant 16 : i32
    %eq3A_27 = arith.constant 0 : i32
    %eq3A_28 = arith.cmpi eq, %jit3A_26, %eq3A_27 : i32
    %jit3A_29 = arith.constant 1 : i32
    %select_n3A_30 = arith.select %eq3A_28, %jit3A_29, %jit3A_26 : i32
    %rem3A_31 = vector.broadcast %select_n3A_30 : i32 to vector<16xi32>
    %rem3A_32 = arith.remsi %add3A_25, %rem3A_31 : vector<16xi32>
    %ne3A_33 = arith.constant 0 : i32
    %ne3A_34 = vector.broadcast %ne3A_33 : i32 to vector<16xi32>
    %ne3A_35 = arith.cmpi ne, %rem3A_32, %ne3A_34 : vector<16xi32>
    %lt3A_36 = arith.constant 0 : i32
    %lt3A_37 = vector.broadcast %lt3A_36 : i32 to vector<16xi32>
    %lt3A_38 = arith.cmpi slt, %rem3A_32, %lt3A_37 : vector<16xi32>
    %lt3A_39 = arith.constant 0 : i32
    %lt3A_40 = arith.cmpi slt, %select_n3A_30, %lt3A_39 : i32
    %ne3A_41 = vector.broadcast %lt3A_40 : i1 to vector<16xi1>
    %ne3A_42 = vector.broadcast %ne3A_41 : vector<16xi1> to vector<16xi1>
    %ne3A_43 = arith.xori %lt3A_38, %ne3A_42 : vector<16xi1>
    %and3A_44 = arith.andi %ne3A_43, %ne3A_35 : vector<16xi1>
    %add3A_45 = vector.broadcast %select_n3A_30 : i32 to vector<16xi32>
    %add3A_46 = arith.addi %rem3A_32, %add3A_45 : vector<16xi32>
    %select_n3A_47 = arith.select %and3A_44, %add3A_46, %rem3A_32 : vector<16xi1>, vector<16xi32>
    %add3A_48 = arith.constant 2 : i32
    %add3A_49 = vector.broadcast %add3A_48 : i32 to vector<16xi32>
    %add3A_50 = arith.addi %iota3A, %add3A_49 : vector<16xi32>
    %jit3A_51 = arith.constant 16 : i32
    %eq3A_52 = arith.constant 0 : i32
    %eq3A_53 = arith.cmpi eq, %jit3A_51, %eq3A_52 : i32
    %jit3A_54 = arith.constant 1 : i32
    %select_n3A_55 = arith.select %eq3A_53, %jit3A_54, %jit3A_51 : i32
    %rem3A_56 = vector.broadcast %select_n3A_55 : i32 to vector<16xi32>
    %rem3A_57 = arith.remsi %add3A_50, %rem3A_56 : vector<16xi32>
    %ne3A_58 = arith.constant 0 : i32
    %ne3A_59 = vector.broadcast %ne3A_58 : i32 to vector<16xi32>
    %ne3A_60 = arith.cmpi ne, %rem3A_57, %ne3A_59 : vector<16xi32>
    %lt3A_61 = arith.constant 0 : i32
    %lt3A_62 = vector.broadcast %lt3A_61 : i32 to vector<16xi32>
    %lt3A_63 = arith.cmpi slt, %rem3A_57, %lt3A_62 : vector<16xi32>
    %lt3A_64 = arith.constant 0 : i32
    %lt3A_65 = arith.cmpi slt, %select_n3A_55, %lt3A_64 : i32
    %ne3A_66 = vector.broadcast %lt3A_65 : i1 to vector<16xi1>
    %ne3A_67 = vector.broadcast %ne3A_66 : vector<16xi1> to vector<16xi1>
    %ne3A_68 = arith.xori %lt3A_63, %ne3A_67 : vector<16xi1>
    %and3A_69 = arith.andi %ne3A_68, %ne3A_60 : vector<16xi1>
    %add3A_70 = vector.broadcast %select_n3A_55 : i32 to vector<16xi32>
    %add3A_71 = arith.addi %rem3A_57, %add3A_70 : vector<16xi32>
    %select_n3A_72 = arith.select %and3A_69, %add3A_71, %rem3A_57 : vector<16xi1>, vector<16xi32>
    %add3A_73 = arith.constant 1 : i32
    %add3A_74 = vector.broadcast %add3A_73 : i32 to vector<16xi32>
    %add3A_75 = arith.addi %iota3A, %add3A_74 : vector<16xi32>
    %jit3A_76 = arith.constant 16 : i32
    %eq3A_77 = arith.constant 0 : i32
    %eq3A_78 = arith.cmpi eq, %jit3A_76, %eq3A_77 : i32
    %jit3A_79 = arith.constant 1 : i32
    %select_n3A_80 = arith.select %eq3A_78, %jit3A_79, %jit3A_76 : i32
    %rem3A_81 = vector.broadcast %select_n3A_80 : i32 to vector<16xi32>
    %rem3A_82 = arith.remsi %add3A_75, %rem3A_81 : vector<16xi32>
    %ne3A_83 = arith.constant 0 : i32
    %ne3A_84 = vector.broadcast %ne3A_83 : i32 to vector<16xi32>
    %ne3A_85 = arith.cmpi ne, %rem3A_82, %ne3A_84 : vector<16xi32>
    %lt3A_86 = arith.constant 0 : i32
    %lt3A_87 = vector.broadcast %lt3A_86 : i32 to vector<16xi32>
    %lt3A_88 = arith.cmpi slt, %rem3A_82, %lt3A_87 : vector<16xi32>
    %lt3A_89 = arith.constant 0 : i32
    %lt3A_90 = arith.cmpi slt, %select_n3A_80, %lt3A_89 : i32
    %ne3A_91 = vector.broadcast %lt3A_90 : i1 to vector<16xi1>
    %ne3A_92 = vector.broadcast %ne3A_91 : vector<16xi1> to vector<16xi1>
    %ne3A_93 = arith.xori %lt3A_88, %ne3A_92 : vector<16xi1>
    %and3A_94 = arith.andi %ne3A_93, %ne3A_85 : vector<16xi1>
    %add3A_95 = vector.broadcast %select_n3A_80 : i32 to vector<16xi32>
    %add3A_96 = arith.addi %rem3A_82, %add3A_95 : vector<16xi32>
    %select_n3A_97 = arith.select %and3A_94, %add3A_96, %rem3A_82 : vector<16xi1>, vector<16xi32>
    %scan3A = arith.constant 0 : i32
    %scan3A_98 = arith.constant 0 : i32
    %scan3A_99 = arith.constant 25 : i32
    %scan3A_100 = arith.addi %scan3A_98, %scan3A_99 : i32
    %scan3A_101 = arith.constant 1 : i32
    scf.for %scan3A_112 = %scan3A_98 to %scan3A_100 step %scan3A_101  : i32 {
      %add3A_113 = arith.constant 0 : i32
      %add3A_114 = arith.addi %add3A_113, %scan3A_112 : i32
      %mul3A_115 = arith.constant 128 : i32
      %mul3A_116 = arith.muli %add3A_114, %mul3A_115 : i32
      %dma_start3A = arith.constant 0 : i32
      %dma_start3A_117 = tpu.memref_slice %arg7[%mul3A_116] : memref<25600xi32, #tpu.memory_space<vmem>> -> memref<128xi32, #tpu.memory_space<vmem>>
      %dma_start3A_118 = arith.constant 0 : i32
      %dma_start3A_119 = tpu.memref_slice %arg6[%add3A_114, %dma_start3A_118] : memref<200x128xi32, #tpu.memory_space<vmem>> -> memref<1x128xi32, #tpu.memory_space<vmem>>
      %dma_start3A_120 = tpu.memref_squeeze %dma_start3A_119 : memref<1x128xi32, #tpu.memory_space<vmem>> -> memref<128xi32, #tpu.memory_space<vmem>>
      %dma_start3A_121 = arith.constant 0 : i32
      %dma_start3A_122 = tpu.memref_slice %arg2[%dma_start3A_121] : memref<1015808xi32, #tpu.memory_space<hbm>> -> memref<1015808xi32, #tpu.memory_space<hbm>>
      %dma_start3A_123 = tpu.memref_slice %arg10[%dma_start3A] : memref<2x!tpu.dma_semaphore, #tpu.memory_space<semaphore_mem>> -> memref<1x!tpu.dma_semaphore, #tpu.memory_space<semaphore_mem>>
      %dma_start3A_124 = tpu.memref_squeeze %dma_start3A_123 : memref<1x!tpu.dma_semaphore, #tpu.memory_space<semaphore_mem>> -> memref<!tpu.dma_semaphore, #tpu.memory_space<semaphore_mem>>
      tpu.enqueue_indirect_dma source(%dma_start3A_122 : memref<1015808xi32, #tpu.memory_space<hbm>>) target(%dma_start3A_117 : memref<128xi32, #tpu.memory_space<vmem>>) offsets(%dma_start3A_120 : memref<128xi32, #tpu.memory_space<vmem>>) semaphore(%dma_start3A_124 : memref<!tpu.dma_semaphore, #tpu.memory_space<semaphore_mem>>)
    }
    %scan3A_102 = arith.constant 25 : i32
    %scan3A_103 = arith.constant 0 : i32
    %scan3A_104 = arith.constant -65536 : i32
    %scan3A_105 = arith.constant 0 : i32
    %scan3A_106 = arith.constant 8 : i32
    %scan3A_107 = arith.addi %scan3A_105, %scan3A_106 : i32
    %scan3A_108 = arith.constant 1 : i32
    scf.for %scan3A_112 = %scan3A_105 to %scan3A_107 step %scan3A_108  : i32 {
      %add3A_113 = arith.constant 1 : i32
      %add3A_114 = arith.addi %scan3A_112, %add3A_113 : i32
      %lt3A_115 = arith.constant 8 : i32
      %lt3A_116 = arith.cmpi slt, %add3A_114, %lt3A_115 : i32
      %convert_element_type3A = arith.extui %lt3A_116 : i1 to i32
      %cond3A = arith.constant 0 : i32
      %cond3A_117 = arith.cmpi ne, %convert_element_type3A, %cond3A : i32
      scf.if %cond3A_117 {
        %add3A_1198 = arith.constant 1 : i32
        %add3A_1199 = arith.addi %scan3A_112, %add3A_1198 : i32
        %scan3A_1200 = arith.constant 0 : i32
        %scan3A_1201 = arith.constant 0 : i32
        %scan3A_1202 = arith.constant 25 : i32
        %scan3A_1203 = arith.addi %scan3A_1201, %scan3A_1202 : i32
        %scan3A_1204 = arith.constant 1 : i32
        scf.for %scan3A_1206 = %scan3A_1201 to %scan3A_1203 step %scan3A_1204  : i32 {
          %mul3A_1207 = arith.constant 25 : i32
          %mul3A_1208 = arith.muli %add3A_1199, %mul3A_1207 : i32
          %add3A_1209 = arith.addi %mul3A_1208, %scan3A_1206 : i32
          %and3A_1210 = arith.constant 1 : i32
          %and3A_1211 = arith.andi %add3A_1199, %and3A_1210 : i32
          %mul3A_1212 = arith.constant 128 : i32
          %mul3A_1213 = arith.muli %add3A_1209, %mul3A_1212 : i32
          %dma_start3A = tpu.memref_slice %arg7[%mul3A_1213] : memref<25600xi32, #tpu.memory_space<vmem>> -> memref<128xi32, #tpu.memory_space<vmem>>
          %dma_start3A_1214 = arith.constant 0 : i32
          %dma_start3A_1215 = tpu.memref_slice %arg6[%add3A_1209, %dma_start3A_1214] : memref<200x128xi32, #tpu.memory_space<vmem>> -> memref<1x128xi32, #tpu.memory_space<vmem>>
          %dma_start3A_1216 = tpu.memref_squeeze %dma_start3A_1215 : memref<1x128xi32, #tpu.memory_space<vmem>> -> memref<128xi32, #tpu.memory_space<vmem>>
          %dma_start3A_1217 = arith.constant 0 : i32
          %dma_start3A_1218 = tpu.memref_slice %arg2[%dma_start3A_1217] : memref<1015808xi32, #tpu.memory_space<hbm>> -> memref<1015808xi32, #tpu.memory_space<hbm>>
          %dma_start3A_1219 = tpu.memref_slice %arg10[%and3A_1211] : memref<2x!tpu.dma_semaphore, #tpu.memory_space<semaphore_mem>> -> memref<1x!tpu.dma_semaphore, #tpu.memory_space<semaphore_mem>>
          %dma_start3A_1220 = tpu.memref_squeeze %dma_start3A_1219 : memref<1x!tpu.dma_semaphore, #tpu.memory_space<semaphore_mem>> -> memref<!tpu.dma_semaphore, #tpu.memory_space<semaphore_mem>>
          tpu.enqueue_indirect_dma source(%dma_start3A_1218 : memref<1015808xi32, #tpu.memory_space<hbm>>) target(%dma_start3A : memref<128xi32, #tpu.memory_space<vmem>>) offsets(%dma_start3A_1216 : memref<128xi32, #tpu.memory_space<vmem>>) semaphore(%dma_start3A_1220 : memref<!tpu.dma_semaphore, #tpu.memory_space<semaphore_mem>>)
        }
        %scan3A_1205 = arith.constant 25 : i32
      } else {
      }
      %scan3A_118 = arith.constant 0 : i32
      %scan3A_119 = arith.constant 0 : i32
      %scan3A_120 = arith.constant 25 : i32
      %scan3A_121 = arith.addi %scan3A_119, %scan3A_120 : i32
      %scan3A_122 = arith.constant 1 : i32
      scf.for %scan3A_1198 = %scan3A_119 to %scan3A_121 step %scan3A_122  : i32 {
        %mul3A_1199 = arith.constant 25 : i32
        %mul3A_1200 = arith.muli %scan3A_112, %mul3A_1199 : i32
        %add3A_1201 = arith.addi %mul3A_1200, %scan3A_1198 : i32
        %and3A_1202 = arith.constant 1 : i32
        %and3A_1203 = arith.andi %scan3A_112, %and3A_1202 : i32
        %mul3A_1204 = arith.constant 128 : i32
        %mul3A_1205 = arith.muli %add3A_1201, %mul3A_1204 : i32
        %dma_wait3A = tpu.memref_slice %arg7[%mul3A_1205] : memref<25600xi32, #tpu.memory_space<vmem>> -> memref<128xi32, #tpu.memory_space<vmem>>
        %dma_wait3A_1206 = arith.constant 0 : i32
        %dma_wait3A_1207 = tpu.memref_slice %arg6[%add3A_1201, %dma_wait3A_1206] : memref<200x128xi32, #tpu.memory_space<vmem>> -> memref<1x128xi32, #tpu.memory_space<vmem>>
        %dma_wait3A_1208 = tpu.memref_squeeze %dma_wait3A_1207 : memref<1x128xi32, #tpu.memory_space<vmem>> -> memref<128xi32, #tpu.memory_space<vmem>>
        %dma_wait3A_1209 = arith.constant 0 : i32
        %dma_wait3A_1210 = tpu.memref_slice %arg2[%dma_wait3A_1209] : memref<1015808xi32, #tpu.memory_space<hbm>> -> memref<1015808xi32, #tpu.memory_space<hbm>>
        %dma_wait3A_1211 = tpu.memref_slice %arg10[%and3A_1203] : memref<2x!tpu.dma_semaphore, #tpu.memory_space<semaphore_mem>> -> memref<1x!tpu.dma_semaphore, #tpu.memory_space<semaphore_mem>>
        %dma_wait3A_1212 = tpu.memref_squeeze %dma_wait3A_1211 : memref<1x!tpu.dma_semaphore, #tpu.memory_space<semaphore_mem>> -> memref<!tpu.dma_semaphore, #tpu.memory_space<semaphore_mem>>
        tpu.wait_indirect_dma semaphore(%dma_wait3A_1212 : memref<!tpu.dma_semaphore, #tpu.memory_space<semaphore_mem>>) src(%dma_wait3A_1210 : memref<1015808xi32, #tpu.memory_space<hbm>>) dst(%dma_wait3A : memref<128xi32, #tpu.memory_space<vmem>>)
      }
      %scan3A_123 = arith.constant 25 : i32
      %mul3A_124 = arith.constant 2 : i32
      %mul3A_125 = arith.muli %mul3A_124, %scan3A_112 : i32
      %mul3A_126 = arith.constant 4 : i32
      %mul3A_127 = arith.muli %mul3A_125, %mul3A_126 : i32
      %add3A_128 = arith.constant 0 : i32
      %add3A_129 = arith.addi %mul3A_127, %add3A_128 : i32
      %mul3A_130 = arith.constant 400 : i32
      %mul3A_131 = arith.muli %add3A_129, %mul3A_130 : i32
      %scan3A_132 = arith.constant 0 : i32
      %scan3A_133 = arith.constant 12 : i32
      %scan3A_134 = arith.addi %scan3A_132, %scan3A_133 : i32
      %scan3A_135 = arith.constant 1 : i32
      %scan3A_136:2 = scf.for %scan3A_1198 = %scan3A_132 to %scan3A_134 step %scan3A_135 iter_args(%scan3A_1199 = %broadcast_in_dim3A_4, %scan3A_1200 = %broadcast_in_dim3A_4) -> (vector<16xf32>, vector<16xf32>)  : i32 {
        %mul3A_1201 = arith.constant 16 : i32
        %mul3A_1202 = arith.muli %scan3A_1198, %mul3A_1201 : i32
        %add3A_1203 = arith.addi %mul3A_131, %mul3A_1202 : i32
        %get3A_1204 = arith.index_cast %add3A_1203 : i32 to index
        %get3A_1205 = tpu.vector_load %arg7[%get3A_1204] {strides = array<i32>} : memref<25600xi32, #tpu.memory_space<vmem>>, vector<16xi32>,
        %shift_left3A_1206 = arith.constant 16 : i32
        %shift_left3A_1207 = vector.broadcast %shift_left3A_1206 : i32 to vector<16xi32>
        %shift_left3A_1208 = arith.shli %get3A_1205, %shift_left3A_1207 : vector<16xi32>
        %bitcast3A_1209 = vector.bitcast %shift_left3A_1208 : vector<16xi32> to vector<16xf32>
        %and3A_1210 = vector.broadcast %scan3A_104 : i32 to vector<16xi32>
        %and3A_1211 = arith.andi %get3A_1205, %and3A_1210 : vector<16xi32>
        %bitcast3A_1212 = vector.bitcast %and3A_1211 : vector<16xi32> to vector<16xf32>
        %add3A_1213 = arith.addf %scan3A_1199, %bitcast3A_1209 : vector<16xf32>
        %add3A_1214 = arith.addf %scan3A_1200, %bitcast3A_1212 : vector<16xf32>
        scf.yield %add3A_1213, %add3A_1214 : vector<16xf32>, vector<16xf32>
      }
      %scan3A_137 = arith.constant 12 : i32
      %add3A_138 = arith.constant 192 : i32
      %add3A_139 = arith.addi %mul3A_131, %add3A_138 : i32
      %get3A_140 = arith.index_cast %add3A_139 : i32 to index
      %get3A_141 = tpu.vector_load %arg7[%get3A_140] {strides = array<i32>} : memref<25600xi32, #tpu.memory_space<vmem>>, vector<16xi32>,
      %shift_left3A = arith.constant 16 : i32
      %shift_left3A_142 = vector.broadcast %shift_left3A : i32 to vector<16xi32>
      %shift_left3A_143 = arith.shli %get3A_141, %shift_left3A_142 : vector<16xi32>
      %bitcast3A = vector.bitcast %shift_left3A_143 : vector<16xi32> to vector<16xf32>
      %and3A_144 = vector.broadcast %scan3A_104 : i32 to vector<16xi32>
      %and3A_145 = arith.andi %get3A_141, %and3A_144 : vector<16xi32>
      %bitcast3A_146 = vector.bitcast %and3A_145 : vector<16xi32> to vector<16xf32>
      %lt3A_147 = arith.constant 8 : i32
      %lt3A_148 = vector.broadcast %lt3A_147 : i32 to vector<16xi32>
      %lt3A_149 = arith.cmpi slt, %iota3A, %lt3A_148 : vector<16xi32>
      %select_n3A_150 = arith.select %lt3A_149, %bitcast3A, %broadcast_in_dim3A_4 : vector<16xi1>, vector<16xf32>
      %add3A_151 = arith.addf %scan3A_136#0, %select_n3A_150 : vector<16xf32>
      %select_n3A_152 = arith.select %lt3A_149, %bitcast3A_146, %broadcast_in_dim3A_4 : vector<16xi1>, vector<16xf32>
      %add3A_153 = arith.addf %scan3A_136#1, %select_n3A_152 : vector<16xf32>
      %select_n3A_154 = arith.select %lt3A_149, %broadcast_in_dim3A_4, %bitcast3A : vector<16xi1>, vector<16xf32>
      %select_n3A_155 = arith.select %lt3A_149, %broadcast_in_dim3A_4, %bitcast3A_146 : vector<16xi1>, vector<16xf32>
      %scan3A_156 = arith.constant 13 : i32
      %scan3A_157 = arith.constant 12 : i32
      %scan3A_158 = arith.addi %scan3A_156, %scan3A_157 : i32
      %scan3A_159 = arith.constant 1 : i32
      %scan3A_160:2 = scf.for %scan3A_1198 = %scan3A_156 to %scan3A_158 step %scan3A_159 iter_args(%scan3A_1199 = %select_n3A_154, %scan3A_1200 = %select_n3A_155) -> (vector<16xf32>, vector<16xf32>)  : i32 {
        %mul3A_1201 = arith.constant 16 : i32
        %mul3A_1202 = arith.muli %scan3A_1198, %mul3A_1201 : i32
        %add3A_1203 = arith.addi %mul3A_131, %mul3A_1202 : i32
        %get3A_1204 = arith.index_cast %add3A_1203 : i32 to index
        %get3A_1205 = tpu.vector_load %arg7[%get3A_1204] {strides = array<i32>} : memref<25600xi32, #tpu.memory_space<vmem>>, vector<16xi32>,
        %shift_left3A_1206 = arith.constant 16 : i32
        %shift_left3A_1207 = vector.broadcast %shift_left3A_1206 : i32 to vector<16xi32>
        %shift_left3A_1208 = arith.shli %get3A_1205, %shift_left3A_1207 : vector<16xi32>
        %bitcast3A_1209 = vector.bitcast %shift_left3A_1208 : vector<16xi32> to vector<16xf32>
        %and3A_1210 = vector.broadcast %scan3A_104 : i32 to vector<16xi32>
        %and3A_1211 = arith.andi %get3A_1205, %and3A_1210 : vector<16xi32>
        %bitcast3A_1212 = vector.bitcast %and3A_1211 : vector<16xi32> to vector<16xf32>
        %add3A_1213 = arith.addf %scan3A_1199, %bitcast3A_1209 : vector<16xf32>
        %add3A_1214 = arith.addf %scan3A_1200, %bitcast3A_1212 : vector<16xf32>
        scf.yield %add3A_1213, %add3A_1214 : vector<16xf32>, vector<16xf32>
      }
      %scan3A_161 = arith.constant 12 : i32
      %broadcast_in_dim3A_162 = vector.shape_cast %select_n3A_22 : vector<16xi32> to vector<16x1xi32>
      %gather3A = vector.shape_cast %broadcast_in_dim3A_162 : vector<16x1xi32> to vector<16xi32>
      %gather3A_163 = tpu.dynamic_gather %add3A_151[%gather3A] in [0] : vector<16xf32>, vector<16xi32> -> vector<16xf32>
      %add3A_164 = arith.addf %add3A_151, %gather3A_163 : vector<16xf32>
      %broadcast_in_dim3A_165 = vector.shape_cast %select_n3A_47 : vector<16xi32> to vector<16x1xi32>
      %gather3A_166 = vector.shape_cast %broadcast_in_dim3A_165 : vector<16x1xi32> to vector<16xi32>
      %gather3A_167 = tpu.dynamic_gather %add3A_164[%gather3A_166] in [0] : vector<16xf32>, vector<16xi32> -> vector<16xf32>
      %add3A_168 = arith.addf %add3A_164, %gather3A_167 : vector<16xf32>
      %broadcast_in_dim3A_169 = vector.shape_cast %select_n3A_72 : vector<16xi32> to vector<16x1xi32>
      %gather3A_170 = vector.shape_cast %broadcast_in_dim3A_169 : vector<16x1xi32> to vector<16xi32>
      %gather3A_171 = tpu.dynamic_gather %add3A_168[%gather3A_170] in [0] : vector<16xf32>, vector<16xi32> -> vector<16xf32>
      %add3A_172 = arith.addf %add3A_168, %gather3A_171 : vector<16xf32>
      %broadcast_in_dim3A_173 = vector.shape_cast %select_n3A_97 : vector<16xi32> to vector<16x1xi32>
      %gather3A_174 = vector.shape_cast %broadcast_in_dim3A_173 : vector<16x1xi32> to vector<16xi32>
      %gather3A_175 = tpu.dynamic_gather %add3A_172[%gather3A_174] in [0] : vector<16xf32>, vector<16xi32> -> vector<16xf32>
      %add3A_176 = arith.addf %add3A_172, %gather3A_175 : vector<16xf32>
      %broadcast_in_dim3A_177 = vector.shape_cast %select_n3A_22 : vector<16xi32> to vector<16x1xi32>
      %gather3A_178 = vector.shape_cast %broadcast_in_dim3A_177 : vector<16x1xi32> to vector<16xi32>
      %gather3A_179 = tpu.dynamic_gather %add3A_153[%gather3A_178] in [0] : vector<16xf32>, vector<16xi32> -> vector<16xf32>
      %add3A_180 = arith.addf %add3A_153, %gather3A_179 : vector<16xf32>
      %broadcast_in_dim3A_181 = vector.shape_cast %select_n3A_47 : vector<16xi32> to vector<16x1xi32>
      %gather3A_182 = vector.shape_cast %broadcast_in_dim3A_181 : vector<16x1xi32> to vector<16xi32>
      %gather3A_183 = tpu.dynamic_gather %add3A_180[%gather3A_182] in [0] : vector<16xf32>, vector<16xi32> -> vector<16xf32>
      %add3A_184 = arith.addf %add3A_180, %gather3A_183 : vector<16xf32>
      %broadcast_in_dim3A_185 = vector.shape_cast %select_n3A_72 : vector<16xi32> to vector<16x1xi32>
      %gather3A_186 = vector.shape_cast %broadcast_in_dim3A_185 : vector<16x1xi32> to vector<16xi32>
      %gather3A_187 = tpu.dynamic_gather %add3A_184[%gather3A_186] in [0] : vector<16xf32>, vector<16xi32> -> vector<16xf32>
      %add3A_188 = arith.addf %add3A_184, %gather3A_187 : vector<16xf32>
      %broadcast_in_dim3A_189 = vector.shape_cast %select_n3A_97 : vector<16xi32> to vector<16x1xi32>
      %gather3A_190 = vector.shape_cast %broadcast_in_dim3A_189 : vector<16x1xi32> to vector<16xi32>
      %gather3A_191 = tpu.dynamic_gather %add3A_188[%gather3A_190] in [0] : vector<16xf32>, vector<16xi32> -> vector<16xf32>
      %add3A_192 = arith.addf %add3A_188, %gather3A_191 : vector<16xf32>
      %broadcast_in_dim3A_193 = vector.shape_cast %select_n3A_22 : vector<16xi32> to vector<16x1xi32>
      %gather3A_194 = vector.shape_cast %broadcast_in_dim3A_193 : vector<16x1xi32> to vector<16xi32>
      %gather3A_195 = tpu.dynamic_gather %scan3A_160#0[%gather3A_194] in [0] : vector<16xf32>, vector<16xi32> -> vector<16xf32>
      %add3A_196 = arith.addf %scan3A_160#0, %gather3A_195 : vector<16xf32>
      %broadcast_in_dim3A_197 = vector.shape_cast %select_n3A_47 : vector<16xi32> to vector<16x1xi32>
      %gather3A_198 = vector.shape_cast %broadcast_in_dim3A_197 : vector<16x1xi32> to vector<16xi32>
      %gather3A_199 = tpu.dynamic_gather %add3A_196[%gather3A_198] in [0] : vector<16xf32>, vector<16xi32> -> vector<16xf32>
      %add3A_200 = arith.addf %add3A_196, %gather3A_199 : vector<16xf32>
      %broadcast_in_dim3A_201 = vector.shape_cast %select_n3A_72 : vector<16xi32> to vector<16x1xi32>
      %gather3A_202 = vector.shape_cast %broadcast_in_dim3A_201 : vector<16x1xi32> to vector<16xi32>
      %gather3A_203 = tpu.dynamic_gather %add3A_200[%gather3A_202] in [0] : vector<16xf32>, vector<16xi32> -> vector<16xf32>
      %add3A_204 = arith.addf %add3A_200, %gather3A_203 : vector<16xf32>
      %broadcast_in_dim3A_205 = vector.shape_cast %select_n3A_97 : vector<16xi32> to vector<16x1xi32>
      %gather3A_206 = vector.shape_cast %broadcast_in_dim3A_205 : vector<16x1xi32> to vector<16xi32>
      %gather3A_207 = tpu.dynamic_gather %add3A_204[%gather3A_206] in [0] : vector<16xf32>, vector<16xi32> -> vector<16xf32>
      %add3A_208 = arith.addf %add3A_204, %gather3A_207 : vector<16xf32>
      %broadcast_in_dim3A_209 = vector.shape_cast %select_n3A_22 : vector<16xi32> to vector<16x1xi32>
      %gather3A_210 = vector.shape_cast %broadcast_in_dim3A_209 : vector<16x1xi32> to vector<16xi32>
      %gather3A_211 = tpu.dynamic_gather %scan3A_160#1[%gather3A_210] in [0] : vector<16xf32>, vector<16xi32> -> vector<16xf32>
      %add3A_212 = arith.addf %scan3A_160#1, %gather3A_211 : vector<16xf32>
      %broadcast_in_dim3A_213 = vector.shape_cast %select_n3A_47 : vector<16xi32> to vector<16x1xi32>
      %gather3A_214 = vector.shape_cast %broadcast_in_dim3A_213 : vector<16x1xi32> to vector<16xi32>
      %gather3A_215 = tpu.dynamic_gather %add3A_212[%gather3A_214] in [0] : vector<16xf32>, vector<16xi32> -> vector<16xf32>
      %add3A_216 = arith.addf %add3A_212, %gather3A_215 : vector<16xf32>
      %broadcast_in_dim3A_217 = vector.shape_cast %select_n3A_72 : vector<16xi32> to vector<16x1xi32>
      %gather3A_218 = vector.shape_cast %broadcast_in_dim3A_217 : vector<16x1xi32> to vector<16xi32>
      %gather3A_219 = tpu.dynamic_gather %add3A_216[%gather3A_218] in [0] : vector<16xf32>, vector<16xi32> -> vector<16xf32>
      %add3A_220 = arith.addf %add3A_216, %gather3A_219 : vector<16xf32>
      %broadcast_in_dim3A_221 = vector.shape_cast %select_n3A_97 : vector<16xi32> to vector<16x1xi32>
      %gather3A_222 = vector.shape_cast %broadcast_in_dim3A_221 : vector<16x1xi32> to vector<16xi32>
      %gather3A_223 = tpu.dynamic_gather %add3A_220[%gather3A_222] in [0] : vector<16xf32>, vector<16xi32> -> vector<16xf32>
      %add3A_224 = arith.addf %add3A_220, %gather3A_223 : vector<16xf32>
      %and3A_225 = arith.constant 1 : i32
      %and3A_226 = vector.broadcast %and3A_225 : i32 to vector<16xi32>
      %and3A_227 = arith.andi %iota3A, %and3A_226 : vector<16xi32>
      %eq3A_228 = arith.constant 0 : i32
      %eq3A_229 = vector.broadcast %eq3A_228 : i32 to vector<16xi32>
      %eq3A_230 = arith.cmpi eq, %and3A_227, %eq3A_229 : vector<16xi32>
      %select_n3A_231 = arith.select %eq3A_230, %add3A_176, %add3A_192 : vector<16xi1>, vector<16xf32>
      %and3A_232 = arith.constant 1 : i32
      %and3A_233 = vector.broadcast %and3A_232 : i32 to vector<16xi32>
      %and3A_234 = arith.andi %iota3A, %and3A_233 : vector<16xi32>
      %eq3A_235 = arith.constant 0 : i32
      %eq3A_236 = vector.broadcast %eq3A_235 : i32 to vector<16xi32>
      %eq3A_237 = arith.cmpi eq, %and3A_234, %eq3A_236 : vector<16xi32>
      %select_n3A_238 = arith.select %eq3A_237, %add3A_208, %add3A_224 : vector<16xi1>, vector<16xf32>
      %and3A_239 = arith.constant 2 : i32
      %and3A_240 = vector.broadcast %and3A_239 : i32 to vector<16xi32>
      %and3A_241 = arith.andi %iota3A, %and3A_240 : vector<16xi32>
      %eq3A_242 = arith.constant 0 : i32
      %eq3A_243 = vector.broadcast %eq3A_242 : i32 to vector<16xi32>
      %eq3A_244 = arith.cmpi eq, %and3A_241, %eq3A_243 : vector<16xi32>
      %select_n3A_245 = arith.select %eq3A_244, %select_n3A_231, %select_n3A_238 : vector<16xi1>, vector<16xf32>
      %shift_right_arithmetic3A = arith.constant 2 : i32
      %shift_right_arithmetic3A_246 = vector.broadcast %shift_right_arithmetic3A : i32 to vector<16xi32>
      %shift_right_arithmetic3A_247 = arith.shrsi %iota3A, %shift_right_arithmetic3A_246 : vector<16xi32>
      %eq3A_248 = arith.constant 0 : i32
      %eq3A_249 = vector.broadcast %eq3A_248 : i32 to vector<16xi32>
      %eq3A_250 = arith.cmpi eq, %shift_right_arithmetic3A_247, %eq3A_249 : vector<16xi32>
      %select_n3A_251 = arith.select %eq3A_250, %select_n3A_245, %broadcast_in_dim3A_4 : vector<16xi1>, vector<16xf32>
      %mul3A_252 = arith.constant 4 : i32
      %mul3A_253 = arith.muli %mul3A_125, %mul3A_252 : i32
      %add3A_254 = arith.constant 1 : i32
      %add3A_255 = arith.addi %mul3A_253, %add3A_254 : i32
      %mul3A_256 = arith.constant 400 : i32
      %mul3A_257 = arith.muli %add3A_255, %mul3A_256 : i32
      %scan3A_258 = arith.constant 0 : i32
      %scan3A_259 = arith.constant 12 : i32
      %scan3A_260 = arith.addi %scan3A_258, %scan3A_259 : i32
      %scan3A_261 = arith.constant 1 : i32
      %scan3A_262:2 = scf.for %scan3A_1198 = %scan3A_258 to %scan3A_260 step %scan3A_261 iter_args(%scan3A_1199 = %broadcast_in_dim3A_4, %scan3A_1200 = %broadcast_in_dim3A_4) -> (vector<16xf32>, vector<16xf32>)  : i32 {
        %mul3A_1201 = arith.constant 16 : i32
        %mul3A_1202 = arith.muli %scan3A_1198, %mul3A_1201 : i32
        %add3A_1203 = arith.addi %mul3A_257, %mul3A_1202 : i32
        %get3A_1204 = arith.index_cast %add3A_1203 : i32 to index
        %get3A_1205 = tpu.vector_load %arg7[%get3A_1204] {strides = array<i32>} : memref<25600xi32, #tpu.memory_space<vmem>>, vector<16xi32>,
        %shift_left3A_1206 = arith.constant 16 : i32
        %shift_left3A_1207 = vector.broadcast %shift_left3A_1206 : i32 to vector<16xi32>
        %shift_left3A_1208 = arith.shli %get3A_1205, %shift_left3A_1207 : vector<16xi32>
        %bitcast3A_1209 = vector.bitcast %shift_left3A_1208 : vector<16xi32> to vector<16xf32>
        %and3A_1210 = vector.broadcast %scan3A_104 : i32 to vector<16xi32>
        %and3A_1211 = arith.andi %get3A_1205, %and3A_1210 : vector<16xi32>
        %bitcast3A_1212 = vector.bitcast %and3A_1211 : vector<16xi32> to vector<16xf32>
        %add3A_1213 = arith.addf %scan3A_1199, %bitcast3A_1209 : vector<16xf32>
        %add3A_1214 = arith.addf %scan3A_1200, %bitcast3A_1212 : vector<16xf32>
        scf.yield %add3A_1213, %add3A_1214 : vector<16xf32>, vector<16xf32>
      }
      %scan3A_263 = arith.constant 12 : i32
      %add3A_264 = arith.constant 192 : i32
      %add3A_265 = arith.addi %mul3A_257, %add3A_264 : i32
      %get3A_266 = arith.index_cast %add3A_265 : i32 to index
      %get3A_267 = tpu.vector_load %arg7[%get3A_266] {strides = array<i32>} : memref<25600xi32, #tpu.memory_space<vmem>>, vector<16xi32>,
      %shift_left3A_268 = arith.constant 16 : i32
      %shift_left3A_269 = vector.broadcast %shift_left3A_268 : i32 to vector<16xi32>
      %shift_left3A_270 = arith.shli %get3A_267, %shift_left3A_269 : vector<16xi32>
      %bitcast3A_271 = vector.bitcast %shift_left3A_270 : vector<16xi32> to vector<16xf32>
      %and3A_272 = vector.broadcast %scan3A_104 : i32 to vector<16xi32>
      %and3A_273 = arith.andi %get3A_267, %and3A_272 : vector<16xi32>
      %bitcast3A_274 = vector.bitcast %and3A_273 : vector<16xi32> to vector<16xf32>
      %lt3A_275 = arith.constant 8 : i32
      %lt3A_276 = vector.broadcast %lt3A_275 : i32 to vector<16xi32>
      %lt3A_277 = arith.cmpi slt, %iota3A, %lt3A_276 : vector<16xi32>
      %select_n3A_278 = arith.select %lt3A_277, %bitcast3A_271, %broadcast_in_dim3A_4 : vector<16xi1>, vector<16xf32>
      %add3A_279 = arith.addf %scan3A_262#0, %select_n3A_278 : vector<16xf32>
      %select_n3A_280 = arith.select %lt3A_277, %bitcast3A_274, %broadcast_in_dim3A_4 : vector<16xi1>, vector<16xf32>
      %add3A_281 = arith.addf %scan3A_262#1, %select_n3A_280 : vector<16xf32>
      %select_n3A_282 = arith.select %lt3A_277, %broadcast_in_dim3A_4, %bitcast3A_271 : vector<16xi1>, vector<16xf32>
      %select_n3A_283 = arith.select %lt3A_277, %broadcast_in_dim3A_4, %bitcast3A_274 : vector<16xi1>, vector<16xf32>
      %scan3A_284 = arith.constant 13 : i32
      %scan3A_285 = arith.constant 12 : i32
      %scan3A_286 = arith.addi %scan3A_284, %scan3A_285 : i32
      %scan3A_287 = arith.constant 1 : i32
      %scan3A_288:2 = scf.for %scan3A_1198 = %scan3A_284 to %scan3A_286 step %scan3A_287 iter_args(%scan3A_1199 = %select_n3A_282, %scan3A_1200 = %select_n3A_283) -> (vector<16xf32>, vector<16xf32>)  : i32 {
        %mul3A_1201 = arith.constant 16 : i32
        %mul3A_1202 = arith.muli %scan3A_1198, %mul3A_1201 : i32
        %add3A_1203 = arith.addi %mul3A_257, %mul3A_1202 : i32
        %get3A_1204 = arith.index_cast %add3A_1203 : i32 to index
        %get3A_1205 = tpu.vector_load %arg7[%get3A_1204] {strides = array<i32>} : memref<25600xi32, #tpu.memory_space<vmem>>, vector<16xi32>,
        %shift_left3A_1206 = arith.constant 16 : i32
        %shift_left3A_1207 = vector.broadcast %shift_left3A_1206 : i32 to vector<16xi32>
        %shift_left3A_1208 = arith.shli %get3A_1205, %shift_left3A_1207 : vector<16xi32>
        %bitcast3A_1209 = vector.bitcast %shift_left3A_1208 : vector<16xi32> to vector<16xf32>
        %and3A_1210 = vector.broadcast %scan3A_104 : i32 to vector<16xi32>
        %and3A_1211 = arith.andi %get3A_1205, %and3A_1210 : vector<16xi32>
        %bitcast3A_1212 = vector.bitcast %and3A_1211 : vector<16xi32> to vector<16xf32>
        %add3A_1213 = arith.addf %scan3A_1199, %bitcast3A_1209 : vector<16xf32>
        %add3A_1214 = arith.addf %scan3A_1200, %bitcast3A_1212 : vector<16xf32>
        scf.yield %add3A_1213, %add3A_1214 : vector<16xf32>, vector<16xf32>
      }
      %scan3A_289 = arith.constant 12 : i32
      %broadcast_in_dim3A_290 = vector.shape_cast %select_n3A_22 : vector<16xi32> to vector<16x1xi32>
      %gather3A_291 = vector.shape_cast %broadcast_in_dim3A_290 : vector<16x1xi32> to vector<16xi32>
      %gather3A_292 = tpu.dynamic_gather %add3A_279[%gather3A_291] in [0] : vector<16xf32>, vector<16xi32> -> vector<16xf32>
      %add3A_293 = arith.addf %add3A_279, %gather3A_292 : vector<16xf32>
      %broadcast_in_dim3A_294 = vector.shape_cast %select_n3A_47 : vector<16xi32> to vector<16x1xi32>
      %gather3A_295 = vector.shape_cast %broadcast_in_dim3A_294 : vector<16x1xi32> to vector<16xi32>
      %gather3A_296 = tpu.dynamic_gather %add3A_293[%gather3A_295] in [0] : vector<16xf32>, vector<16xi32> -> vector<16xf32>
      %add3A_297 = arith.addf %add3A_293, %gather3A_296 : vector<16xf32>
      %broadcast_in_dim3A_298 = vector.shape_cast %select_n3A_72 : vector<16xi32> to vector<16x1xi32>
      %gather3A_299 = vector.shape_cast %broadcast_in_dim3A_298 : vector<16x1xi32> to vector<16xi32>
      %gather3A_300 = tpu.dynamic_gather %add3A_297[%gather3A_299] in [0] : vector<16xf32>, vector<16xi32> -> vector<16xf32>
      %add3A_301 = arith.addf %add3A_297, %gather3A_300 : vector<16xf32>
      %broadcast_in_dim3A_302 = vector.shape_cast %select_n3A_97 : vector<16xi32> to vector<16x1xi32>
      %gather3A_303 = vector.shape_cast %broadcast_in_dim3A_302 : vector<16x1xi32> to vector<16xi32>
      %gather3A_304 = tpu.dynamic_gather %add3A_301[%gather3A_303] in [0] : vector<16xf32>, vector<16xi32> -> vector<16xf32>
      %add3A_305 = arith.addf %add3A_301, %gather3A_304 : vector<16xf32>
      %broadcast_in_dim3A_306 = vector.shape_cast %select_n3A_22 : vector<16xi32> to vector<16x1xi32>
      %gather3A_307 = vector.shape_cast %broadcast_in_dim3A_306 : vector<16x1xi32> to vector<16xi32>
      %gather3A_308 = tpu.dynamic_gather %add3A_281[%gather3A_307] in [0] : vector<16xf32>, vector<16xi32> -> vector<16xf32>
      %add3A_309 = arith.addf %add3A_281, %gather3A_308 : vector<16xf32>
      %broadcast_in_dim3A_310 = vector.shape_cast %select_n3A_47 : vector<16xi32> to vector<16x1xi32>
      %gather3A_311 = vector.shape_cast %broadcast_in_dim3A_310 : vector<16x1xi32> to vector<16xi32>
      %gather3A_312 = tpu.dynamic_gather %add3A_309[%gather3A_311] in [0] : vector<16xf32>, vector<16xi32> -> vector<16xf32>
      %add3A_313 = arith.addf %add3A_309, %gather3A_312 : vector<16xf32>
      %broadcast_in_dim3A_314 = vector.shape_cast %select_n3A_72 : vector<16xi32> to vector<16x1xi32>
      %gather3A_315 = vector.shape_cast %broadcast_in_dim3A_314 : vector<16x1xi32> to vector<16xi32>
      %gather3A_316 = tpu.dynamic_gather %add3A_313[%gather3A_315] in [0] : vector<16xf32>, vector<16xi32> -> vector<16xf32>
      %add3A_317 = arith.addf %add3A_313, %gather3A_316 : vector<16xf32>
      %broadcast_in_dim3A_318 = vector.shape_cast %select_n3A_97 : vector<16xi32> to vector<16x1xi32>
      %gather3A_319 = vector.shape_cast %broadcast_in_dim3A_318 : vector<16x1xi32> to vector<16xi32>
      %gather3A_320 = tpu.dynamic_gather %add3A_317[%gather3A_319] in [0] : vector<16xf32>, vector<16xi32> -> vector<16xf32>
      %add3A_321 = arith.addf %add3A_317, %gather3A_320 : vector<16xf32>
      %broadcast_in_dim3A_322 = vector.shape_cast %select_n3A_22 : vector<16xi32> to vector<16x1xi32>
      %gather3A_323 = vector.shape_cast %broadcast_in_dim3A_322 : vector<16x1xi32> to vector<16xi32>
      %gather3A_324 = tpu.dynamic_gather %scan3A_288#0[%gather3A_323] in [0] : vector<16xf32>, vector<16xi32> -> vector<16xf32>
      %add3A_325 = arith.addf %scan3A_288#0, %gather3A_324 : vector<16xf32>
      %broadcast_in_dim3A_326 = vector.shape_cast %select_n3A_47 : vector<16xi32> to vector<16x1xi32>
      %gather3A_327 = vector.shape_cast %broadcast_in_dim3A_326 : vector<16x1xi32> to vector<16xi32>
      %gather3A_328 = tpu.dynamic_gather %add3A_325[%gather3A_327] in [0] : vector<16xf32>, vector<16xi32> -> vector<16xf32>
      %add3A_329 = arith.addf %add3A_325, %gather3A_328 : vector<16xf32>
      %broadcast_in_dim3A_330 = vector.shape_cast %select_n3A_72 : vector<16xi32> to vector<16x1xi32>
      %gather3A_331 = vector.shape_cast %broadcast_in_dim3A_330 : vector<16x1xi32> to vector<16xi32>
      %gather3A_332 = tpu.dynamic_gather %add3A_329[%gather3A_331] in [0] : vector<16xf32>, vector<16xi32> -> vector<16xf32>
      %add3A_333 = arith.addf %add3A_329, %gather3A_332 : vector<16xf32>
      %broadcast_in_dim3A_334 = vector.shape_cast %select_n3A_97 : vector<16xi32> to vector<16x1xi32>
      %gather3A_335 = vector.shape_cast %broadcast_in_dim3A_334 : vector<16x1xi32> to vector<16xi32>
      %gather3A_336 = tpu.dynamic_gather %add3A_333[%gather3A_335] in [0] : vector<16xf32>, vector<16xi32> -> vector<16xf32>
      %add3A_337 = arith.addf %add3A_333, %gather3A_336 : vector<16xf32>
      %broadcast_in_dim3A_338 = vector.shape_cast %select_n3A_22 : vector<16xi32> to vector<16x1xi32>
      %gather3A_339 = vector.shape_cast %broadcast_in_dim3A_338 : vector<16x1xi32> to vector<16xi32>
      %gather3A_340 = tpu.dynamic_gather %scan3A_288#1[%gather3A_339] in [0] : vector<16xf32>, vector<16xi32> -> vector<16xf32>
      %add3A_341 = arith.addf %scan3A_288#1, %gather3A_340 : vector<16xf32>
      %broadcast_in_dim3A_342 = vector.shape_cast %select_n3A_47 : vector<16xi32> to vector<16x1xi32>
      %gather3A_343 = vector.shape_cast %broadcast_in_dim3A_342 : vector<16x1xi32> to vector<16xi32>
      %gather3A_344 = tpu.dynamic_gather %add3A_341[%gather3A_343] in [0] : vector<16xf32>, vector<16xi32> -> vector<16xf32>
      %add3A_345 = arith.addf %add3A_341, %gather3A_344 : vector<16xf32>
      %broadcast_in_dim3A_346 = vector.shape_cast %select_n3A_72 : vector<16xi32> to vector<16x1xi32>
      %gather3A_347 = vector.shape_cast %broadcast_in_dim3A_346 : vector<16x1xi32> to vector<16xi32>
      %gather3A_348 = tpu.dynamic_gather %add3A_345[%gather3A_347] in [0] : vector<16xf32>, vector<16xi32> -> vector<16xf32>
      %add3A_349 = arith.addf %add3A_345, %gather3A_348 : vector<16xf32>
      %broadcast_in_dim3A_350 = vector.shape_cast %select_n3A_97 : vector<16xi32> to vector<16x1xi32>
      %gather3A_351 = vector.shape_cast %broadcast_in_dim3A_350 : vector<16x1xi32> to vector<16xi32>
      %gather3A_352 = tpu.dynamic_gather %add3A_349[%gather3A_351] in [0] : vector<16xf32>, vector<16xi32> -> vector<16xf32>
      %add3A_353 = arith.addf %add3A_349, %gather3A_352 : vector<16xf32>
      %and3A_354 = arith.constant 1 : i32
      %and3A_355 = vector.broadcast %and3A_354 : i32 to vector<16xi32>
      %and3A_356 = arith.andi %iota3A, %and3A_355 : vector<16xi32>
      %eq3A_357 = arith.constant 0 : i32
      %eq3A_358 = vector.broadcast %eq3A_357 : i32 to vector<16xi32>
      %eq3A_359 = arith.cmpi eq, %and3A_356, %eq3A_358 : vector<16xi32>
      %select_n3A_360 = arith.select %eq3A_359, %add3A_305, %add3A_321 : vector<16xi1>, vector<16xf32>
      %and3A_361 = arith.constant 1 : i32
      %and3A_362 = vector.broadcast %and3A_361 : i32 to vector<16xi32>
      %and3A_363 = arith.andi %iota3A, %and3A_362 : vector<16xi32>
      %eq3A_364 = arith.constant 0 : i32
      %eq3A_365 = vector.broadcast %eq3A_364 : i32 to vector<16xi32>
      %eq3A_366 = arith.cmpi eq, %and3A_363, %eq3A_365 : vector<16xi32>
      %select_n3A_367 = arith.select %eq3A_366, %add3A_337, %add3A_353 : vector<16xi1>, vector<16xf32>
      %and3A_368 = arith.constant 2 : i32
      %and3A_369 = vector.broadcast %and3A_368 : i32 to vector<16xi32>
      %and3A_370 = arith.andi %iota3A, %and3A_369 : vector<16xi32>
      %eq3A_371 = arith.constant 0 : i32
      %eq3A_372 = vector.broadcast %eq3A_371 : i32 to vector<16xi32>
      %eq3A_373 = arith.cmpi eq, %and3A_370, %eq3A_372 : vector<16xi32>
      %select_n3A_374 = arith.select %eq3A_373, %select_n3A_360, %select_n3A_367 : vector<16xi1>, vector<16xf32>
      %shift_right_arithmetic3A_375 = arith.constant 2 : i32
      %shift_right_arithmetic3A_376 = vector.broadcast %shift_right_arithmetic3A_375 : i32 to vector<16xi32>
      %shift_right_arithmetic3A_377 = arith.shrsi %iota3A, %shift_right_arithmetic3A_376 : vector<16xi32>
      %eq3A_378 = arith.constant 1 : i32
      %eq3A_379 = vector.broadcast %eq3A_378 : i32 to vector<16xi32>
      %eq3A_380 = arith.cmpi eq, %shift_right_arithmetic3A_377, %eq3A_379 : vector<16xi32>
      %select_n3A_381 = arith.select %eq3A_380, %select_n3A_374, %select_n3A_251 : vector<16xi1>, vector<16xf32>
      %mul3A_382 = arith.constant 4 : i32
      %mul3A_383 = arith.muli %mul3A_125, %mul3A_382 : i32
      %add3A_384 = arith.constant 2 : i32
      %add3A_385 = arith.addi %mul3A_383, %add3A_384 : i32
      %mul3A_386 = arith.constant 400 : i32
      %mul3A_387 = arith.muli %add3A_385, %mul3A_386 : i32
      %scan3A_388 = arith.constant 0 : i32
      %scan3A_389 = arith.constant 12 : i32
      %scan3A_390 = arith.addi %scan3A_388, %scan3A_389 : i32
      %scan3A_391 = arith.constant 1 : i32
      %scan3A_392:2 = scf.for %scan3A_1198 = %scan3A_388 to %scan3A_390 step %scan3A_391 iter_args(%scan3A_1199 = %broadcast_in_dim3A_4, %scan3A_1200 = %broadcast_in_dim3A_4) -> (vector<16xf32>, vector<16xf32>)  : i32 {
        %mul3A_1201 = arith.constant 16 : i32
        %mul3A_1202 = arith.muli %scan3A_1198, %mul3A_1201 : i32
        %add3A_1203 = arith.addi %mul3A_387, %mul3A_1202 : i32
        %get3A_1204 = arith.index_cast %add3A_1203 : i32 to index
        %get3A_1205 = tpu.vector_load %arg7[%get3A_1204] {strides = array<i32>} : memref<25600xi32, #tpu.memory_space<vmem>>, vector<16xi32>,
        %shift_left3A_1206 = arith.constant 16 : i32
        %shift_left3A_1207 = vector.broadcast %shift_left3A_1206 : i32 to vector<16xi32>
        %shift_left3A_1208 = arith.shli %get3A_1205, %shift_left3A_1207 : vector<16xi32>
        %bitcast3A_1209 = vector.bitcast %shift_left3A_1208 : vector<16xi32> to vector<16xf32>
        %and3A_1210 = vector.broadcast %scan3A_104 : i32 to vector<16xi32>
        %and3A_1211 = arith.andi %get3A_1205, %and3A_1210 : vector<16xi32>
        %bitcast3A_1212 = vector.bitcast %and3A_1211 : vector<16xi32> to vector<16xf32>
        %add3A_1213 = arith.addf %scan3A_1199, %bitcast3A_1209 : vector<16xf32>
        %add3A_1214 = arith.addf %scan3A_1200, %bitcast3A_1212 : vector<16xf32>
        scf.yield %add3A_1213, %add3A_1214 : vector<16xf32>, vector<16xf32>
      }
      %scan3A_393 = arith.constant 12 : i32
      %add3A_394 = arith.constant 192 : i32
      %add3A_395 = arith.addi %mul3A_387, %add3A_394 : i32
      %get3A_396 = arith.index_cast %add3A_395 : i32 to index
      %get3A_397 = tpu.vector_load %arg7[%get3A_396] {strides = array<i32>} : memref<25600xi32, #tpu.memory_space<vmem>>, vector<16xi32>,
      %shift_left3A_398 = arith.constant 16 : i32
      %shift_left3A_399 = vector.broadcast %shift_left3A_398 : i32 to vector<16xi32>
      %shift_left3A_400 = arith.shli %get3A_397, %shift_left3A_399 : vector<16xi32>
      %bitcast3A_401 = vector.bitcast %shift_left3A_400 : vector<16xi32> to vector<16xf32>
      %and3A_402 = vector.broadcast %scan3A_104 : i32 to vector<16xi32>
      %and3A_403 = arith.andi %get3A_397, %and3A_402 : vector<16xi32>
      %bitcast3A_404 = vector.bitcast %and3A_403 : vector<16xi32> to vector<16xf32>
      %lt3A_405 = arith.constant 8 : i32
      %lt3A_406 = vector.broadcast %lt3A_405 : i32 to vector<16xi32>
      %lt3A_407 = arith.cmpi slt, %iota3A, %lt3A_406 : vector<16xi32>
      %select_n3A_408 = arith.select %lt3A_407, %bitcast3A_401, %broadcast_in_dim3A_4 : vector<16xi1>, vector<16xf32>
      %add3A_409 = arith.addf %scan3A_392#0, %select_n3A_408 : vector<16xf32>
      %select_n3A_410 = arith.select %lt3A_407, %bitcast3A_404, %broadcast_in_dim3A_4 : vector<16xi1>, vector<16xf32>
      %add3A_411 = arith.addf %scan3A_392#1, %select_n3A_410 : vector<16xf32>
      %select_n3A_412 = arith.select %lt3A_407, %broadcast_in_dim3A_4, %bitcast3A_401 : vector<16xi1>, vector<16xf32>
      %select_n3A_413 = arith.select %lt3A_407, %broadcast_in_dim3A_4, %bitcast3A_404 : vector<16xi1>, vector<16xf32>
      %scan3A_414 = arith.constant 13 : i32
      %scan3A_415 = arith.constant 12 : i32
      %scan3A_416 = arith.addi %scan3A_414, %scan3A_415 : i32
      %scan3A_417 = arith.constant 1 : i32
      %scan3A_418:2 = scf.for %scan3A_1198 = %scan3A_414 to %scan3A_416 step %scan3A_417 iter_args(%scan3A_1199 = %select_n3A_412, %scan3A_1200 = %select_n3A_413) -> (vector<16xf32>, vector<16xf32>)  : i32 {
        %mul3A_1201 = arith.constant 16 : i32
        %mul3A_1202 = arith.muli %scan3A_1198, %mul3A_1201 : i32
        %add3A_1203 = arith.addi %mul3A_387, %mul3A_1202 : i32
        %get3A_1204 = arith.index_cast %add3A_1203 : i32 to index
        %get3A_1205 = tpu.vector_load %arg7[%get3A_1204] {strides = array<i32>} : memref<25600xi32, #tpu.memory_space<vmem>>, vector<16xi32>,
        %shift_left3A_1206 = arith.constant 16 : i32
        %shift_left3A_1207 = vector.broadcast %shift_left3A_1206 : i32 to vector<16xi32>
        %shift_left3A_1208 = arith.shli %get3A_1205, %shift_left3A_1207 : vector<16xi32>
        %bitcast3A_1209 = vector.bitcast %shift_left3A_1208 : vector<16xi32> to vector<16xf32>
        %and3A_1210 = vector.broadcast %scan3A_104 : i32 to vector<16xi32>
        %and3A_1211 = arith.andi %get3A_1205, %and3A_1210 : vector<16xi32>
        %bitcast3A_1212 = vector.bitcast %and3A_1211 : vector<16xi32> to vector<16xf32>
        %add3A_1213 = arith.addf %scan3A_1199, %bitcast3A_1209 : vector<16xf32>
        %add3A_1214 = arith.addf %scan3A_1200, %bitcast3A_1212 : vector<16xf32>
        scf.yield %add3A_1213, %add3A_1214 : vector<16xf32>, vector<16xf32>
      }
      %scan3A_419 = arith.constant 12 : i32
      %broadcast_in_dim3A_420 = vector.shape_cast %select_n3A_22 : vector<16xi32> to vector<16x1xi32>
      %gather3A_421 = vector.shape_cast %broadcast_in_dim3A_420 : vector<16x1xi32> to vector<16xi32>
      %gather3A_422 = tpu.dynamic_gather %add3A_409[%gather3A_421] in [0] : vector<16xf32>, vector<16xi32> -> vector<16xf32>
      %add3A_423 = arith.addf %add3A_409, %gather3A_422 : vector<16xf32>
      %broadcast_in_dim3A_424 = vector.shape_cast %select_n3A_47 : vector<16xi32> to vector<16x1xi32>
      %gather3A_425 = vector.shape_cast %broadcast_in_dim3A_424 : vector<16x1xi32> to vector<16xi32>
      %gather3A_426 = tpu.dynamic_gather %add3A_423[%gather3A_425] in [0] : vector<16xf32>, vector<16xi32> -> vector<16xf32>
      %add3A_427 = arith.addf %add3A_423, %gather3A_426 : vector<16xf32>
      %broadcast_in_dim3A_428 = vector.shape_cast %select_n3A_72 : vector<16xi32> to vector<16x1xi32>
      %gather3A_429 = vector.shape_cast %broadcast_in_dim3A_428 : vector<16x1xi32> to vector<16xi32>
      %gather3A_430 = tpu.dynamic_gather %add3A_427[%gather3A_429] in [0] : vector<16xf32>, vector<16xi32> -> vector<16xf32>
      %add3A_431 = arith.addf %add3A_427, %gather3A_430 : vector<16xf32>
      %broadcast_in_dim3A_432 = vector.shape_cast %select_n3A_97 : vector<16xi32> to vector<16x1xi32>
      %gather3A_433 = vector.shape_cast %broadcast_in_dim3A_432 : vector<16x1xi32> to vector<16xi32>
      %gather3A_434 = tpu.dynamic_gather %add3A_431[%gather3A_433] in [0] : vector<16xf32>, vector<16xi32> -> vector<16xf32>
      %add3A_435 = arith.addf %add3A_431, %gather3A_434 : vector<16xf32>
      %broadcast_in_dim3A_436 = vector.shape_cast %select_n3A_22 : vector<16xi32> to vector<16x1xi32>
      %gather3A_437 = vector.shape_cast %broadcast_in_dim3A_436 : vector<16x1xi32> to vector<16xi32>
      %gather3A_438 = tpu.dynamic_gather %add3A_411[%gather3A_437] in [0] : vector<16xf32>, vector<16xi32> -> vector<16xf32>
      %add3A_439 = arith.addf %add3A_411, %gather3A_438 : vector<16xf32>
      %broadcast_in_dim3A_440 = vector.shape_cast %select_n3A_47 : vector<16xi32> to vector<16x1xi32>
      %gather3A_441 = vector.shape_cast %broadcast_in_dim3A_440 : vector<16x1xi32> to vector<16xi32>
      %gather3A_442 = tpu.dynamic_gather %add3A_439[%gather3A_441] in [0] : vector<16xf32>, vector<16xi32> -> vector<16xf32>
      %add3A_443 = arith.addf %add3A_439, %gather3A_442 : vector<16xf32>
      %broadcast_in_dim3A_444 = vector.shape_cast %select_n3A_72 : vector<16xi32> to vector<16x1xi32>
      %gather3A_445 = vector.shape_cast %broadcast_in_dim3A_444 : vector<16x1xi32> to vector<16xi32>
      %gather3A_446 = tpu.dynamic_gather %add3A_443[%gather3A_445] in [0] : vector<16xf32>, vector<16xi32> -> vector<16xf32>
      %add3A_447 = arith.addf %add3A_443, %gather3A_446 : vector<16xf32>
      %broadcast_in_dim3A_448 = vector.shape_cast %select_n3A_97 : vector<16xi32> to vector<16x1xi32>
      %gather3A_449 = vector.shape_cast %broadcast_in_dim3A_448 : vector<16x1xi32> to vector<16xi32>
      %gather3A_450 = tpu.dynamic_gather %add3A_447[%gather3A_449] in [0] : vector<16xf32>, vector<16xi32> -> vector<16xf32>
      %add3A_451 = arith.addf %add3A_447, %gather3A_450 : vector<16xf32>
      %broadcast_in_dim3A_452 = vector.shape_cast %select_n3A_22 : vector<16xi32> to vector<16x1xi32>
      %gather3A_453 = vector.shape_cast %broadcast_in_dim3A_452 : vector<16x1xi32> to vector<16xi32>
      %gather3A_454 = tpu.dynamic_gather %scan3A_418#0[%gather3A_453] in [0] : vector<16xf32>, vector<16xi32> -> vector<16xf32>
      %add3A_455 = arith.addf %scan3A_418#0, %gather3A_454 : vector<16xf32>
      %broadcast_in_dim3A_456 = vector.shape_cast %select_n3A_47 : vector<16xi32> to vector<16x1xi32>
      %gather3A_457 = vector.shape_cast %broadcast_in_dim3A_456 : vector<16x1xi32> to vector<16xi32>
      %gather3A_458 = tpu.dynamic_gather %add3A_455[%gather3A_457] in [0] : vector<16xf32>, vector<16xi32> -> vector<16xf32>
      %add3A_459 = arith.addf %add3A_455, %gather3A_458 : vector<16xf32>
      %broadcast_in_dim3A_460 = vector.shape_cast %select_n3A_72 : vector<16xi32> to vector<16x1xi32>
      %gather3A_461 = vector.shape_cast %broadcast_in_dim3A_460 : vector<16x1xi32> to vector<16xi32>
      %gather3A_462 = tpu.dynamic_gather %add3A_459[%gather3A_461] in [0] : vector<16xf32>, vector<16xi32> -> vector<16xf32>
      %add3A_463 = arith.addf %add3A_459, %gather3A_462 : vector<16xf32>
      %broadcast_in_dim3A_464 = vector.shape_cast %select_n3A_97 : vector<16xi32> to vector<16x1xi32>
      %gather3A_465 = vector.shape_cast %broadcast_in_dim3A_464 : vector<16x1xi32> to vector<16xi32>
      %gather3A_466 = tpu.dynamic_gather %add3A_463[%gather3A_465] in [0] : vector<16xf32>, vector<16xi32> -> vector<16xf32>
      %add3A_467 = arith.addf %add3A_463, %gather3A_466 : vector<16xf32>
      %broadcast_in_dim3A_468 = vector.shape_cast %select_n3A_22 : vector<16xi32> to vector<16x1xi32>
      %gather3A_469 = vector.shape_cast %broadcast_in_dim3A_468 : vector<16x1xi32> to vector<16xi32>
      %gather3A_470 = tpu.dynamic_gather %scan3A_418#1[%gather3A_469] in [0] : vector<16xf32>, vector<16xi32> -> vector<16xf32>
      %add3A_471 = arith.addf %scan3A_418#1, %gather3A_470 : vector<16xf32>
      %broadcast_in_dim3A_472 = vector.shape_cast %select_n3A_47 : vector<16xi32> to vector<16x1xi32>
      %gather3A_473 = vector.shape_cast %broadcast_in_dim3A_472 : vector<16x1xi32> to vector<16xi32>
      %gather3A_474 = tpu.dynamic_gather %add3A_471[%gather3A_473] in [0] : vector<16xf32>, vector<16xi32> -> vector<16xf32>
      %add3A_475 = arith.addf %add3A_471, %gather3A_474 : vector<16xf32>
      %broadcast_in_dim3A_476 = vector.shape_cast %select_n3A_72 : vector<16xi32> to vector<16x1xi32>
      %gather3A_477 = vector.shape_cast %broadcast_in_dim3A_476 : vector<16x1xi32> to vector<16xi32>
      %gather3A_478 = tpu.dynamic_gather %add3A_475[%gather3A_477] in [0] : vector<16xf32>, vector<16xi32> -> vector<16xf32>
      %add3A_479 = arith.addf %add3A_475, %gather3A_478 : vector<16xf32>
      %broadcast_in_dim3A_480 = vector.shape_cast %select_n3A_97 : vector<16xi32> to vector<16x1xi32>
      %gather3A_481 = vector.shape_cast %broadcast_in_dim3A_480 : vector<16x1xi32> to vector<16xi32>
      %gather3A_482 = tpu.dynamic_gather %add3A_479[%gather3A_481] in [0] : vector<16xf32>, vector<16xi32> -> vector<16xf32>
      %add3A_483 = arith.addf %add3A_479, %gather3A_482 : vector<16xf32>
      %and3A_484 = arith.constant 1 : i32
      %and3A_485 = vector.broadcast %and3A_484 : i32 to vector<16xi32>
      %and3A_486 = arith.andi %iota3A, %and3A_485 : vector<16xi32>
      %eq3A_487 = arith.constant 0 : i32
      %eq3A_488 = vector.broadcast %eq3A_487 : i32 to vector<16xi32>
      %eq3A_489 = arith.cmpi eq, %and3A_486, %eq3A_488 : vector<16xi32>
      %select_n3A_490 = arith.select %eq3A_489, %add3A_435, %add3A_451 : vector<16xi1>, vector<16xf32>
      %and3A_491 = arith.constant 1 : i32
      %and3A_492 = vector.broadcast %and3A_491 : i32 to vector<16xi32>
      %and3A_493 = arith.andi %iota3A, %and3A_492 : vector<16xi32>
      %eq3A_494 = arith.constant 0 : i32
      %eq3A_495 = vector.broadcast %eq3A_494 : i32 to vector<16xi32>
      %eq3A_496 = arith.cmpi eq, %and3A_493, %eq3A_495 : vector<16xi32>
      %select_n3A_497 = arith.select %eq3A_496, %add3A_467, %add3A_483 : vector<16xi1>, vector<16xf32>
      %and3A_498 = arith.constant 2 : i32
      %and3A_499 = vector.broadcast %and3A_498 : i32 to vector<16xi32>
      %and3A_500 = arith.andi %iota3A, %and3A_499 : vector<16xi32>
      %eq3A_501 = arith.constant 0 : i32
      %eq3A_502 = vector.broadcast %eq3A_501 : i32 to vector<16xi32>
      %eq3A_503 = arith.cmpi eq, %and3A_500, %eq3A_502 : vector<16xi32>
      %select_n3A_504 = arith.select %eq3A_503, %select_n3A_490, %select_n3A_497 : vector<16xi1>, vector<16xf32>
      %shift_right_arithmetic3A_505 = arith.constant 2 : i32
      %shift_right_arithmetic3A_506 = vector.broadcast %shift_right_arithmetic3A_505 : i32 to vector<16xi32>
      %shift_right_arithmetic3A_507 = arith.shrsi %iota3A, %shift_right_arithmetic3A_506 : vector<16xi32>
      %eq3A_508 = arith.constant 2 : i32
      %eq3A_509 = vector.broadcast %eq3A_508 : i32 to vector<16xi32>
      %eq3A_510 = arith.cmpi eq, %shift_right_arithmetic3A_507, %eq3A_509 : vector<16xi32>
      %select_n3A_511 = arith.select %eq3A_510, %select_n3A_504, %select_n3A_381 : vector<16xi1>, vector<16xf32>
      %mul3A_512 = arith.constant 4 : i32
      %mul3A_513 = arith.muli %mul3A_125, %mul3A_512 : i32
      %add3A_514 = arith.constant 3 : i32
      %add3A_515 = arith.addi %mul3A_513, %add3A_514 : i32
      %mul3A_516 = arith.constant 400 : i32
      %mul3A_517 = arith.muli %add3A_515, %mul3A_516 : i32
      %scan3A_518 = arith.constant 0 : i32
      %scan3A_519 = arith.constant 12 : i32
      %scan3A_520 = arith.addi %scan3A_518, %scan3A_519 : i32
      %scan3A_521 = arith.constant 1 : i32
      %scan3A_522:2 = scf.for %scan3A_1198 = %scan3A_518 to %scan3A_520 step %scan3A_521 iter_args(%scan3A_1199 = %broadcast_in_dim3A_4, %scan3A_1200 = %broadcast_in_dim3A_4) -> (vector<16xf32>, vector<16xf32>)  : i32 {
        %mul3A_1201 = arith.constant 16 : i32
        %mul3A_1202 = arith.muli %scan3A_1198, %mul3A_1201 : i32
        %add3A_1203 = arith.addi %mul3A_517, %mul3A_1202 : i32
        %get3A_1204 = arith.index_cast %add3A_1203 : i32 to index
        %get3A_1205 = tpu.vector_load %arg7[%get3A_1204] {strides = array<i32>} : memref<25600xi32, #tpu.memory_space<vmem>>, vector<16xi32>,
        %shift_left3A_1206 = arith.constant 16 : i32
        %shift_left3A_1207 = vector.broadcast %shift_left3A_1206 : i32 to vector<16xi32>
        %shift_left3A_1208 = arith.shli %get3A_1205, %shift_left3A_1207 : vector<16xi32>
        %bitcast3A_1209 = vector.bitcast %shift_left3A_1208 : vector<16xi32> to vector<16xf32>
        %and3A_1210 = vector.broadcast %scan3A_104 : i32 to vector<16xi32>
        %and3A_1211 = arith.andi %get3A_1205, %and3A_1210 : vector<16xi32>
        %bitcast3A_1212 = vector.bitcast %and3A_1211 : vector<16xi32> to vector<16xf32>
        %add3A_1213 = arith.addf %scan3A_1199, %bitcast3A_1209 : vector<16xf32>
        %add3A_1214 = arith.addf %scan3A_1200, %bitcast3A_1212 : vector<16xf32>
        scf.yield %add3A_1213, %add3A_1214 : vector<16xf32>, vector<16xf32>
      }
      %scan3A_523 = arith.constant 12 : i32
      %add3A_524 = arith.constant 192 : i32
      %add3A_525 = arith.addi %mul3A_517, %add3A_524 : i32
      %get3A_526 = arith.index_cast %add3A_525 : i32 to index
      %get3A_527 = tpu.vector_load %arg7[%get3A_526] {strides = array<i32>} : memref<25600xi32, #tpu.memory_space<vmem>>, vector<16xi32>,
      %shift_left3A_528 = arith.constant 16 : i32
      %shift_left3A_529 = vector.broadcast %shift_left3A_528 : i32 to vector<16xi32>
      %shift_left3A_530 = arith.shli %get3A_527, %shift_left3A_529 : vector<16xi32>
      %bitcast3A_531 = vector.bitcast %shift_left3A_530 : vector<16xi32> to vector<16xf32>
      %and3A_532 = vector.broadcast %scan3A_104 : i32 to vector<16xi32>
      %and3A_533 = arith.andi %get3A_527, %and3A_532 : vector<16xi32>
      %bitcast3A_534 = vector.bitcast %and3A_533 : vector<16xi32> to vector<16xf32>
      %lt3A_535 = arith.constant 8 : i32
      %lt3A_536 = vector.broadcast %lt3A_535 : i32 to vector<16xi32>
      %lt3A_537 = arith.cmpi slt, %iota3A, %lt3A_536 : vector<16xi32>
      %select_n3A_538 = arith.select %lt3A_537, %bitcast3A_531, %broadcast_in_dim3A_4 : vector<16xi1>, vector<16xf32>
      %add3A_539 = arith.addf %scan3A_522#0, %select_n3A_538 : vector<16xf32>
      %select_n3A_540 = arith.select %lt3A_537, %bitcast3A_534, %broadcast_in_dim3A_4 : vector<16xi1>, vector<16xf32>
      %add3A_541 = arith.addf %scan3A_522#1, %select_n3A_540 : vector<16xf32>
      %select_n3A_542 = arith.select %lt3A_537, %broadcast_in_dim3A_4, %bitcast3A_531 : vector<16xi1>, vector<16xf32>
      %select_n3A_543 = arith.select %lt3A_537, %broadcast_in_dim3A_4, %bitcast3A_534 : vector<16xi1>, vector<16xf32>
      %scan3A_544 = arith.constant 13 : i32
      %scan3A_545 = arith.constant 12 : i32
      %scan3A_546 = arith.addi %scan3A_544, %scan3A_545 : i32
      %scan3A_547 = arith.constant 1 : i32
      %scan3A_548:2 = scf.for %scan3A_1198 = %scan3A_544 to %scan3A_546 step %scan3A_547 iter_args(%scan3A_1199 = %select_n3A_542, %scan3A_1200 = %select_n3A_543) -> (vector<16xf32>, vector<16xf32>)  : i32 {
        %mul3A_1201 = arith.constant 16 : i32
        %mul3A_1202 = arith.muli %scan3A_1198, %mul3A_1201 : i32
        %add3A_1203 = arith.addi %mul3A_517, %mul3A_1202 : i32
        %get3A_1204 = arith.index_cast %add3A_1203 : i32 to index
        %get3A_1205 = tpu.vector_load %arg7[%get3A_1204] {strides = array<i32>} : memref<25600xi32, #tpu.memory_space<vmem>>, vector<16xi32>,
        %shift_left3A_1206 = arith.constant 16 : i32
        %shift_left3A_1207 = vector.broadcast %shift_left3A_1206 : i32 to vector<16xi32>
        %shift_left3A_1208 = arith.shli %get3A_1205, %shift_left3A_1207 : vector<16xi32>
        %bitcast3A_1209 = vector.bitcast %shift_left3A_1208 : vector<16xi32> to vector<16xf32>
        %and3A_1210 = vector.broadcast %scan3A_104 : i32 to vector<16xi32>
        %and3A_1211 = arith.andi %get3A_1205, %and3A_1210 : vector<16xi32>
        %bitcast3A_1212 = vector.bitcast %and3A_1211 : vector<16xi32> to vector<16xf32>
        %add3A_1213 = arith.addf %scan3A_1199, %bitcast3A_1209 : vector<16xf32>
        %add3A_1214 = arith.addf %scan3A_1200, %bitcast3A_1212 : vector<16xf32>
        scf.yield %add3A_1213, %add3A_1214 : vector<16xf32>, vector<16xf32>
      }
      %scan3A_549 = arith.constant 12 : i32
      %broadcast_in_dim3A_550 = vector.shape_cast %select_n3A_22 : vector<16xi32> to vector<16x1xi32>
      %gather3A_551 = vector.shape_cast %broadcast_in_dim3A_550 : vector<16x1xi32> to vector<16xi32>
      %gather3A_552 = tpu.dynamic_gather %add3A_539[%gather3A_551] in [0] : vector<16xf32>, vector<16xi32> -> vector<16xf32>
      %add3A_553 = arith.addf %add3A_539, %gather3A_552 : vector<16xf32>
      %broadcast_in_dim3A_554 = vector.shape_cast %select_n3A_47 : vector<16xi32> to vector<16x1xi32>
      %gather3A_555 = vector.shape_cast %broadcast_in_dim3A_554 : vector<16x1xi32> to vector<16xi32>
      %gather3A_556 = tpu.dynamic_gather %add3A_553[%gather3A_555] in [0] : vector<16xf32>, vector<16xi32> -> vector<16xf32>
      %add3A_557 = arith.addf %add3A_553, %gather3A_556 : vector<16xf32>
      %broadcast_in_dim3A_558 = vector.shape_cast %select_n3A_72 : vector<16xi32> to vector<16x1xi32>
      %gather3A_559 = vector.shape_cast %broadcast_in_dim3A_558 : vector<16x1xi32> to vector<16xi32>
      %gather3A_560 = tpu.dynamic_gather %add3A_557[%gather3A_559] in [0] : vector<16xf32>, vector<16xi32> -> vector<16xf32>
      %add3A_561 = arith.addf %add3A_557, %gather3A_560 : vector<16xf32>
      %broadcast_in_dim3A_562 = vector.shape_cast %select_n3A_97 : vector<16xi32> to vector<16x1xi32>
      %gather3A_563 = vector.shape_cast %broadcast_in_dim3A_562 : vector<16x1xi32> to vector<16xi32>
      %gather3A_564 = tpu.dynamic_gather %add3A_561[%gather3A_563] in [0] : vector<16xf32>, vector<16xi32> -> vector<16xf32>
      %add3A_565 = arith.addf %add3A_561, %gather3A_564 : vector<16xf32>
      %broadcast_in_dim3A_566 = vector.shape_cast %select_n3A_22 : vector<16xi32> to vector<16x1xi32>
      %gather3A_567 = vector.shape_cast %broadcast_in_dim3A_566 : vector<16x1xi32> to vector<16xi32>
      %gather3A_568 = tpu.dynamic_gather %add3A_541[%gather3A_567] in [0] : vector<16xf32>, vector<16xi32> -> vector<16xf32>
      %add3A_569 = arith.addf %add3A_541, %gather3A_568 : vector<16xf32>
      %broadcast_in_dim3A_570 = vector.shape_cast %select_n3A_47 : vector<16xi32> to vector<16x1xi32>
      %gather3A_571 = vector.shape_cast %broadcast_in_dim3A_570 : vector<16x1xi32> to vector<16xi32>
      %gather3A_572 = tpu.dynamic_gather %add3A_569[%gather3A_571] in [0] : vector<16xf32>, vector<16xi32> -> vector<16xf32>
      %add3A_573 = arith.addf %add3A_569, %gather3A_572 : vector<16xf32>
      %broadcast_in_dim3A_574 = vector.shape_cast %select_n3A_72 : vector<16xi32> to vector<16x1xi32>
      %gather3A_575 = vector.shape_cast %broadcast_in_dim3A_574 : vector<16x1xi32> to vector<16xi32>
      %gather3A_576 = tpu.dynamic_gather %add3A_573[%gather3A_575] in [0] : vector<16xf32>, vector<16xi32> -> vector<16xf32>
      %add3A_577 = arith.addf %add3A_573, %gather3A_576 : vector<16xf32>
      %broadcast_in_dim3A_578 = vector.shape_cast %select_n3A_97 : vector<16xi32> to vector<16x1xi32>
      %gather3A_579 = vector.shape_cast %broadcast_in_dim3A_578 : vector<16x1xi32> to vector<16xi32>
      %gather3A_580 = tpu.dynamic_gather %add3A_577[%gather3A_579] in [0] : vector<16xf32>, vector<16xi32> -> vector<16xf32>
      %add3A_581 = arith.addf %add3A_577, %gather3A_580 : vector<16xf32>
      %broadcast_in_dim3A_582 = vector.shape_cast %select_n3A_22 : vector<16xi32> to vector<16x1xi32>
      %gather3A_583 = vector.shape_cast %broadcast_in_dim3A_582 : vector<16x1xi32> to vector<16xi32>
      %gather3A_584 = tpu.dynamic_gather %scan3A_548#0[%gather3A_583] in [0] : vector<16xf32>, vector<16xi32> -> vector<16xf32>
      %add3A_585 = arith.addf %scan3A_548#0, %gather3A_584 : vector<16xf32>
      %broadcast_in_dim3A_586 = vector.shape_cast %select_n3A_47 : vector<16xi32> to vector<16x1xi32>
      %gather3A_587 = vector.shape_cast %broadcast_in_dim3A_586 : vector<16x1xi32> to vector<16xi32>
      %gather3A_588 = tpu.dynamic_gather %add3A_585[%gather3A_587] in [0] : vector<16xf32>, vector<16xi32> -> vector<16xf32>
      %add3A_589 = arith.addf %add3A_585, %gather3A_588 : vector<16xf32>
      %broadcast_in_dim3A_590 = vector.shape_cast %select_n3A_72 : vector<16xi32> to vector<16x1xi32>
      %gather3A_591 = vector.shape_cast %broadcast_in_dim3A_590 : vector<16x1xi32> to vector<16xi32>
      %gather3A_592 = tpu.dynamic_gather %add3A_589[%gather3A_591] in [0] : vector<16xf32>, vector<16xi32> -> vector<16xf32>
      %add3A_593 = arith.addf %add3A_589, %gather3A_592 : vector<16xf32>
      %broadcast_in_dim3A_594 = vector.shape_cast %select_n3A_97 : vector<16xi32> to vector<16x1xi32>
      %gather3A_595 = vector.shape_cast %broadcast_in_dim3A_594 : vector<16x1xi32> to vector<16xi32>
      %gather3A_596 = tpu.dynamic_gather %add3A_593[%gather3A_595] in [0] : vector<16xf32>, vector<16xi32> -> vector<16xf32>
      %add3A_597 = arith.addf %add3A_593, %gather3A_596 : vector<16xf32>
      %broadcast_in_dim3A_598 = vector.shape_cast %select_n3A_22 : vector<16xi32> to vector<16x1xi32>
      %gather3A_599 = vector.shape_cast %broadcast_in_dim3A_598 : vector<16x1xi32> to vector<16xi32>
      %gather3A_600 = tpu.dynamic_gather %scan3A_548#1[%gather3A_599] in [0] : vector<16xf32>, vector<16xi32> -> vector<16xf32>
      %add3A_601 = arith.addf %scan3A_548#1, %gather3A_600 : vector<16xf32>
      %broadcast_in_dim3A_602 = vector.shape_cast %select_n3A_47 : vector<16xi32> to vector<16x1xi32>
      %gather3A_603 = vector.shape_cast %broadcast_in_dim3A_602 : vector<16x1xi32> to vector<16xi32>
      %gather3A_604 = tpu.dynamic_gather %add3A_601[%gather3A_603] in [0] : vector<16xf32>, vector<16xi32> -> vector<16xf32>
      %add3A_605 = arith.addf %add3A_601, %gather3A_604 : vector<16xf32>
      %broadcast_in_dim3A_606 = vector.shape_cast %select_n3A_72 : vector<16xi32> to vector<16x1xi32>
      %gather3A_607 = vector.shape_cast %broadcast_in_dim3A_606 : vector<16x1xi32> to vector<16xi32>
      %gather3A_608 = tpu.dynamic_gather %add3A_605[%gather3A_607] in [0] : vector<16xf32>, vector<16xi32> -> vector<16xf32>
      %add3A_609 = arith.addf %add3A_605, %gather3A_608 : vector<16xf32>
      %broadcast_in_dim3A_610 = vector.shape_cast %select_n3A_97 : vector<16xi32> to vector<16x1xi32>
      %gather3A_611 = vector.shape_cast %broadcast_in_dim3A_610 : vector<16x1xi32> to vector<16xi32>
      %gather3A_612 = tpu.dynamic_gather %add3A_609[%gather3A_611] in [0] : vector<16xf32>, vector<16xi32> -> vector<16xf32>
      %add3A_613 = arith.addf %add3A_609, %gather3A_612 : vector<16xf32>
      %and3A_614 = arith.constant 1 : i32
      %and3A_615 = vector.broadcast %and3A_614 : i32 to vector<16xi32>
      %and3A_616 = arith.andi %iota3A, %and3A_615 : vector<16xi32>
      %eq3A_617 = arith.constant 0 : i32
      %eq3A_618 = vector.broadcast %eq3A_617 : i32 to vector<16xi32>
      %eq3A_619 = arith.cmpi eq, %and3A_616, %eq3A_618 : vector<16xi32>
      %select_n3A_620 = arith.select %eq3A_619, %add3A_565, %add3A_581 : vector<16xi1>, vector<16xf32>
      %and3A_621 = arith.constant 1 : i32
      %and3A_622 = vector.broadcast %and3A_621 : i32 to vector<16xi32>
      %and3A_623 = arith.andi %iota3A, %and3A_622 : vector<16xi32>
      %eq3A_624 = arith.constant 0 : i32
      %eq3A_625 = vector.broadcast %eq3A_624 : i32 to vector<16xi32>
      %eq3A_626 = arith.cmpi eq, %and3A_623, %eq3A_625 : vector<16xi32>
      %select_n3A_627 = arith.select %eq3A_626, %add3A_597, %add3A_613 : vector<16xi1>, vector<16xf32>
      %and3A_628 = arith.constant 2 : i32
      %and3A_629 = vector.broadcast %and3A_628 : i32 to vector<16xi32>
      %and3A_630 = arith.andi %iota3A, %and3A_629 : vector<16xi32>
      %eq3A_631 = arith.constant 0 : i32
      %eq3A_632 = vector.broadcast %eq3A_631 : i32 to vector<16xi32>
      %eq3A_633 = arith.cmpi eq, %and3A_630, %eq3A_632 : vector<16xi32>
      %select_n3A_634 = arith.select %eq3A_633, %select_n3A_620, %select_n3A_627 : vector<16xi1>, vector<16xf32>
      %shift_right_arithmetic3A_635 = arith.constant 2 : i32
      %shift_right_arithmetic3A_636 = vector.broadcast %shift_right_arithmetic3A_635 : i32 to vector<16xi32>
      %shift_right_arithmetic3A_637 = arith.shrsi %iota3A, %shift_right_arithmetic3A_636 : vector<16xi32>
      %eq3A_638 = arith.constant 3 : i32
      %eq3A_639 = vector.broadcast %eq3A_638 : i32 to vector<16xi32>
      %eq3A_640 = arith.cmpi eq, %shift_right_arithmetic3A_637, %eq3A_639 : vector<16xi32>
      %select_n3A_641 = arith.select %eq3A_640, %select_n3A_634, %select_n3A_511 : vector<16xi1>, vector<16xf32>
      %mul3A_642 = arith.constant 5.000000e-03 : f32
      %mul3A_643 = vector.broadcast %mul3A_642 : f32 to vector<16xf32>
      %mul3A_644 = arith.mulf %select_n3A_641, %mul3A_643 : vector<16xf32>
      %add3A_645 = arith.addf %mul3A_644, %get3A_3 : vector<16xf32>
      %neg3A = arith.constant 0.000000e+00 : f32
      %neg3A_646 = vector.broadcast %neg3A : f32 to vector<16xf32>
      %neg3A_647 = arith.subf %neg3A_646, %add3A_645 : vector<16xf32>
      %exp3A = math.exp %neg3A_647 : vector<16xf32>
      %add3A_648 = arith.constant 1.000000e+00 : f32
      %add3A_649 = vector.broadcast %add3A_648 : f32 to vector<16xf32>
      %add3A_650 = arith.addf %add3A_649, %exp3A : vector<16xf32>
      %div3A = arith.constant 1.000000e+00 : f32
      %div3A_651 = vector.broadcast %div3A : f32 to vector<16xf32>
      %div3A_652 = arith.divf %div3A_651, %add3A_650 : vector<16xf32>
      %mul3A_653 = arith.constant 16 : i32
      %mul3A_654 = arith.muli %mul3A_125, %mul3A_653 : i32
      %swap3A = arith.index_cast %mul3A_654 : i32 to index
      %swap3A_655 = tpu.vector_load %arg8[%swap3A] {strides = array<i32>} : memref<256xf32, #tpu.memory_space<vmem>>, vector<16xf32>,
      tpu.vector_store %arg8[%swap3A], %div3A_652 {strides = array<i32>} : memref<256xf32, #tpu.memory_space<vmem>>, vector<16xf32>,
      %mul3A_656 = arith.constant 2 : i32
      %mul3A_657 = arith.muli %mul3A_656, %scan3A_112 : i32
      %add3A_658 = arith.constant 1 : i32
      %add3A_659 = arith.addi %mul3A_657, %add3A_658 : i32
      %mul3A_660 = arith.constant 4 : i32
      %mul3A_661 = arith.muli %add3A_659, %mul3A_660 : i32
      %add3A_662 = arith.constant 0 : i32
      %add3A_663 = arith.addi %mul3A_661, %add3A_662 : i32
      %mul3A_664 = arith.constant 400 : i32
      %mul3A_665 = arith.muli %add3A_663, %mul3A_664 : i32
      %scan3A_666 = arith.constant 0 : i32
      %scan3A_667 = arith.constant 12 : i32
      %scan3A_668 = arith.addi %scan3A_666, %scan3A_667 : i32
      %scan3A_669 = arith.constant 1 : i32
      %scan3A_670:2 = scf.for %scan3A_1198 = %scan3A_666 to %scan3A_668 step %scan3A_669 iter_args(%scan3A_1199 = %broadcast_in_dim3A_4, %scan3A_1200 = %broadcast_in_dim3A_4) -> (vector<16xf32>, vector<16xf32>)  : i32 {
        %mul3A_1201 = arith.constant 16 : i32
        %mul3A_1202 = arith.muli %scan3A_1198, %mul3A_1201 : i32
        %add3A_1203 = arith.addi %mul3A_665, %mul3A_1202 : i32
        %get3A_1204 = arith.index_cast %add3A_1203 : i32 to index
        %get3A_1205 = tpu.vector_load %arg7[%get3A_1204] {strides = array<i32>} : memref<25600xi32, #tpu.memory_space<vmem>>, vector<16xi32>,
        %shift_left3A_1206 = arith.constant 16 : i32
        %shift_left3A_1207 = vector.broadcast %shift_left3A_1206 : i32 to vector<16xi32>
        %shift_left3A_1208 = arith.shli %get3A_1205, %shift_left3A_1207 : vector<16xi32>
        %bitcast3A_1209 = vector.bitcast %shift_left3A_1208 : vector<16xi32> to vector<16xf32>
        %and3A_1210 = vector.broadcast %scan3A_104 : i32 to vector<16xi32>
        %and3A_1211 = arith.andi %get3A_1205, %and3A_1210 : vector<16xi32>
        %bitcast3A_1212 = vector.bitcast %and3A_1211 : vector<16xi32> to vector<16xf32>
        %add3A_1213 = arith.addf %scan3A_1199, %bitcast3A_1209 : vector<16xf32>
        %add3A_1214 = arith.addf %scan3A_1200, %bitcast3A_1212 : vector<16xf32>
        scf.yield %add3A_1213, %add3A_1214 : vector<16xf32>, vector<16xf32>
      }
      %scan3A_671 = arith.constant 12 : i32
      %add3A_672 = arith.constant 192 : i32
      %add3A_673 = arith.addi %mul3A_665, %add3A_672 : i32
      %get3A_674 = arith.index_cast %add3A_673 : i32 to index
      %get3A_675 = tpu.vector_load %arg7[%get3A_674] {strides = array<i32>} : memref<25600xi32, #tpu.memory_space<vmem>>, vector<16xi32>,
      %shift_left3A_676 = arith.constant 16 : i32
      %shift_left3A_677 = vector.broadcast %shift_left3A_676 : i32 to vector<16xi32>
      %shift_left3A_678 = arith.shli %get3A_675, %shift_left3A_677 : vector<16xi32>
      %bitcast3A_679 = vector.bitcast %shift_left3A_678 : vector<16xi32> to vector<16xf32>
      %and3A_680 = vector.broadcast %scan3A_104 : i32 to vector<16xi32>
      %and3A_681 = arith.andi %get3A_675, %and3A_680 : vector<16xi32>
      %bitcast3A_682 = vector.bitcast %and3A_681 : vector<16xi32> to vector<16xf32>
      %lt3A_683 = arith.constant 8 : i32
      %lt3A_684 = vector.broadcast %lt3A_683 : i32 to vector<16xi32>
      %lt3A_685 = arith.cmpi slt, %iota3A, %lt3A_684 : vector<16xi32>
      %select_n3A_686 = arith.select %lt3A_685, %bitcast3A_679, %broadcast_in_dim3A_4 : vector<16xi1>, vector<16xf32>
      %add3A_687 = arith.addf %scan3A_670#0, %select_n3A_686 : vector<16xf32>
      %select_n3A_688 = arith.select %lt3A_685, %bitcast3A_682, %broadcast_in_dim3A_4 : vector<16xi1>, vector<16xf32>
      %add3A_689 = arith.addf %scan3A_670#1, %select_n3A_688 : vector<16xf32>
      %select_n3A_690 = arith.select %lt3A_685, %broadcast_in_dim3A_4, %bitcast3A_679 : vector<16xi1>, vector<16xf32>
      %select_n3A_691 = arith.select %lt3A_685, %broadcast_in_dim3A_4, %bitcast3A_682 : vector<16xi1>, vector<16xf32>
      %scan3A_692 = arith.constant 13 : i32
      %scan3A_693 = arith.constant 12 : i32
      %scan3A_694 = arith.addi %scan3A_692, %scan3A_693 : i32
      %scan3A_695 = arith.constant 1 : i32
      %scan3A_696:2 = scf.for %scan3A_1198 = %scan3A_692 to %scan3A_694 step %scan3A_695 iter_args(%scan3A_1199 = %select_n3A_690, %scan3A_1200 = %select_n3A_691) -> (vector<16xf32>, vector<16xf32>)  : i32 {
        %mul3A_1201 = arith.constant 16 : i32
        %mul3A_1202 = arith.muli %scan3A_1198, %mul3A_1201 : i32
        %add3A_1203 = arith.addi %mul3A_665, %mul3A_1202 : i32
        %get3A_1204 = arith.index_cast %add3A_1203 : i32 to index
        %get3A_1205 = tpu.vector_load %arg7[%get3A_1204] {strides = array<i32>} : memref<25600xi32, #tpu.memory_space<vmem>>, vector<16xi32>,
        %shift_left3A_1206 = arith.constant 16 : i32
        %shift_left3A_1207 = vector.broadcast %shift_left3A_1206 : i32 to vector<16xi32>
        %shift_left3A_1208 = arith.shli %get3A_1205, %shift_left3A_1207 : vector<16xi32>
        %bitcast3A_1209 = vector.bitcast %shift_left3A_1208 : vector<16xi32> to vector<16xf32>
        %and3A_1210 = vector.broadcast %scan3A_104 : i32 to vector<16xi32>
        %and3A_1211 = arith.andi %get3A_1205, %and3A_1210 : vector<16xi32>
        %bitcast3A_1212 = vector.bitcast %and3A_1211 : vector<16xi32> to vector<16xf32>
        %add3A_1213 = arith.addf %scan3A_1199, %bitcast3A_1209 : vector<16xf32>
        %add3A_1214 = arith.addf %scan3A_1200, %bitcast3A_1212 : vector<16xf32>
        scf.yield %add3A_1213, %add3A_1214 : vector<16xf32>, vector<16xf32>
      }
      %scan3A_697 = arith.constant 12 : i32
      %broadcast_in_dim3A_698 = vector.shape_cast %select_n3A_22 : vector<16xi32> to vector<16x1xi32>
      %gather3A_699 = vector.shape_cast %broadcast_in_dim3A_698 : vector<16x1xi32> to vector<16xi32>
      %gather3A_700 = tpu.dynamic_gather %add3A_687[%gather3A_699] in [0] : vector<16xf32>, vector<16xi32> -> vector<16xf32>
      %add3A_701 = arith.addf %add3A_687, %gather3A_700 : vector<16xf32>
      %broadcast_in_dim3A_702 = vector.shape_cast %select_n3A_47 : vector<16xi32> to vector<16x1xi32>
      %gather3A_703 = vector.shape_cast %broadcast_in_dim3A_702 : vector<16x1xi32> to vector<16xi32>
      %gather3A_704 = tpu.dynamic_gather %add3A_701[%gather3A_703] in [0] : vector<16xf32>, vector<16xi32> -> vector<16xf32>
      %add3A_705 = arith.addf %add3A_701, %gather3A_704 : vector<16xf32>
      %broadcast_in_dim3A_706 = vector.shape_cast %select_n3A_72 : vector<16xi32> to vector<16x1xi32>
      %gather3A_707 = vector.shape_cast %broadcast_in_dim3A_706 : vector<16x1xi32> to vector<16xi32>
      %gather3A_708 = tpu.dynamic_gather %add3A_705[%gather3A_707] in [0] : vector<16xf32>, vector<16xi32> -> vector<16xf32>
      %add3A_709 = arith.addf %add3A_705, %gather3A_708 : vector<16xf32>
      %broadcast_in_dim3A_710 = vector.shape_cast %select_n3A_97 : vector<16xi32> to vector<16x1xi32>
      %gather3A_711 = vector.shape_cast %broadcast_in_dim3A_710 : vector<16x1xi32> to vector<16xi32>
      %gather3A_712 = tpu.dynamic_gather %add3A_709[%gather3A_711] in [0] : vector<16xf32>, vector<16xi32> -> vector<16xf32>
      %add3A_713 = arith.addf %add3A_709, %gather3A_712 : vector<16xf32>
      %broadcast_in_dim3A_714 = vector.shape_cast %select_n3A_22 : vector<16xi32> to vector<16x1xi32>
      %gather3A_715 = vector.shape_cast %broadcast_in_dim3A_714 : vector<16x1xi32> to vector<16xi32>
      %gather3A_716 = tpu.dynamic_gather %add3A_689[%gather3A_715] in [0] : vector<16xf32>, vector<16xi32> -> vector<16xf32>
      %add3A_717 = arith.addf %add3A_689, %gather3A_716 : vector<16xf32>
      %broadcast_in_dim3A_718 = vector.shape_cast %select_n3A_47 : vector<16xi32> to vector<16x1xi32>
      %gather3A_719 = vector.shape_cast %broadcast_in_dim3A_718 : vector<16x1xi32> to vector<16xi32>
      %gather3A_720 = tpu.dynamic_gather %add3A_717[%gather3A_719] in [0] : vector<16xf32>, vector<16xi32> -> vector<16xf32>
      %add3A_721 = arith.addf %add3A_717, %gather3A_720 : vector<16xf32>
      %broadcast_in_dim3A_722 = vector.shape_cast %select_n3A_72 : vector<16xi32> to vector<16x1xi32>
      %gather3A_723 = vector.shape_cast %broadcast_in_dim3A_722 : vector<16x1xi32> to vector<16xi32>
      %gather3A_724 = tpu.dynamic_gather %add3A_721[%gather3A_723] in [0] : vector<16xf32>, vector<16xi32> -> vector<16xf32>
      %add3A_725 = arith.addf %add3A_721, %gather3A_724 : vector<16xf32>
      %broadcast_in_dim3A_726 = vector.shape_cast %select_n3A_97 : vector<16xi32> to vector<16x1xi32>
      %gather3A_727 = vector.shape_cast %broadcast_in_dim3A_726 : vector<16x1xi32> to vector<16xi32>
      %gather3A_728 = tpu.dynamic_gather %add3A_725[%gather3A_727] in [0] : vector<16xf32>, vector<16xi32> -> vector<16xf32>
      %add3A_729 = arith.addf %add3A_725, %gather3A_728 : vector<16xf32>
      %broadcast_in_dim3A_730 = vector.shape_cast %select_n3A_22 : vector<16xi32> to vector<16x1xi32>
      %gather3A_731 = vector.shape_cast %broadcast_in_dim3A_730 : vector<16x1xi32> to vector<16xi32>
      %gather3A_732 = tpu.dynamic_gather %scan3A_696#0[%gather3A_731] in [0] : vector<16xf32>, vector<16xi32> -> vector<16xf32>
      %add3A_733 = arith.addf %scan3A_696#0, %gather3A_732 : vector<16xf32>
      %broadcast_in_dim3A_734 = vector.shape_cast %select_n3A_47 : vector<16xi32> to vector<16x1xi32>
      %gather3A_735 = vector.shape_cast %broadcast_in_dim3A_734 : vector<16x1xi32> to vector<16xi32>
      %gather3A_736 = tpu.dynamic_gather %add3A_733[%gather3A_735] in [0] : vector<16xf32>, vector<16xi32> -> vector<16xf32>
      %add3A_737 = arith.addf %add3A_733, %gather3A_736 : vector<16xf32>
      %broadcast_in_dim3A_738 = vector.shape_cast %select_n3A_72 : vector<16xi32> to vector<16x1xi32>
      %gather3A_739 = vector.shape_cast %broadcast_in_dim3A_738 : vector<16x1xi32> to vector<16xi32>
      %gather3A_740 = tpu.dynamic_gather %add3A_737[%gather3A_739] in [0] : vector<16xf32>, vector<16xi32> -> vector<16xf32>
      %add3A_741 = arith.addf %add3A_737, %gather3A_740 : vector<16xf32>
      %broadcast_in_dim3A_742 = vector.shape_cast %select_n3A_97 : vector<16xi32> to vector<16x1xi32>
      %gather3A_743 = vector.shape_cast %broadcast_in_dim3A_742 : vector<16x1xi32> to vector<16xi32>
      %gather3A_744 = tpu.dynamic_gather %add3A_741[%gather3A_743] in [0] : vector<16xf32>, vector<16xi32> -> vector<16xf32>
      %add3A_745 = arith.addf %add3A_741, %gather3A_744 : vector<16xf32>
      %broadcast_in_dim3A_746 = vector.shape_cast %select_n3A_22 : vector<16xi32> to vector<16x1xi32>
      %gather3A_747 = vector.shape_cast %broadcast_in_dim3A_746 : vector<16x1xi32> to vector<16xi32>
      %gather3A_748 = tpu.dynamic_gather %scan3A_696#1[%gather3A_747] in [0] : vector<16xf32>, vector<16xi32> -> vector<16xf32>
      %add3A_749 = arith.addf %scan3A_696#1, %gather3A_748 : vector<16xf32>
      %broadcast_in_dim3A_750 = vector.shape_cast %select_n3A_47 : vector<16xi32> to vector<16x1xi32>
      %gather3A_751 = vector.shape_cast %broadcast_in_dim3A_750 : vector<16x1xi32> to vector<16xi32>
      %gather3A_752 = tpu.dynamic_gather %add3A_749[%gather3A_751] in [0] : vector<16xf32>, vector<16xi32> -> vector<16xf32>
      %add3A_753 = arith.addf %add3A_749, %gather3A_752 : vector<16xf32>
      %broadcast_in_dim3A_754 = vector.shape_cast %select_n3A_72 : vector<16xi32> to vector<16x1xi32>
      %gather3A_755 = vector.shape_cast %broadcast_in_dim3A_754 : vector<16x1xi32> to vector<16xi32>
      %gather3A_756 = tpu.dynamic_gather %add3A_753[%gather3A_755] in [0] : vector<16xf32>, vector<16xi32> -> vector<16xf32>
      %add3A_757 = arith.addf %add3A_753, %gather3A_756 : vector<16xf32>
      %broadcast_in_dim3A_758 = vector.shape_cast %select_n3A_97 : vector<16xi32> to vector<16x1xi32>
      %gather3A_759 = vector.shape_cast %broadcast_in_dim3A_758 : vector<16x1xi32> to vector<16xi32>
      %gather3A_760 = tpu.dynamic_gather %add3A_757[%gather3A_759] in [0] : vector<16xf32>, vector<16xi32> -> vector<16xf32>
      %add3A_761 = arith.addf %add3A_757, %gather3A_760 : vector<16xf32>
      %and3A_762 = arith.constant 1 : i32
      %and3A_763 = vector.broadcast %and3A_762 : i32 to vector<16xi32>
      %and3A_764 = arith.andi %iota3A, %and3A_763 : vector<16xi32>
      %eq3A_765 = arith.constant 0 : i32
      %eq3A_766 = vector.broadcast %eq3A_765 : i32 to vector<16xi32>
      %eq3A_767 = arith.cmpi eq, %and3A_764, %eq3A_766 : vector<16xi32>
      %select_n3A_768 = arith.select %eq3A_767, %add3A_713, %add3A_729 : vector<16xi1>, vector<16xf32>
      %and3A_769 = arith.constant 1 : i32
      %and3A_770 = vector.broadcast %and3A_769 : i32 to vector<16xi32>
      %and3A_771 = arith.andi %iota3A, %and3A_770 : vector<16xi32>
      %eq3A_772 = arith.constant 0 : i32
      %eq3A_773 = vector.broadcast %eq3A_772 : i32 to vector<16xi32>
      %eq3A_774 = arith.cmpi eq, %and3A_771, %eq3A_773 : vector<16xi32>
      %select_n3A_775 = arith.select %eq3A_774, %add3A_745, %add3A_761 : vector<16xi1>, vector<16xf32>
      %and3A_776 = arith.constant 2 : i32
      %and3A_777 = vector.broadcast %and3A_776 : i32 to vector<16xi32>
      %and3A_778 = arith.andi %iota3A, %and3A_777 : vector<16xi32>
      %eq3A_779 = arith.constant 0 : i32
      %eq3A_780 = vector.broadcast %eq3A_779 : i32 to vector<16xi32>
      %eq3A_781 = arith.cmpi eq, %and3A_778, %eq3A_780 : vector<16xi32>
      %select_n3A_782 = arith.select %eq3A_781, %select_n3A_768, %select_n3A_775 : vector<16xi1>, vector<16xf32>
      %shift_right_arithmetic3A_783 = arith.constant 2 : i32
      %shift_right_arithmetic3A_784 = vector.broadcast %shift_right_arithmetic3A_783 : i32 to vector<16xi32>
      %shift_right_arithmetic3A_785 = arith.shrsi %iota3A, %shift_right_arithmetic3A_784 : vector<16xi32>
      %eq3A_786 = arith.constant 0 : i32
      %eq3A_787 = vector.broadcast %eq3A_786 : i32 to vector<16xi32>
      %eq3A_788 = arith.cmpi eq, %shift_right_arithmetic3A_785, %eq3A_787 : vector<16xi32>
      %select_n3A_789 = arith.select %eq3A_788, %select_n3A_782, %broadcast_in_dim3A_4 : vector<16xi1>, vector<16xf32>
      %mul3A_790 = arith.constant 4 : i32
      %mul3A_791 = arith.muli %add3A_659, %mul3A_790 : i32
      %add3A_792 = arith.constant 1 : i32
      %add3A_793 = arith.addi %mul3A_791, %add3A_792 : i32
      %mul3A_794 = arith.constant 400 : i32
      %mul3A_795 = arith.muli %add3A_793, %mul3A_794 : i32
      %scan3A_796 = arith.constant 0 : i32
      %scan3A_797 = arith.constant 12 : i32
      %scan3A_798 = arith.addi %scan3A_796, %scan3A_797 : i32
      %scan3A_799 = arith.constant 1 : i32
      %scan3A_800:2 = scf.for %scan3A_1198 = %scan3A_796 to %scan3A_798 step %scan3A_799 iter_args(%scan3A_1199 = %broadcast_in_dim3A_4, %scan3A_1200 = %broadcast_in_dim3A_4) -> (vector<16xf32>, vector<16xf32>)  : i32 {
        %mul3A_1201 = arith.constant 16 : i32
        %mul3A_1202 = arith.muli %scan3A_1198, %mul3A_1201 : i32
        %add3A_1203 = arith.addi %mul3A_795, %mul3A_1202 : i32
        %get3A_1204 = arith.index_cast %add3A_1203 : i32 to index
        %get3A_1205 = tpu.vector_load %arg7[%get3A_1204] {strides = array<i32>} : memref<25600xi32, #tpu.memory_space<vmem>>, vector<16xi32>,
        %shift_left3A_1206 = arith.constant 16 : i32
        %shift_left3A_1207 = vector.broadcast %shift_left3A_1206 : i32 to vector<16xi32>
        %shift_left3A_1208 = arith.shli %get3A_1205, %shift_left3A_1207 : vector<16xi32>
        %bitcast3A_1209 = vector.bitcast %shift_left3A_1208 : vector<16xi32> to vector<16xf32>
        %and3A_1210 = vector.broadcast %scan3A_104 : i32 to vector<16xi32>
        %and3A_1211 = arith.andi %get3A_1205, %and3A_1210 : vector<16xi32>
        %bitcast3A_1212 = vector.bitcast %and3A_1211 : vector<16xi32> to vector<16xf32>
        %add3A_1213 = arith.addf %scan3A_1199, %bitcast3A_1209 : vector<16xf32>
        %add3A_1214 = arith.addf %scan3A_1200, %bitcast3A_1212 : vector<16xf32>
        scf.yield %add3A_1213, %add3A_1214 : vector<16xf32>, vector<16xf32>
      }
      %scan3A_801 = arith.constant 12 : i32
      %add3A_802 = arith.constant 192 : i32
      %add3A_803 = arith.addi %mul3A_795, %add3A_802 : i32
      %get3A_804 = arith.index_cast %add3A_803 : i32 to index
      %get3A_805 = tpu.vector_load %arg7[%get3A_804] {strides = array<i32>} : memref<25600xi32, #tpu.memory_space<vmem>>, vector<16xi32>,
      %shift_left3A_806 = arith.constant 16 : i32
      %shift_left3A_807 = vector.broadcast %shift_left3A_806 : i32 to vector<16xi32>
      %shift_left3A_808 = arith.shli %get3A_805, %shift_left3A_807 : vector<16xi32>
      %bitcast3A_809 = vector.bitcast %shift_left3A_808 : vector<16xi32> to vector<16xf32>
      %and3A_810 = vector.broadcast %scan3A_104 : i32 to vector<16xi32>
      %and3A_811 = arith.andi %get3A_805, %and3A_810 : vector<16xi32>
      %bitcast3A_812 = vector.bitcast %and3A_811 : vector<16xi32> to vector<16xf32>
      %lt3A_813 = arith.constant 8 : i32
      %lt3A_814 = vector.broadcast %lt3A_813 : i32 to vector<16xi32>
      %lt3A_815 = arith.cmpi slt, %iota3A, %lt3A_814 : vector<16xi32>
      %select_n3A_816 = arith.select %lt3A_815, %bitcast3A_809, %broadcast_in_dim3A_4 : vector<16xi1>, vector<16xf32>
      %add3A_817 = arith.addf %scan3A_800#0, %select_n3A_816 : vector<16xf32>
      %select_n3A_818 = arith.select %lt3A_815, %bitcast3A_812, %broadcast_in_dim3A_4 : vector<16xi1>, vector<16xf32>
      %add3A_819 = arith.addf %scan3A_800#1, %select_n3A_818 : vector<16xf32>
      %select_n3A_820 = arith.select %lt3A_815, %broadcast_in_dim3A_4, %bitcast3A_809 : vector<16xi1>, vector<16xf32>
      %select_n3A_821 = arith.select %lt3A_815, %broadcast_in_dim3A_4, %bitcast3A_812 : vector<16xi1>, vector<16xf32>
      %scan3A_822 = arith.constant 13 : i32
      %scan3A_823 = arith.constant 12 : i32
      %scan3A_824 = arith.addi %scan3A_822, %scan3A_823 : i32
      %scan3A_825 = arith.constant 1 : i32
      %scan3A_826:2 = scf.for %scan3A_1198 = %scan3A_822 to %scan3A_824 step %scan3A_825 iter_args(%scan3A_1199 = %select_n3A_820, %scan3A_1200 = %select_n3A_821) -> (vector<16xf32>, vector<16xf32>)  : i32 {
        %mul3A_1201 = arith.constant 16 : i32
        %mul3A_1202 = arith.muli %scan3A_1198, %mul3A_1201 : i32
        %add3A_1203 = arith.addi %mul3A_795, %mul3A_1202 : i32
        %get3A_1204 = arith.index_cast %add3A_1203 : i32 to index
        %get3A_1205 = tpu.vector_load %arg7[%get3A_1204] {strides = array<i32>} : memref<25600xi32, #tpu.memory_space<vmem>>, vector<16xi32>,
        %shift_left3A_1206 = arith.constant 16 : i32
        %shift_left3A_1207 = vector.broadcast %shift_left3A_1206 : i32 to vector<16xi32>
        %shift_left3A_1208 = arith.shli %get3A_1205, %shift_left3A_1207 : vector<16xi32>
        %bitcast3A_1209 = vector.bitcast %shift_left3A_1208 : vector<16xi32> to vector<16xf32>
        %and3A_1210 = vector.broadcast %scan3A_104 : i32 to vector<16xi32>
        %and3A_1211 = arith.andi %get3A_1205, %and3A_1210 : vector<16xi32>
        %bitcast3A_1212 = vector.bitcast %and3A_1211 : vector<16xi32> to vector<16xf32>
        %add3A_1213 = arith.addf %scan3A_1199, %bitcast3A_1209 : vector<16xf32>
        %add3A_1214 = arith.addf %scan3A_1200, %bitcast3A_1212 : vector<16xf32>
        scf.yield %add3A_1213, %add3A_1214 : vector<16xf32>, vector<16xf32>
      }
      %scan3A_827 = arith.constant 12 : i32
      %broadcast_in_dim3A_828 = vector.shape_cast %select_n3A_22 : vector<16xi32> to vector<16x1xi32>
      %gather3A_829 = vector.shape_cast %broadcast_in_dim3A_828 : vector<16x1xi32> to vector<16xi32>
      %gather3A_830 = tpu.dynamic_gather %add3A_817[%gather3A_829] in [0] : vector<16xf32>, vector<16xi32> -> vector<16xf32>
      %add3A_831 = arith.addf %add3A_817, %gather3A_830 : vector<16xf32>
      %broadcast_in_dim3A_832 = vector.shape_cast %select_n3A_47 : vector<16xi32> to vector<16x1xi32>
      %gather3A_833 = vector.shape_cast %broadcast_in_dim3A_832 : vector<16x1xi32> to vector<16xi32>
      %gather3A_834 = tpu.dynamic_gather %add3A_831[%gather3A_833] in [0] : vector<16xf32>, vector<16xi32> -> vector<16xf32>
      %add3A_835 = arith.addf %add3A_831, %gather3A_834 : vector<16xf32>
      %broadcast_in_dim3A_836 = vector.shape_cast %select_n3A_72 : vector<16xi32> to vector<16x1xi32>
      %gather3A_837 = vector.shape_cast %broadcast_in_dim3A_836 : vector<16x1xi32> to vector<16xi32>
      %gather3A_838 = tpu.dynamic_gather %add3A_835[%gather3A_837] in [0] : vector<16xf32>, vector<16xi32> -> vector<16xf32>
      %add3A_839 = arith.addf %add3A_835, %gather3A_838 : vector<16xf32>
      %broadcast_in_dim3A_840 = vector.shape_cast %select_n3A_97 : vector<16xi32> to vector<16x1xi32>
      %gather3A_841 = vector.shape_cast %broadcast_in_dim3A_840 : vector<16x1xi32> to vector<16xi32>
      %gather3A_842 = tpu.dynamic_gather %add3A_839[%gather3A_841] in [0] : vector<16xf32>, vector<16xi32> -> vector<16xf32>
      %add3A_843 = arith.addf %add3A_839, %gather3A_842 : vector<16xf32>
      %broadcast_in_dim3A_844 = vector.shape_cast %select_n3A_22 : vector<16xi32> to vector<16x1xi32>
      %gather3A_845 = vector.shape_cast %broadcast_in_dim3A_844 : vector<16x1xi32> to vector<16xi32>
      %gather3A_846 = tpu.dynamic_gather %add3A_819[%gather3A_845] in [0] : vector<16xf32>, vector<16xi32> -> vector<16xf32>
      %add3A_847 = arith.addf %add3A_819, %gather3A_846 : vector<16xf32>
      %broadcast_in_dim3A_848 = vector.shape_cast %select_n3A_47 : vector<16xi32> to vector<16x1xi32>
      %gather3A_849 = vector.shape_cast %broadcast_in_dim3A_848 : vector<16x1xi32> to vector<16xi32>
      %gather3A_850 = tpu.dynamic_gather %add3A_847[%gather3A_849] in [0] : vector<16xf32>, vector<16xi32> -> vector<16xf32>
      %add3A_851 = arith.addf %add3A_847, %gather3A_850 : vector<16xf32>
      %broadcast_in_dim3A_852 = vector.shape_cast %select_n3A_72 : vector<16xi32> to vector<16x1xi32>
      %gather3A_853 = vector.shape_cast %broadcast_in_dim3A_852 : vector<16x1xi32> to vector<16xi32>
      %gather3A_854 = tpu.dynamic_gather %add3A_851[%gather3A_853] in [0] : vector<16xf32>, vector<16xi32> -> vector<16xf32>
      %add3A_855 = arith.addf %add3A_851, %gather3A_854 : vector<16xf32>
      %broadcast_in_dim3A_856 = vector.shape_cast %select_n3A_97 : vector<16xi32> to vector<16x1xi32>
      %gather3A_857 = vector.shape_cast %broadcast_in_dim3A_856 : vector<16x1xi32> to vector<16xi32>
      %gather3A_858 = tpu.dynamic_gather %add3A_855[%gather3A_857] in [0] : vector<16xf32>, vector<16xi32> -> vector<16xf32>
      %add3A_859 = arith.addf %add3A_855, %gather3A_858 : vector<16xf32>
      %broadcast_in_dim3A_860 = vector.shape_cast %select_n3A_22 : vector<16xi32> to vector<16x1xi32>
      %gather3A_861 = vector.shape_cast %broadcast_in_dim3A_860 : vector<16x1xi32> to vector<16xi32>
      %gather3A_862 = tpu.dynamic_gather %scan3A_826#0[%gather3A_861] in [0] : vector<16xf32>, vector<16xi32> -> vector<16xf32>
      %add3A_863 = arith.addf %scan3A_826#0, %gather3A_862 : vector<16xf32>
      %broadcast_in_dim3A_864 = vector.shape_cast %select_n3A_47 : vector<16xi32> to vector<16x1xi32>
      %gather3A_865 = vector.shape_cast %broadcast_in_dim3A_864 : vector<16x1xi32> to vector<16xi32>
      %gather3A_866 = tpu.dynamic_gather %add3A_863[%gather3A_865] in [0] : vector<16xf32>, vector<16xi32> -> vector<16xf32>
      %add3A_867 = arith.addf %add3A_863, %gather3A_866 : vector<16xf32>
      %broadcast_in_dim3A_868 = vector.shape_cast %select_n3A_72 : vector<16xi32> to vector<16x1xi32>
      %gather3A_869 = vector.shape_cast %broadcast_in_dim3A_868 : vector<16x1xi32> to vector<16xi32>
      %gather3A_870 = tpu.dynamic_gather %add3A_867[%gather3A_869] in [0] : vector<16xf32>, vector<16xi32> -> vector<16xf32>
      %add3A_871 = arith.addf %add3A_867, %gather3A_870 : vector<16xf32>
      %broadcast_in_dim3A_872 = vector.shape_cast %select_n3A_97 : vector<16xi32> to vector<16x1xi32>
      %gather3A_873 = vector.shape_cast %broadcast_in_dim3A_872 : vector<16x1xi32> to vector<16xi32>
      %gather3A_874 = tpu.dynamic_gather %add3A_871[%gather3A_873] in [0] : vector<16xf32>, vector<16xi32> -> vector<16xf32>
      %add3A_875 = arith.addf %add3A_871, %gather3A_874 : vector<16xf32>
      %broadcast_in_dim3A_876 = vector.shape_cast %select_n3A_22 : vector<16xi32> to vector<16x1xi32>
      %gather3A_877 = vector.shape_cast %broadcast_in_dim3A_876 : vector<16x1xi32> to vector<16xi32>
      %gather3A_878 = tpu.dynamic_gather %scan3A_826#1[%gather3A_877] in [0] : vector<16xf32>, vector<16xi32> -> vector<16xf32>
      %add3A_879 = arith.addf %scan3A_826#1, %gather3A_878 : vector<16xf32>
      %broadcast_in_dim3A_880 = vector.shape_cast %select_n3A_47 : vector<16xi32> to vector<16x1xi32>
      %gather3A_881 = vector.shape_cast %broadcast_in_dim3A_880 : vector<16x1xi32> to vector<16xi32>
      %gather3A_882 = tpu.dynamic_gather %add3A_879[%gather3A_881] in [0] : vector<16xf32>, vector<16xi32> -> vector<16xf32>
      %add3A_883 = arith.addf %add3A_879, %gather3A_882 : vector<16xf32>
      %broadcast_in_dim3A_884 = vector.shape_cast %select_n3A_72 : vector<16xi32> to vector<16x1xi32>
      %gather3A_885 = vector.shape_cast %broadcast_in_dim3A_884 : vector<16x1xi32> to vector<16xi32>
      %gather3A_886 = tpu.dynamic_gather %add3A_883[%gather3A_885] in [0] : vector<16xf32>, vector<16xi32> -> vector<16xf32>
      %add3A_887 = arith.addf %add3A_883, %gather3A_886 : vector<16xf32>
      %broadcast_in_dim3A_888 = vector.shape_cast %select_n3A_97 : vector<16xi32> to vector<16x1xi32>
      %gather3A_889 = vector.shape_cast %broadcast_in_dim3A_888 : vector<16x1xi32> to vector<16xi32>
      %gather3A_890 = tpu.dynamic_gather %add3A_887[%gather3A_889] in [0] : vector<16xf32>, vector<16xi32> -> vector<16xf32>
      %add3A_891 = arith.addf %add3A_887, %gather3A_890 : vector<16xf32>
      %and3A_892 = arith.constant 1 : i32
      %and3A_893 = vector.broadcast %and3A_892 : i32 to vector<16xi32>
      %and3A_894 = arith.andi %iota3A, %and3A_893 : vector<16xi32>
      %eq3A_895 = arith.constant 0 : i32
      %eq3A_896 = vector.broadcast %eq3A_895 : i32 to vector<16xi32>
      %eq3A_897 = arith.cmpi eq, %and3A_894, %eq3A_896 : vector<16xi32>
      %select_n3A_898 = arith.select %eq3A_897, %add3A_843, %add3A_859 : vector<16xi1>, vector<16xf32>
      %and3A_899 = arith.constant 1 : i32
      %and3A_900 = vector.broadcast %and3A_899 : i32 to vector<16xi32>
      %and3A_901 = arith.andi %iota3A, %and3A_900 : vector<16xi32>
      %eq3A_902 = arith.constant 0 : i32
      %eq3A_903 = vector.broadcast %eq3A_902 : i32 to vector<16xi32>
      %eq3A_904 = arith.cmpi eq, %and3A_901, %eq3A_903 : vector<16xi32>
      %select_n3A_905 = arith.select %eq3A_904, %add3A_875, %add3A_891 : vector<16xi1>, vector<16xf32>
      %and3A_906 = arith.constant 2 : i32
      %and3A_907 = vector.broadcast %and3A_906 : i32 to vector<16xi32>
      %and3A_908 = arith.andi %iota3A, %and3A_907 : vector<16xi32>
      %eq3A_909 = arith.constant 0 : i32
      %eq3A_910 = vector.broadcast %eq3A_909 : i32 to vector<16xi32>
      %eq3A_911 = arith.cmpi eq, %and3A_908, %eq3A_910 : vector<16xi32>
      %select_n3A_912 = arith.select %eq3A_911, %select_n3A_898, %select_n3A_905 : vector<16xi1>, vector<16xf32>
      %shift_right_arithmetic3A_913 = arith.constant 2 : i32
      %shift_right_arithmetic3A_914 = vector.broadcast %shift_right_arithmetic3A_913 : i32 to vector<16xi32>
      %shift_right_arithmetic3A_915 = arith.shrsi %iota3A, %shift_right_arithmetic3A_914 : vector<16xi32>
      %eq3A_916 = arith.constant 1 : i32
      %eq3A_917 = vector.broadcast %eq3A_916 : i32 to vector<16xi32>
      %eq3A_918 = arith.cmpi eq, %shift_right_arithmetic3A_915, %eq3A_917 : vector<16xi32>
      %select_n3A_919 = arith.select %eq3A_918, %select_n3A_912, %select_n3A_789 : vector<16xi1>, vector<16xf32>
      %mul3A_920 = arith.constant 4 : i32
      %mul3A_921 = arith.muli %add3A_659, %mul3A_920 : i32
      %add3A_922 = arith.constant 2 : i32
      %add3A_923 = arith.addi %mul3A_921, %add3A_922 : i32
      %mul3A_924 = arith.constant 400 : i32
      %mul3A_925 = arith.muli %add3A_923, %mul3A_924 : i32
      %scan3A_926 = arith.constant 0 : i32
      %scan3A_927 = arith.constant 12 : i32
      %scan3A_928 = arith.addi %scan3A_926, %scan3A_927 : i32
      %scan3A_929 = arith.constant 1 : i32
      %scan3A_930:2 = scf.for %scan3A_1198 = %scan3A_926 to %scan3A_928 step %scan3A_929 iter_args(%scan3A_1199 = %broadcast_in_dim3A_4, %scan3A_1200 = %broadcast_in_dim3A_4) -> (vector<16xf32>, vector<16xf32>)  : i32 {
        %mul3A_1201 = arith.constant 16 : i32
        %mul3A_1202 = arith.muli %scan3A_1198, %mul3A_1201 : i32
        %add3A_1203 = arith.addi %mul3A_925, %mul3A_1202 : i32
        %get3A_1204 = arith.index_cast %add3A_1203 : i32 to index
        %get3A_1205 = tpu.vector_load %arg7[%get3A_1204] {strides = array<i32>} : memref<25600xi32, #tpu.memory_space<vmem>>, vector<16xi32>,
        %shift_left3A_1206 = arith.constant 16 : i32
        %shift_left3A_1207 = vector.broadcast %shift_left3A_1206 : i32 to vector<16xi32>
        %shift_left3A_1208 = arith.shli %get3A_1205, %shift_left3A_1207 : vector<16xi32>
        %bitcast3A_1209 = vector.bitcast %shift_left3A_1208 : vector<16xi32> to vector<16xf32>
        %and3A_1210 = vector.broadcast %scan3A_104 : i32 to vector<16xi32>
        %and3A_1211 = arith.andi %get3A_1205, %and3A_1210 : vector<16xi32>
        %bitcast3A_1212 = vector.bitcast %and3A_1211 : vector<16xi32> to vector<16xf32>
        %add3A_1213 = arith.addf %scan3A_1199, %bitcast3A_1209 : vector<16xf32>
        %add3A_1214 = arith.addf %scan3A_1200, %bitcast3A_1212 : vector<16xf32>
        scf.yield %add3A_1213, %add3A_1214 : vector<16xf32>, vector<16xf32>
      }
      %scan3A_931 = arith.constant 12 : i32
      %add3A_932 = arith.constant 192 : i32
      %add3A_933 = arith.addi %mul3A_925, %add3A_932 : i32
      %get3A_934 = arith.index_cast %add3A_933 : i32 to index
      %get3A_935 = tpu.vector_load %arg7[%get3A_934] {strides = array<i32>} : memref<25600xi32, #tpu.memory_space<vmem>>, vector<16xi32>,
      %shift_left3A_936 = arith.constant 16 : i32
      %shift_left3A_937 = vector.broadcast %shift_left3A_936 : i32 to vector<16xi32>
      %shift_left3A_938 = arith.shli %get3A_935, %shift_left3A_937 : vector<16xi32>
      %bitcast3A_939 = vector.bitcast %shift_left3A_938 : vector<16xi32> to vector<16xf32>
      %and3A_940 = vector.broadcast %scan3A_104 : i32 to vector<16xi32>
      %and3A_941 = arith.andi %get3A_935, %and3A_940 : vector<16xi32>
      %bitcast3A_942 = vector.bitcast %and3A_941 : vector<16xi32> to vector<16xf32>
      %lt3A_943 = arith.constant 8 : i32
      %lt3A_944 = vector.broadcast %lt3A_943 : i32 to vector<16xi32>
      %lt3A_945 = arith.cmpi slt, %iota3A, %lt3A_944 : vector<16xi32>
      %select_n3A_946 = arith.select %lt3A_945, %bitcast3A_939, %broadcast_in_dim3A_4 : vector<16xi1>, vector<16xf32>
      %add3A_947 = arith.addf %scan3A_930#0, %select_n3A_946 : vector<16xf32>
      %select_n3A_948 = arith.select %lt3A_945, %bitcast3A_942, %broadcast_in_dim3A_4 : vector<16xi1>, vector<16xf32>
      %add3A_949 = arith.addf %scan3A_930#1, %select_n3A_948 : vector<16xf32>
      %select_n3A_950 = arith.select %lt3A_945, %broadcast_in_dim3A_4, %bitcast3A_939 : vector<16xi1>, vector<16xf32>
      %select_n3A_951 = arith.select %lt3A_945, %broadcast_in_dim3A_4, %bitcast3A_942 : vector<16xi1>, vector<16xf32>
      %scan3A_952 = arith.constant 13 : i32
      %scan3A_953 = arith.constant 12 : i32
      %scan3A_954 = arith.addi %scan3A_952, %scan3A_953 : i32
      %scan3A_955 = arith.constant 1 : i32
      %scan3A_956:2 = scf.for %scan3A_1198 = %scan3A_952 to %scan3A_954 step %scan3A_955 iter_args(%scan3A_1199 = %select_n3A_950, %scan3A_1200 = %select_n3A_951) -> (vector<16xf32>, vector<16xf32>)  : i32 {
        %mul3A_1201 = arith.constant 16 : i32
        %mul3A_1202 = arith.muli %scan3A_1198, %mul3A_1201 : i32
        %add3A_1203 = arith.addi %mul3A_925, %mul3A_1202 : i32
        %get3A_1204 = arith.index_cast %add3A_1203 : i32 to index
        %get3A_1205 = tpu.vector_load %arg7[%get3A_1204] {strides = array<i32>} : memref<25600xi32, #tpu.memory_space<vmem>>, vector<16xi32>,
        %shift_left3A_1206 = arith.constant 16 : i32
        %shift_left3A_1207 = vector.broadcast %shift_left3A_1206 : i32 to vector<16xi32>
        %shift_left3A_1208 = arith.shli %get3A_1205, %shift_left3A_1207 : vector<16xi32>
        %bitcast3A_1209 = vector.bitcast %shift_left3A_1208 : vector<16xi32> to vector<16xf32>
        %and3A_1210 = vector.broadcast %scan3A_104 : i32 to vector<16xi32>
        %and3A_1211 = arith.andi %get3A_1205, %and3A_1210 : vector<16xi32>
        %bitcast3A_1212 = vector.bitcast %and3A_1211 : vector<16xi32> to vector<16xf32>
        %add3A_1213 = arith.addf %scan3A_1199, %bitcast3A_1209 : vector<16xf32>
        %add3A_1214 = arith.addf %scan3A_1200, %bitcast3A_1212 : vector<16xf32>
        scf.yield %add3A_1213, %add3A_1214 : vector<16xf32>, vector<16xf32>
      }
      %scan3A_957 = arith.constant 12 : i32
      %broadcast_in_dim3A_958 = vector.shape_cast %select_n3A_22 : vector<16xi32> to vector<16x1xi32>
      %gather3A_959 = vector.shape_cast %broadcast_in_dim3A_958 : vector<16x1xi32> to vector<16xi32>
      %gather3A_960 = tpu.dynamic_gather %add3A_947[%gather3A_959] in [0] : vector<16xf32>, vector<16xi32> -> vector<16xf32>
      %add3A_961 = arith.addf %add3A_947, %gather3A_960 : vector<16xf32>
      %broadcast_in_dim3A_962 = vector.shape_cast %select_n3A_47 : vector<16xi32> to vector<16x1xi32>
      %gather3A_963 = vector.shape_cast %broadcast_in_dim3A_962 : vector<16x1xi32> to vector<16xi32>
      %gather3A_964 = tpu.dynamic_gather %add3A_961[%gather3A_963] in [0] : vector<16xf32>, vector<16xi32> -> vector<16xf32>
      %add3A_965 = arith.addf %add3A_961, %gather3A_964 : vector<16xf32>
      %broadcast_in_dim3A_966 = vector.shape_cast %select_n3A_72 : vector<16xi32> to vector<16x1xi32>
      %gather3A_967 = vector.shape_cast %broadcast_in_dim3A_966 : vector<16x1xi32> to vector<16xi32>
      %gather3A_968 = tpu.dynamic_gather %add3A_965[%gather3A_967] in [0] : vector<16xf32>, vector<16xi32> -> vector<16xf32>
      %add3A_969 = arith.addf %add3A_965, %gather3A_968 : vector<16xf32>
      %broadcast_in_dim3A_970 = vector.shape_cast %select_n3A_97 : vector<16xi32> to vector<16x1xi32>
      %gather3A_971 = vector.shape_cast %broadcast_in_dim3A_970 : vector<16x1xi32> to vector<16xi32>
      %gather3A_972 = tpu.dynamic_gather %add3A_969[%gather3A_971] in [0] : vector<16xf32>, vector<16xi32> -> vector<16xf32>
      %add3A_973 = arith.addf %add3A_969, %gather3A_972 : vector<16xf32>
      %broadcast_in_dim3A_974 = vector.shape_cast %select_n3A_22 : vector<16xi32> to vector<16x1xi32>
      %gather3A_975 = vector.shape_cast %broadcast_in_dim3A_974 : vector<16x1xi32> to vector<16xi32>
      %gather3A_976 = tpu.dynamic_gather %add3A_949[%gather3A_975] in [0] : vector<16xf32>, vector<16xi32> -> vector<16xf32>
      %add3A_977 = arith.addf %add3A_949, %gather3A_976 : vector<16xf32>
      %broadcast_in_dim3A_978 = vector.shape_cast %select_n3A_47 : vector<16xi32> to vector<16x1xi32>
      %gather3A_979 = vector.shape_cast %broadcast_in_dim3A_978 : vector<16x1xi32> to vector<16xi32>
      %gather3A_980 = tpu.dynamic_gather %add3A_977[%gather3A_979] in [0] : vector<16xf32>, vector<16xi32> -> vector<16xf32>
      %add3A_981 = arith.addf %add3A_977, %gather3A_980 : vector<16xf32>
      %broadcast_in_dim3A_982 = vector.shape_cast %select_n3A_72 : vector<16xi32> to vector<16x1xi32>
      %gather3A_983 = vector.shape_cast %broadcast_in_dim3A_982 : vector<16x1xi32> to vector<16xi32>
      %gather3A_984 = tpu.dynamic_gather %add3A_981[%gather3A_983] in [0] : vector<16xf32>, vector<16xi32> -> vector<16xf32>
      %add3A_985 = arith.addf %add3A_981, %gather3A_984 : vector<16xf32>
      %broadcast_in_dim3A_986 = vector.shape_cast %select_n3A_97 : vector<16xi32> to vector<16x1xi32>
      %gather3A_987 = vector.shape_cast %broadcast_in_dim3A_986 : vector<16x1xi32> to vector<16xi32>
      %gather3A_988 = tpu.dynamic_gather %add3A_985[%gather3A_987] in [0] : vector<16xf32>, vector<16xi32> -> vector<16xf32>
      %add3A_989 = arith.addf %add3A_985, %gather3A_988 : vector<16xf32>
      %broadcast_in_dim3A_990 = vector.shape_cast %select_n3A_22 : vector<16xi32> to vector<16x1xi32>
      %gather3A_991 = vector.shape_cast %broadcast_in_dim3A_990 : vector<16x1xi32> to vector<16xi32>
      %gather3A_992 = tpu.dynamic_gather %scan3A_956#0[%gather3A_991] in [0] : vector<16xf32>, vector<16xi32> -> vector<16xf32>
      %add3A_993 = arith.addf %scan3A_956#0, %gather3A_992 : vector<16xf32>
      %broadcast_in_dim3A_994 = vector.shape_cast %select_n3A_47 : vector<16xi32> to vector<16x1xi32>
      %gather3A_995 = vector.shape_cast %broadcast_in_dim3A_994 : vector<16x1xi32> to vector<16xi32>
      %gather3A_996 = tpu.dynamic_gather %add3A_993[%gather3A_995] in [0] : vector<16xf32>, vector<16xi32> -> vector<16xf32>
      %add3A_997 = arith.addf %add3A_993, %gather3A_996 : vector<16xf32>
      %broadcast_in_dim3A_998 = vector.shape_cast %select_n3A_72 : vector<16xi32> to vector<16x1xi32>
      %gather3A_999 = vector.shape_cast %broadcast_in_dim3A_998 : vector<16x1xi32> to vector<16xi32>
      %gather3A_1000 = tpu.dynamic_gather %add3A_997[%gather3A_999] in [0] : vector<16xf32>, vector<16xi32> -> vector<16xf32>
      %add3A_1001 = arith.addf %add3A_997, %gather3A_1000 : vector<16xf32>
      %broadcast_in_dim3A_1002 = vector.shape_cast %select_n3A_97 : vector<16xi32> to vector<16x1xi32>
      %gather3A_1003 = vector.shape_cast %broadcast_in_dim3A_1002 : vector<16x1xi32> to vector<16xi32>
      %gather3A_1004 = tpu.dynamic_gather %add3A_1001[%gather3A_1003] in [0] : vector<16xf32>, vector<16xi32> -> vector<16xf32>
      %add3A_1005 = arith.addf %add3A_1001, %gather3A_1004 : vector<16xf32>
      %broadcast_in_dim3A_1006 = vector.shape_cast %select_n3A_22 : vector<16xi32> to vector<16x1xi32>
      %gather3A_1007 = vector.shape_cast %broadcast_in_dim3A_1006 : vector<16x1xi32> to vector<16xi32>
      %gather3A_1008 = tpu.dynamic_gather %scan3A_956#1[%gather3A_1007] in [0] : vector<16xf32>, vector<16xi32> -> vector<16xf32>
      %add3A_1009 = arith.addf %scan3A_956#1, %gather3A_1008 : vector<16xf32>
      %broadcast_in_dim3A_1010 = vector.shape_cast %select_n3A_47 : vector<16xi32> to vector<16x1xi32>
      %gather3A_1011 = vector.shape_cast %broadcast_in_dim3A_1010 : vector<16x1xi32> to vector<16xi32>
      %gather3A_1012 = tpu.dynamic_gather %add3A_1009[%gather3A_1011] in [0] : vector<16xf32>, vector<16xi32> -> vector<16xf32>
      %add3A_1013 = arith.addf %add3A_1009, %gather3A_1012 : vector<16xf32>
      %broadcast_in_dim3A_1014 = vector.shape_cast %select_n3A_72 : vector<16xi32> to vector<16x1xi32>
      %gather3A_1015 = vector.shape_cast %broadcast_in_dim3A_1014 : vector<16x1xi32> to vector<16xi32>
      %gather3A_1016 = tpu.dynamic_gather %add3A_1013[%gather3A_1015] in [0] : vector<16xf32>, vector<16xi32> -> vector<16xf32>
      %add3A_1017 = arith.addf %add3A_1013, %gather3A_1016 : vector<16xf32>
      %broadcast_in_dim3A_1018 = vector.shape_cast %select_n3A_97 : vector<16xi32> to vector<16x1xi32>
      %gather3A_1019 = vector.shape_cast %broadcast_in_dim3A_1018 : vector<16x1xi32> to vector<16xi32>
      %gather3A_1020 = tpu.dynamic_gather %add3A_1017[%gather3A_1019] in [0] : vector<16xf32>, vector<16xi32> -> vector<16xf32>
      %add3A_1021 = arith.addf %add3A_1017, %gather3A_1020 : vector<16xf32>
      %and3A_1022 = arith.constant 1 : i32
      %and3A_1023 = vector.broadcast %and3A_1022 : i32 to vector<16xi32>
      %and3A_1024 = arith.andi %iota3A, %and3A_1023 : vector<16xi32>
      %eq3A_1025 = arith.constant 0 : i32
      %eq3A_1026 = vector.broadcast %eq3A_1025 : i32 to vector<16xi32>
      %eq3A_1027 = arith.cmpi eq, %and3A_1024, %eq3A_1026 : vector<16xi32>
      %select_n3A_1028 = arith.select %eq3A_1027, %add3A_973, %add3A_989 : vector<16xi1>, vector<16xf32>
      %and3A_1029 = arith.constant 1 : i32
      %and3A_1030 = vector.broadcast %and3A_1029 : i32 to vector<16xi32>
      %and3A_1031 = arith.andi %iota3A, %and3A_1030 : vector<16xi32>
      %eq3A_1032 = arith.constant 0 : i32
      %eq3A_1033 = vector.broadcast %eq3A_1032 : i32 to vector<16xi32>
      %eq3A_1034 = arith.cmpi eq, %and3A_1031, %eq3A_1033 : vector<16xi32>
      %select_n3A_1035 = arith.select %eq3A_1034, %add3A_1005, %add3A_1021 : vector<16xi1>, vector<16xf32>
      %and3A_1036 = arith.constant 2 : i32
      %and3A_1037 = vector.broadcast %and3A_1036 : i32 to vector<16xi32>
      %and3A_1038 = arith.andi %iota3A, %and3A_1037 : vector<16xi32>
      %eq3A_1039 = arith.constant 0 : i32
      %eq3A_1040 = vector.broadcast %eq3A_1039 : i32 to vector<16xi32>
      %eq3A_1041 = arith.cmpi eq, %and3A_1038, %eq3A_1040 : vector<16xi32>
      %select_n3A_1042 = arith.select %eq3A_1041, %select_n3A_1028, %select_n3A_1035 : vector<16xi1>, vector<16xf32>
      %shift_right_arithmetic3A_1043 = arith.constant 2 : i32
      %shift_right_arithmetic3A_1044 = vector.broadcast %shift_right_arithmetic3A_1043 : i32 to vector<16xi32>
      %shift_right_arithmetic3A_1045 = arith.shrsi %iota3A, %shift_right_arithmetic3A_1044 : vector<16xi32>
      %eq3A_1046 = arith.constant 2 : i32
      %eq3A_1047 = vector.broadcast %eq3A_1046 : i32 to vector<16xi32>
      %eq3A_1048 = arith.cmpi eq, %shift_right_arithmetic3A_1045, %eq3A_1047 : vector<16xi32>
      %select_n3A_1049 = arith.select %eq3A_1048, %select_n3A_1042, %select_n3A_919 : vector<16xi1>, vector<16xf32>
      %mul3A_1050 = arith.constant 4 : i32
      %mul3A_1051 = arith.muli %add3A_659, %mul3A_1050 : i32
      %add3A_1052 = arith.constant 3 : i32
      %add3A_1053 = arith.addi %mul3A_1051, %add3A_1052 : i32
      %mul3A_1054 = arith.constant 400 : i32
      %mul3A_1055 = arith.muli %add3A_1053, %mul3A_1054 : i32
      %scan3A_1056 = arith.constant 0 : i32
      %scan3A_1057 = arith.constant 12 : i32
      %scan3A_1058 = arith.addi %scan3A_1056, %scan3A_1057 : i32
      %scan3A_1059 = arith.constant 1 : i32
      %scan3A_1060:2 = scf.for %scan3A_1198 = %scan3A_1056 to %scan3A_1058 step %scan3A_1059 iter_args(%scan3A_1199 = %broadcast_in_dim3A_4, %scan3A_1200 = %broadcast_in_dim3A_4) -> (vector<16xf32>, vector<16xf32>)  : i32 {
        %mul3A_1201 = arith.constant 16 : i32
        %mul3A_1202 = arith.muli %scan3A_1198, %mul3A_1201 : i32
        %add3A_1203 = arith.addi %mul3A_1055, %mul3A_1202 : i32
        %get3A_1204 = arith.index_cast %add3A_1203 : i32 to index
        %get3A_1205 = tpu.vector_load %arg7[%get3A_1204] {strides = array<i32>} : memref<25600xi32, #tpu.memory_space<vmem>>, vector<16xi32>,
        %shift_left3A_1206 = arith.constant 16 : i32
        %shift_left3A_1207 = vector.broadcast %shift_left3A_1206 : i32 to vector<16xi32>
        %shift_left3A_1208 = arith.shli %get3A_1205, %shift_left3A_1207 : vector<16xi32>
        %bitcast3A_1209 = vector.bitcast %shift_left3A_1208 : vector<16xi32> to vector<16xf32>
        %and3A_1210 = vector.broadcast %scan3A_104 : i32 to vector<16xi32>
        %and3A_1211 = arith.andi %get3A_1205, %and3A_1210 : vector<16xi32>
        %bitcast3A_1212 = vector.bitcast %and3A_1211 : vector<16xi32> to vector<16xf32>
        %add3A_1213 = arith.addf %scan3A_1199, %bitcast3A_1209 : vector<16xf32>
        %add3A_1214 = arith.addf %scan3A_1200, %bitcast3A_1212 : vector<16xf32>
        scf.yield %add3A_1213, %add3A_1214 : vector<16xf32>, vector<16xf32>
      }
      %scan3A_1061 = arith.constant 12 : i32
      %add3A_1062 = arith.constant 192 : i32
      %add3A_1063 = arith.addi %mul3A_1055, %add3A_1062 : i32
      %get3A_1064 = arith.index_cast %add3A_1063 : i32 to index
      %get3A_1065 = tpu.vector_load %arg7[%get3A_1064] {strides = array<i32>} : memref<25600xi32, #tpu.memory_space<vmem>>, vector<16xi32>,
      %shift_left3A_1066 = arith.constant 16 : i32
      %shift_left3A_1067 = vector.broadcast %shift_left3A_1066 : i32 to vector<16xi32>
      %shift_left3A_1068 = arith.shli %get3A_1065, %shift_left3A_1067 : vector<16xi32>
      %bitcast3A_1069 = vector.bitcast %shift_left3A_1068 : vector<16xi32> to vector<16xf32>
      %and3A_1070 = vector.broadcast %scan3A_104 : i32 to vector<16xi32>
      %and3A_1071 = arith.andi %get3A_1065, %and3A_1070 : vector<16xi32>
      %bitcast3A_1072 = vector.bitcast %and3A_1071 : vector<16xi32> to vector<16xf32>
      %lt3A_1073 = arith.constant 8 : i32
      %lt3A_1074 = vector.broadcast %lt3A_1073 : i32 to vector<16xi32>
      %lt3A_1075 = arith.cmpi slt, %iota3A, %lt3A_1074 : vector<16xi32>
      %select_n3A_1076 = arith.select %lt3A_1075, %bitcast3A_1069, %broadcast_in_dim3A_4 : vector<16xi1>, vector<16xf32>
      %add3A_1077 = arith.addf %scan3A_1060#0, %select_n3A_1076 : vector<16xf32>
      %select_n3A_1078 = arith.select %lt3A_1075, %bitcast3A_1072, %broadcast_in_dim3A_4 : vector<16xi1>, vector<16xf32>
      %add3A_1079 = arith.addf %scan3A_1060#1, %select_n3A_1078 : vector<16xf32>
      %select_n3A_1080 = arith.select %lt3A_1075, %broadcast_in_dim3A_4, %bitcast3A_1069 : vector<16xi1>, vector<16xf32>
      %select_n3A_1081 = arith.select %lt3A_1075, %broadcast_in_dim3A_4, %bitcast3A_1072 : vector<16xi1>, vector<16xf32>
      %scan3A_1082 = arith.constant 13 : i32
      %scan3A_1083 = arith.constant 12 : i32
      %scan3A_1084 = arith.addi %scan3A_1082, %scan3A_1083 : i32
      %scan3A_1085 = arith.constant 1 : i32
      %scan3A_1086:2 = scf.for %scan3A_1198 = %scan3A_1082 to %scan3A_1084 step %scan3A_1085 iter_args(%scan3A_1199 = %select_n3A_1080, %scan3A_1200 = %select_n3A_1081) -> (vector<16xf32>, vector<16xf32>)  : i32 {
        %mul3A_1201 = arith.constant 16 : i32
        %mul3A_1202 = arith.muli %scan3A_1198, %mul3A_1201 : i32
        %add3A_1203 = arith.addi %mul3A_1055, %mul3A_1202 : i32
        %get3A_1204 = arith.index_cast %add3A_1203 : i32 to index
        %get3A_1205 = tpu.vector_load %arg7[%get3A_1204] {strides = array<i32>} : memref<25600xi32, #tpu.memory_space<vmem>>, vector<16xi32>,
        %shift_left3A_1206 = arith.constant 16 : i32
        %shift_left3A_1207 = vector.broadcast %shift_left3A_1206 : i32 to vector<16xi32>
        %shift_left3A_1208 = arith.shli %get3A_1205, %shift_left3A_1207 : vector<16xi32>
        %bitcast3A_1209 = vector.bitcast %shift_left3A_1208 : vector<16xi32> to vector<16xf32>
        %and3A_1210 = vector.broadcast %scan3A_104 : i32 to vector<16xi32>
        %and3A_1211 = arith.andi %get3A_1205, %and3A_1210 : vector<16xi32>
        %bitcast3A_1212 = vector.bitcast %and3A_1211 : vector<16xi32> to vector<16xf32>
        %add3A_1213 = arith.addf %scan3A_1199, %bitcast3A_1209 : vector<16xf32>
        %add3A_1214 = arith.addf %scan3A_1200, %bitcast3A_1212 : vector<16xf32>
        scf.yield %add3A_1213, %add3A_1214 : vector<16xf32>, vector<16xf32>
      }
      %scan3A_1087 = arith.constant 12 : i32
      %broadcast_in_dim3A_1088 = vector.shape_cast %select_n3A_22 : vector<16xi32> to vector<16x1xi32>
      %gather3A_1089 = vector.shape_cast %broadcast_in_dim3A_1088 : vector<16x1xi32> to vector<16xi32>
      %gather3A_1090 = tpu.dynamic_gather %add3A_1077[%gather3A_1089] in [0] : vector<16xf32>, vector<16xi32> -> vector<16xf32>
      %add3A_1091 = arith.addf %add3A_1077, %gather3A_1090 : vector<16xf32>
      %broadcast_in_dim3A_1092 = vector.shape_cast %select_n3A_47 : vector<16xi32> to vector<16x1xi32>
      %gather3A_1093 = vector.shape_cast %broadcast_in_dim3A_1092 : vector<16x1xi32> to vector<16xi32>
      %gather3A_1094 = tpu.dynamic_gather %add3A_1091[%gather3A_1093] in [0] : vector<16xf32>, vector<16xi32> -> vector<16xf32>
      %add3A_1095 = arith.addf %add3A_1091, %gather3A_1094 : vector<16xf32>
      %broadcast_in_dim3A_1096 = vector.shape_cast %select_n3A_72 : vector<16xi32> to vector<16x1xi32>
      %gather3A_1097 = vector.shape_cast %broadcast_in_dim3A_1096 : vector<16x1xi32> to vector<16xi32>
      %gather3A_1098 = tpu.dynamic_gather %add3A_1095[%gather3A_1097] in [0] : vector<16xf32>, vector<16xi32> -> vector<16xf32>
      %add3A_1099 = arith.addf %add3A_1095, %gather3A_1098 : vector<16xf32>
      %broadcast_in_dim3A_1100 = vector.shape_cast %select_n3A_97 : vector<16xi32> to vector<16x1xi32>
      %gather3A_1101 = vector.shape_cast %broadcast_in_dim3A_1100 : vector<16x1xi32> to vector<16xi32>
      %gather3A_1102 = tpu.dynamic_gather %add3A_1099[%gather3A_1101] in [0] : vector<16xf32>, vector<16xi32> -> vector<16xf32>
      %add3A_1103 = arith.addf %add3A_1099, %gather3A_1102 : vector<16xf32>
      %broadcast_in_dim3A_1104 = vector.shape_cast %select_n3A_22 : vector<16xi32> to vector<16x1xi32>
      %gather3A_1105 = vector.shape_cast %broadcast_in_dim3A_1104 : vector<16x1xi32> to vector<16xi32>
      %gather3A_1106 = tpu.dynamic_gather %add3A_1079[%gather3A_1105] in [0] : vector<16xf32>, vector<16xi32> -> vector<16xf32>
      %add3A_1107 = arith.addf %add3A_1079, %gather3A_1106 : vector<16xf32>
      %broadcast_in_dim3A_1108 = vector.shape_cast %select_n3A_47 : vector<16xi32> to vector<16x1xi32>
      %gather3A_1109 = vector.shape_cast %broadcast_in_dim3A_1108 : vector<16x1xi32> to vector<16xi32>
      %gather3A_1110 = tpu.dynamic_gather %add3A_1107[%gather3A_1109] in [0] : vector<16xf32>, vector<16xi32> -> vector<16xf32>
      %add3A_1111 = arith.addf %add3A_1107, %gather3A_1110 : vector<16xf32>
      %broadcast_in_dim3A_1112 = vector.shape_cast %select_n3A_72 : vector<16xi32> to vector<16x1xi32>
      %gather3A_1113 = vector.shape_cast %broadcast_in_dim3A_1112 : vector<16x1xi32> to vector<16xi32>
      %gather3A_1114 = tpu.dynamic_gather %add3A_1111[%gather3A_1113] in [0] : vector<16xf32>, vector<16xi32> -> vector<16xf32>
      %add3A_1115 = arith.addf %add3A_1111, %gather3A_1114 : vector<16xf32>
      %broadcast_in_dim3A_1116 = vector.shape_cast %select_n3A_97 : vector<16xi32> to vector<16x1xi32>
      %gather3A_1117 = vector.shape_cast %broadcast_in_dim3A_1116 : vector<16x1xi32> to vector<16xi32>
      %gather3A_1118 = tpu.dynamic_gather %add3A_1115[%gather3A_1117] in [0] : vector<16xf32>, vector<16xi32> -> vector<16xf32>
      %add3A_1119 = arith.addf %add3A_1115, %gather3A_1118 : vector<16xf32>
      %broadcast_in_dim3A_1120 = vector.shape_cast %select_n3A_22 : vector<16xi32> to vector<16x1xi32>
      %gather3A_1121 = vector.shape_cast %broadcast_in_dim3A_1120 : vector<16x1xi32> to vector<16xi32>
      %gather3A_1122 = tpu.dynamic_gather %scan3A_1086#0[%gather3A_1121] in [0] : vector<16xf32>, vector<16xi32> -> vector<16xf32>
      %add3A_1123 = arith.addf %scan3A_1086#0, %gather3A_1122 : vector<16xf32>
      %broadcast_in_dim3A_1124 = vector.shape_cast %select_n3A_47 : vector<16xi32> to vector<16x1xi32>
      %gather3A_1125 = vector.shape_cast %broadcast_in_dim3A_1124 : vector<16x1xi32> to vector<16xi32>
      %gather3A_1126 = tpu.dynamic_gather %add3A_1123[%gather3A_1125] in [0] : vector<16xf32>, vector<16xi32> -> vector<16xf32>
      %add3A_1127 = arith.addf %add3A_1123, %gather3A_1126 : vector<16xf32>
      %broadcast_in_dim3A_1128 = vector.shape_cast %select_n3A_72 : vector<16xi32> to vector<16x1xi32>
      %gather3A_1129 = vector.shape_cast %broadcast_in_dim3A_1128 : vector<16x1xi32> to vector<16xi32>
      %gather3A_1130 = tpu.dynamic_gather %add3A_1127[%gather3A_1129] in [0] : vector<16xf32>, vector<16xi32> -> vector<16xf32>
      %add3A_1131 = arith.addf %add3A_1127, %gather3A_1130 : vector<16xf32>
      %broadcast_in_dim3A_1132 = vector.shape_cast %select_n3A_97 : vector<16xi32> to vector<16x1xi32>
      %gather3A_1133 = vector.shape_cast %broadcast_in_dim3A_1132 : vector<16x1xi32> to vector<16xi32>
      %gather3A_1134 = tpu.dynamic_gather %add3A_1131[%gather3A_1133] in [0] : vector<16xf32>, vector<16xi32> -> vector<16xf32>
      %add3A_1135 = arith.addf %add3A_1131, %gather3A_1134 : vector<16xf32>
      %broadcast_in_dim3A_1136 = vector.shape_cast %select_n3A_22 : vector<16xi32> to vector<16x1xi32>
      %gather3A_1137 = vector.shape_cast %broadcast_in_dim3A_1136 : vector<16x1xi32> to vector<16xi32>
      %gather3A_1138 = tpu.dynamic_gather %scan3A_1086#1[%gather3A_1137] in [0] : vector<16xf32>, vector<16xi32> -> vector<16xf32>
      %add3A_1139 = arith.addf %scan3A_1086#1, %gather3A_1138 : vector<16xf32>
      %broadcast_in_dim3A_1140 = vector.shape_cast %select_n3A_47 : vector<16xi32> to vector<16x1xi32>
      %gather3A_1141 = vector.shape_cast %broadcast_in_dim3A_1140 : vector<16x1xi32> to vector<16xi32>
      %gather3A_1142 = tpu.dynamic_gather %add3A_1139[%gather3A_1141] in [0] : vector<16xf32>, vector<16xi32> -> vector<16xf32>
      %add3A_1143 = arith.addf %add3A_1139, %gather3A_1142 : vector<16xf32>
      %broadcast_in_dim3A_1144 = vector.shape_cast %select_n3A_72 : vector<16xi32> to vector<16x1xi32>
      %gather3A_1145 = vector.shape_cast %broadcast_in_dim3A_1144 : vector<16x1xi32> to vector<16xi32>
      %gather3A_1146 = tpu.dynamic_gather %add3A_1143[%gather3A_1145] in [0] : vector<16xf32>, vector<16xi32> -> vector<16xf32>
      %add3A_1147 = arith.addf %add3A_1143, %gather3A_1146 : vector<16xf32>
      %broadcast_in_dim3A_1148 = vector.shape_cast %select_n3A_97 : vector<16xi32> to vector<16x1xi32>
      %gather3A_1149 = vector.shape_cast %broadcast_in_dim3A_1148 : vector<16x1xi32> to vector<16xi32>
      %gather3A_1150 = tpu.dynamic_gather %add3A_1147[%gather3A_1149] in [0] : vector<16xf32>, vector<16xi32> -> vector<16xf32>
      %add3A_1151 = arith.addf %add3A_1147, %gather3A_1150 : vector<16xf32>
      %and3A_1152 = arith.constant 1 : i32
      %and3A_1153 = vector.broadcast %and3A_1152 : i32 to vector<16xi32>
      %and3A_1154 = arith.andi %iota3A, %and3A_1153 : vector<16xi32>
      %eq3A_1155 = arith.constant 0 : i32
      %eq3A_1156 = vector.broadcast %eq3A_1155 : i32 to vector<16xi32>
      %eq3A_1157 = arith.cmpi eq, %and3A_1154, %eq3A_1156 : vector<16xi32>
      %select_n3A_1158 = arith.select %eq3A_1157, %add3A_1103, %add3A_1119 : vector<16xi1>, vector<16xf32>
      %and3A_1159 = arith.constant 1 : i32
      %and3A_1160 = vector.broadcast %and3A_1159 : i32 to vector<16xi32>
      %and3A_1161 = arith.andi %iota3A, %and3A_1160 : vector<16xi32>
      %eq3A_1162 = arith.constant 0 : i32
      %eq3A_1163 = vector.broadcast %eq3A_1162 : i32 to vector<16xi32>
      %eq3A_1164 = arith.cmpi eq, %and3A_1161, %eq3A_1163 : vector<16xi32>
      %select_n3A_1165 = arith.select %eq3A_1164, %add3A_1135, %add3A_1151 : vector<16xi1>, vector<16xf32>
      %and3A_1166 = arith.constant 2 : i32
      %and3A_1167 = vector.broadcast %and3A_1166 : i32 to vector<16xi32>
      %and3A_1168 = arith.andi %iota3A, %and3A_1167 : vector<16xi32>
      %eq3A_1169 = arith.constant 0 : i32
      %eq3A_1170 = vector.broadcast %eq3A_1169 : i32 to vector<16xi32>
      %eq3A_1171 = arith.cmpi eq, %and3A_1168, %eq3A_1170 : vector<16xi32>
      %select_n3A_1172 = arith.select %eq3A_1171, %select_n3A_1158, %select_n3A_1165 : vector<16xi1>, vector<16xf32>
      %shift_right_arithmetic3A_1173 = arith.constant 2 : i32
      %shift_right_arithmetic3A_1174 = vector.broadcast %shift_right_arithmetic3A_1173 : i32 to vector<16xi32>
      %shift_right_arithmetic3A_1175 = arith.shrsi %iota3A, %shift_right_arithmetic3A_1174 : vector<16xi32>
      %eq3A_1176 = arith.constant 3 : i32
      %eq3A_1177 = vector.broadcast %eq3A_1176 : i32 to vector<16xi32>
      %eq3A_1178 = arith.cmpi eq, %shift_right_arithmetic3A_1175, %eq3A_1177 : vector<16xi32>
      %select_n3A_1179 = arith.select %eq3A_1178, %select_n3A_1172, %select_n3A_1049 : vector<16xi1>, vector<16xf32>
      %mul3A_1180 = arith.constant 5.000000e-03 : f32
      %mul3A_1181 = vector.broadcast %mul3A_1180 : f32 to vector<16xf32>
      %mul3A_1182 = arith.mulf %select_n3A_1179, %mul3A_1181 : vector<16xf32>
      %add3A_1183 = arith.addf %mul3A_1182, %get3A_3 : vector<16xf32>
      %neg3A_1184 = arith.constant 0.000000e+00 : f32
      %neg3A_1185 = vector.broadcast %neg3A_1184 : f32 to vector<16xf32>
      %neg3A_1186 = arith.subf %neg3A_1185, %add3A_1183 : vector<16xf32>
      %exp3A_1187 = math.exp %neg3A_1186 : vector<16xf32>
      %add3A_1188 = arith.constant 1.000000e+00 : f32
      %add3A_1189 = vector.broadcast %add3A_1188 : f32 to vector<16xf32>
      %add3A_1190 = arith.addf %add3A_1189, %exp3A_1187 : vector<16xf32>
      %div3A_1191 = arith.constant 1.000000e+00 : f32
      %div3A_1192 = vector.broadcast %div3A_1191 : f32 to vector<16xf32>
      %div3A_1193 = arith.divf %div3A_1192, %add3A_1190 : vector<16xf32>
      %mul3A_1194 = arith.constant 16 : i32
      %mul3A_1195 = arith.muli %add3A_659, %mul3A_1194 : i32
      %swap3A_1196 = arith.index_cast %mul3A_1195 : i32 to index
      %swap3A_1197 = tpu.vector_load %arg8[%swap3A_1196] {strides = array<i32>} : memref<256xf32, #tpu.memory_space<vmem>>, vector<16xf32>,
      tpu.vector_store %arg8[%swap3A_1196], %div3A_1193 {strides = array<i32>} : memref<256xf32, #tpu.memory_space<vmem>>, vector<16xf32>,
    }
    %scan3A_109 = arith.constant 8 : i32
    %mul3A_110 = arith.constant 256 : i32
    %mul3A_111 = arith.muli %add3A, %mul3A_110 : i32
    "tpu.region"() ({
      %run_scoped3A = tpu.sem_alloc : memref<!tpu.dma_semaphore, #tpu.memory_space<semaphore_mem>>
      %dma_start3A = tpu.memref_slice %arg5[%mul3A_111] : memref<8192xf32, #tpu.memory_space<hbm>> -> memref<256xf32, #tpu.memory_space<hbm>>
      %dma_start3A_112 = tpu.memref_slice %arg5[%mul3A_111] : memref<8192xf32, #tpu.memory_space<hbm>> -> memref<256xf32, #tpu.memory_space<hbm>>
      tpu.enqueue_dma source(%arg8 : memref<256xf32, #tpu.memory_space<vmem>>) target(%dma_start3A_112 : memref<256xf32, #tpu.memory_space<hbm>>) target_semaphore(%run_scoped3A : memref<!tpu.dma_semaphore, #tpu.memory_space<semaphore_mem>>)
      %dma_wait3A = tpu.memref_slice %arg5[%mul3A_111] : memref<8192xf32, #tpu.memory_space<hbm>> -> memref<256xf32, #tpu.memory_space<hbm>>
      %dma_wait3A_113 = tpu.memref_slice %arg5[%mul3A_111] : memref<8192xf32, #tpu.memory_space<hbm>> -> memref<256xf32, #tpu.memory_space<hbm>>
      tpu.wait_dma2 semaphore(%run_scoped3A : memref<!tpu.dma_semaphore, #tpu.memory_space<semaphore_mem>>) src(%arg8 : memref<256xf32, #tpu.memory_space<vmem>>) dst(%dma_wait3A_113 : memref<256xf32, #tpu.memory_space<hbm>>)
      tpu.yield
    }) : () -> ()
    return
  }
}

module attributes {stable_mosaic.version = 14 : i64} {
  func.func @_proj_body(%arg0: i32, %arg1: memref<64x32768xf32, #tpu.memory_space<vmem>>, %arg2: memref<2x64xf32, #tpu.memory_space<vmem>>, %arg3: memref<1015808xi32, #tpu.memory_space<any>>, %arg4: memref<2x32768xi32, #tpu.memory_space<vmem>>, %arg5: memref<2x!tpu.dma_semaphore, #tpu.memory_space<semaphore_mem>>) attributes {dimension_semantics = [#tpu.dimension_semantics<arbitrary>], iteration_bounds = array<i64: 31>, scalar_prefetch = 0 : i64, scratch_operands = 2 : i64, tpu.core_type = #tpu.core_type<tc>, window_params = [{transform_indices = @transform_0, window_bounds = array<i64: 64, 32768>}, {pipeline_mode = #tpu.pipeline_mode<synchronous>, transform_indices = @transform_1, window_bounds = array<i64: 2, 64>}, {}]} {
    %rem3A = arith.constant 2 : i32
    %rem3A_0 = arith.remsi %arg0, %rem3A : i32
    %get3A = arith.constant 0 : index
    %get3A_1 = arith.constant 0 : index
    %get3A_2 = vector.load %arg2[%get3A, %get3A_1] : memref<2x64xf32, #tpu.memory_space<vmem>>, vector<2x64xf32>
    %get3A_3 = arith.constant 0 : index
    %get3A_4 = arith.constant 0 : index
    %get3A_5 = vector.load %arg1[%get3A_3, %get3A_4] : memref<64x32768xf32, #tpu.memory_space<vmem>>, vector<64x32768xf32>
    %dot_general3A = arith.constant dense<0.000000e+00> : vector<2x32768xf32>
    %dot_general3A_6 = tpu.matmul %get3A_2, %get3A_5, %dot_general3A {dimension_numbers = #tpu.dot_dimension_numbers<[1], [0], [0], [1], [0, 0, 1, 1], [], []>, transpose_lhs_hint = false} : vector<2x64xf32>, vector<64x32768xf32>, vector<2x32768xf32> -> vector<2x32768xf32>
    %slice3A = vector.extract_strided_slice %dot_general3A_6 {offsets = [0, 0], sizes = [1, 32768], strides = [1, 1]} : vector<2x32768xf32> to vector<1x32768xf32>
    %convert_element_type3A = arith.truncf %slice3A : vector<1x32768xf32> to vector<1x32768xbf16>
    %slice3A_7 = vector.extract_strided_slice %dot_general3A_6 {offsets = [1, 0], sizes = [1, 32768], strides = [1, 1]} : vector<2x32768xf32> to vector<1x32768xf32>
    %convert_element_type3A_8 = arith.truncf %slice3A_7 : vector<1x32768xf32> to vector<1x32768xbf16>
    %bitcast_convert_type3A = tpu.bitcast %convert_element_type3A : vector<1x32768xbf16> -> vector<1x32768xi16>
    %convert_element_type3A_9 = arith.extui %bitcast_convert_type3A : vector<1x32768xi16> to vector<1x32768xi32>
    %bitcast_convert_type3A_10 = tpu.bitcast %convert_element_type3A_8 : vector<1x32768xbf16> -> vector<1x32768xi16>
    %convert_element_type3A_11 = arith.extui %bitcast_convert_type3A_10 : vector<1x32768xi16> to vector<1x32768xi32>
    %shift_left3A = arith.constant 16 : i32
    %shift_left3A_12 = vector.broadcast %shift_left3A : i32 to vector<1x32768xi32>
    %shift_left3A_13 = arith.shli %convert_element_type3A_11, %shift_left3A_12 : vector<1x32768xi32>
    %or3A = arith.ori %convert_element_type3A_9, %shift_left3A_13 : vector<1x32768xi32>
    %bitcast_convert_type3A_14 = tpu.bitcast %or3A : vector<1x32768xi32> -> vector<1x32768xi32>
    %swap3A = arith.index_cast %rem3A_0 : i32 to index
    %swap3A_15 = arith.constant 0 : index
    %swap3A_16 = vector.load %arg4[%swap3A, %swap3A_15] : memref<2x32768xi32, #tpu.memory_space<vmem>>, vector<1x32768xi32>
    tpu.vector_store %arg4[%swap3A, %swap3A_15], %bitcast_convert_type3A_14 {strides = array<i32>} : memref<2x32768xi32, #tpu.memory_space<vmem>>, vector<1x32768xi32>,
    %mul3A = arith.constant 32768 : i32
    %mul3A_17 = arith.muli %arg0, %mul3A : i32
    %dma_start3A = tpu.memref_slice %arg5[%rem3A_0] : memref<2x!tpu.dma_semaphore, #tpu.memory_space<semaphore_mem>> -> memref<1x!tpu.dma_semaphore, #tpu.memory_space<semaphore_mem>>
    %dma_start3A_18 = tpu.memref_squeeze %dma_start3A : memref<1x!tpu.dma_semaphore, #tpu.memory_space<semaphore_mem>> -> memref<!tpu.dma_semaphore, #tpu.memory_space<semaphore_mem>>
    %dma_start3A_19 = tpu.memref_slice %arg3[%mul3A_17] : memref<1015808xi32, #tpu.memory_space<any>> -> memref<32768xi32, #tpu.memory_space<any>>
    %dma_start3A_20 = arith.constant 0 : i32
    %dma_start3A_21 = tpu.memref_slice %arg4[%rem3A_0, %dma_start3A_20] : memref<2x32768xi32, #tpu.memory_space<vmem>> -> memref<1x32768xi32, #tpu.memory_space<vmem>>
    %dma_start3A_22 = tpu.memref_squeeze %dma_start3A_21 : memref<1x32768xi32, #tpu.memory_space<vmem>> -> memref<32768xi32, #tpu.memory_space<vmem>>
    tpu.enqueue_dma source(%dma_start3A_22 : memref<32768xi32, #tpu.memory_space<vmem>>) target(%dma_start3A_19 : memref<32768xi32, #tpu.memory_space<any>>) target_semaphore(%dma_start3A_18 : memref<!tpu.dma_semaphore, #tpu.memory_space<semaphore_mem>>)
    %gt3A = arith.constant 0 : i32
    %gt3A_23 = arith.cmpi sgt, %arg0, %gt3A : i32
    %convert_element_type3A_24 = arith.extui %gt3A_23 : i1 to i32
    %cond3A = arith.constant 0 : i32
    %cond3A_25 = arith.cmpi ne, %convert_element_type3A_24, %cond3A : i32
    scf.if %cond3A_25 {
      %sub3A = arith.constant 1 : i32
      %sub3A_30 = arith.subi %arg0, %sub3A : i32
      %sub3A_31 = arith.constant 1 : i32
      %sub3A_32 = arith.subi %sub3A_31, %rem3A_0 : i32
      %mul3A_33 = arith.constant 32768 : i32
      %mul3A_34 = arith.muli %sub3A_30, %mul3A_33 : i32
      %dma_wait3A = tpu.memref_slice %arg5[%sub3A_32] : memref<2x!tpu.dma_semaphore, #tpu.memory_space<semaphore_mem>> -> memref<1x!tpu.dma_semaphore, #tpu.memory_space<semaphore_mem>>
      %dma_wait3A_35 = tpu.memref_squeeze %dma_wait3A : memref<1x!tpu.dma_semaphore, #tpu.memory_space<semaphore_mem>> -> memref<!tpu.dma_semaphore, #tpu.memory_space<semaphore_mem>>
      %dma_wait3A_36 = tpu.memref_slice %arg3[%mul3A_34] : memref<1015808xi32, #tpu.memory_space<any>> -> memref<32768xi32, #tpu.memory_space<any>>
      %dma_wait3A_37 = arith.constant 0 : i32
      %dma_wait3A_38 = tpu.memref_slice %arg4[%sub3A_32, %dma_wait3A_37] : memref<2x32768xi32, #tpu.memory_space<vmem>> -> memref<1x32768xi32, #tpu.memory_space<vmem>>
      %dma_wait3A_39 = tpu.memref_squeeze %dma_wait3A_38 : memref<1x32768xi32, #tpu.memory_space<vmem>> -> memref<32768xi32, #tpu.memory_space<vmem>>
      tpu.wait_dma2 semaphore(%dma_wait3A_35 : memref<!tpu.dma_semaphore, #tpu.memory_space<semaphore_mem>>) src(%dma_wait3A_39 : memref<32768xi32, #tpu.memory_space<vmem>>) dst(%dma_wait3A_36 : memref<32768xi32, #tpu.memory_space<any>>)
    } else {
    }
    %eq3A = arith.constant 30 : i32
    %eq3A_26 = arith.cmpi eq, %arg0, %eq3A : i32
    %convert_element_type3A_27 = arith.extui %eq3A_26 : i1 to i32
    %cond3A_28 = arith.constant 0 : i32
    %cond3A_29 = arith.cmpi ne, %convert_element_type3A_27, %cond3A_28 : i32
    scf.if %cond3A_29 {
      %mul3A_30 = arith.constant 32768 : i32
      %mul3A_31 = arith.muli %arg0, %mul3A_30 : i32
      %dma_wait3A = tpu.memref_slice %arg5[%rem3A_0] : memref<2x!tpu.dma_semaphore, #tpu.memory_space<semaphore_mem>> -> memref<1x!tpu.dma_semaphore, #tpu.memory_space<semaphore_mem>>
      %dma_wait3A_32 = tpu.memref_squeeze %dma_wait3A : memref<1x!tpu.dma_semaphore, #tpu.memory_space<semaphore_mem>> -> memref<!tpu.dma_semaphore, #tpu.memory_space<semaphore_mem>>
      %dma_wait3A_33 = tpu.memref_slice %arg3[%mul3A_31] : memref<1015808xi32, #tpu.memory_space<any>> -> memref<32768xi32, #tpu.memory_space<any>>
      %dma_wait3A_34 = arith.constant 0 : i32
      %dma_wait3A_35 = tpu.memref_slice %arg4[%rem3A_0, %dma_wait3A_34] : memref<2x32768xi32, #tpu.memory_space<vmem>> -> memref<1x32768xi32, #tpu.memory_space<vmem>>
      %dma_wait3A_36 = tpu.memref_squeeze %dma_wait3A_35 : memref<1x32768xi32, #tpu.memory_space<vmem>> -> memref<32768xi32, #tpu.memory_space<vmem>>
      tpu.wait_dma2 semaphore(%dma_wait3A_32 : memref<!tpu.dma_semaphore, #tpu.memory_space<semaphore_mem>>) src(%dma_wait3A_36 : memref<32768xi32, #tpu.memory_space<vmem>>) dst(%dma_wait3A_33 : memref<32768xi32, #tpu.memory_space<any>>)
    } else {
    }
    return
  }
  func.func @transform_0(%arg0: i32) -> (i32, i32) {
    %c0_i32 = arith.constant 0 : i32
    %c0_i32_0 = arith.constant 0 : i32
    return %c0_i32, %arg0 : i32, i32
  }
  func.func @transform_1(%arg0: i32) -> (i32, i32) {
    %c0_i32 = arith.constant 0 : i32
    %c0_i32_0 = arith.constant 0 : i32
    %c0_i32_1 = arith.constant 0 : i32
    return %c0_i32, %c0_i32_0 : i32, i32
  }
}

</mosaic_0001>

<sc_bundles>
// kernel: kernel.4.cloned.1.call-start
scs
__scs_entry_jumppad:
0x0: {  	(pc) =	sbr.rel $0x88, $3  }
0x1: {  	(tag) =	ssettag $0x0;
	lr =	simm.s32 $0x1  }
0x2: {  	[smem:$0x3F9D] =	sst lr;
	_ =	strace $0xD0000000  }
0x3: {  	_ = 	snop  }
0x4: {  	_ = 	snop  }
0x5: {  	_ = 	snop  }
0x6: {  	_ = 	snop  }
0x7: {  	_ = 	snop  }
__scs_overlays_trampoline_lowered:
0x8: {  	[smem:$0x3FAC] =	sst s0  }
0x9: {  	[smem:$0x3FAD] =	sst s1  }
0xa: {  	[smem:$0x3FAE] =	sst s2  }
0xb: {  	[smem:$0x3FAF] =	sst s3  }
0xc: {  	[smem:$0x3FB0] =	sst s4  }
0xd: {  	[smem:$0x3FB1] =	sst s5  }
0xe: {  	[smem:$0x3FB2] =	sst s6  }
0xf: {  	[smem:$0x3FB3] =	sst s7  }
0x10: {  	[smem:$0x3FB4] =	sst s8  }
0x11: {  	[smem:$0x3FB5] =	sst s9;
	s0 =	simm.s32 @!p0 $0x0  }
0x12: {  	s1 =	sld [smem:$0x3F9B];
	s0 =	simm.s32 @p0 $0x1  }
0x13: {  	[smem:$0x3FB6] =	sst s0;
	s0 =	simm.s32 @!p1 $0x0  }
0x14: {  	s2 =	sld [smem:$0x3F9A];
	s0 =	simm.s32 @p1 $0x1  }
0x15: {  	[smem:$0x3FB7] =	sst s0;
	s0 =	simm.s32 @!p2 $0x0  }
0x16: {  	s3 =	sld [smem:$0x3FDB];
	s0 =	simm.s32 @p2 $0x1  }
0x17: {  	s4 =	simm.s32 $0x1BF5;
	[smem:$0x3FB9] =	sst s0  }
0x18: {  	s0 =	sld [smem:$0x3F9C];
	_ =	swait.ge [sflag:s4], $0x0  }
0x19: {  	s7 =	sld [smem:$0x3F9D]  }
0x1a: {  	s8 =	sadd.s32 $0xFFFFE003, lr  }
0x1b: {  	s9 =	sadd.s32 $0xFFFFFEF7, lr;
	s5 =	simm.s32 $0xFFFFFFFF;
	p2 =	slt.u32 s8, $0xFFFFF086  }
0x1c: {  	p1 =	slt.u32 s9, $0xF7A;
	s5 =	simm.s32 @!p2 $0x0  }
0x1d: {  	s5 =	simm.s32 @p1 $0x1;
	p0 =	seq.s32 s7, s2  }
0x1e: {  	s7 =	smul.u32 @!p0 $0xF7A, s2;
	p2 =	seq.s32 @!p0 s5, $0x0  }
0x1f: {  	s9 =	smul.u32 $0xF7A, s1;
	s8 =	simm.s32 @!p0 $0x1BF5;
	p2 =	por !p2, p0  }
0x20: {  	[sflag:s8] =	ssyncset.s32 @!p0 $0xFFFFF086;
	s6 =	sadd.s32 @!p0 s3, s7;
	s7 =	simm.s32 @!p0 $0x108  }
0x21: {  	s3 =	sadd.s32 s3, s9;
	s6 =	sadd.s32 @!p0 $0x88, s6;
	s7 =	simm.s32 @p2 $0x1082  }
0x22: {  	[simem:s7], [sflag:s8] =	dma.local @!p0 [hbm:s6], $0xF7A  }
0x23: {  	s9 =	sor.u32 $0xD0000000, s2;
	s6 =	simm.s32 $0x108;
	_ =	swait.ge @!p0 [sflag:s8], $0x0  }
0x24: {  	s3 =	sadd.s32 $0x88, s3;
	s6 =	simm.s32 @!p1 $0x1082;
	[sflag:s4] =	ssyncset.s32 $0xFFFFF086  }
0x25: {  	[simem:s6], [sflag:s4] =	dma.local [hbm:s3], $0xF7A  }
0x26: {  	[smem:$0x3F9D] =	sst s1;
	(tag) =	ssettag s2;
	_ =	strace s9  }
0x27: {  	s1 =	sld [smem:$0x3FAD]  }
0x28: {  	s2 =	sld [smem:$0x3FAE]  }
0x29: {  	s4 =	sld [smem:$0x3FB0]  }
0x2a: {  	p0 =	seq.s32 s5, $0x0;
	s5 =	sld [smem:$0x3FB1]  }
0x2b: {  	s6 =	sld [smem:$0x3FB2]  }
0x2c: {  	s7 =	sld [smem:$0x3FB3]  }
0x2d: {  	s3 =	simm.s32 $0x108;
	s8 =	sld [smem:$0x3FB4]  }
0x2e: {  	s3 =	simm.s32 @!p0 $0x1082;
	s9 =	sld [smem:$0x3FB5]  }
0x2f: {  	lr =	sadd.s32 s0, s3;
	s0 =	sld [smem:$0x3FAC]  }
0x30: {  	s3 =	sld [smem:$0x3FAF]  }
0x31: {  	[smem:$0x3FB8] =	sst s10  }
0x32: {  	s10 =	sld [smem:$0x3FB6];
	_ =	sdelay $0x3  }
0x33: {  	p0 =	seq.s32 s10, $0x1;
	s10 =	sld [smem:$0x3FB8];
	_ =	sdelay $0x3  }
0x34: {  	[smem:$0x3FB8] =	sst s10  }
0x35: {  	s10 =	sld [smem:$0x3FB7];
	_ =	sdelay $0x3  }
0x36: {  	p1 =	seq.s32 s10, $0x1;
	s10 =	sld [smem:$0x3FB8];
	_ =	sdelay $0x3  }
0x37: {  	[smem:$0x3FB8] =	sst s10  }
0x38: {  	s10 =	sld [smem:$0x3FB9]  }
0x39: {  	_ = 	snop;
	(pc) =	sbr.ind lr, $3  }
0x3a: {  	_ = 	snop  }
0x3b: {  	_ = 	snop  }
0x3c: {  	p2 =	seq.s32 s10, $0x1;
	s10 =	sld [smem:$0x3FB8]  }
0x3d: {  	_ =	shalt  }
0x3e: {  	_ =	shalt  }
0x3f: {  	_ =	shalt  }
0x40: {  	_ =	shalt  }
0x41: {  	_ =	shalt  }
0x42: {  	_ =	shalt  }
0x43: {  	_ =	shalt  }
0x44: {  	_ =	shalt  }
0x45: {  	_ =	shalt  }
0x46: {  	_ =	shalt  }
0x47: {  	_ =	shalt  }
0x48: {  	_ =	shalt  }
0x49: {  	_ =	shalt  }
0x4a: {  	_ =	shalt  }
0x4b: {  	_ =	shalt  }
0x4c: {  	_ =	shalt  }
0x4d: {  	_ =	shalt  }
0x4e: {  	_ =	shalt  }
0x4f: {  	_ =	shalt  }
0x50: {  	_ =	shalt  }
0x51: {  	_ =	shalt  }
0x52: {  	_ =	shalt  }
0x53: {  	_ =	shalt  }
0x54: {  	_ =	shalt  }
0x55: {  	_ =	shalt  }
0x56: {  	_ =	shalt  }
0x57: {  	_ =	shalt  }
0x58: {  	_ =	shalt  }
0x59: {  	_ =	shalt  }
0x5a: {  	_ =	shalt  }
0x5b: {  	_ =	shalt  }
0x5c: {  	_ =	shalt  }
0x5d: {  	_ =	shalt  }
0x5e: {  	_ =	shalt  }
0x5f: {  	_ =	shalt  }
0x60: {  	_ =	shalt  }
0x61: {  	_ =	shalt  }
0x62: {  	_ =	shalt  }
0x63: {  	_ =	shalt  }
0x64: {  	_ =	shalt  }
0x65: {  	_ =	shalt  }
0x66: {  	_ =	shalt  }
0x67: {  	_ =	shalt  }
0x68: {  	_ =	shalt  }
0x69: {  	_ =	shalt  }
0x6a: {  	_ =	shalt  }
0x6b: {  	_ =	shalt  }
0x6c: {  	_ =	shalt  }
0x6d: {  	_ =	shalt  }
0x6e: {  	_ =	shalt  }
0x6f: {  	_ =	shalt  }
0x70: {  	_ =	shalt  }
0x71: {  	_ =	shalt  }
0x72: {  	_ =	shalt  }
0x73: {  	_ =	shalt  }
0x74: {  	_ =	shalt  }
0x75: {  	_ =	shalt  }
0x76: {  	_ =	shalt  }
0x77: {  	_ =	shalt  }
0x78: {  	_ =	shalt  }
0x79: {  	_ =	shalt  }
0x7a: {  	_ =	shalt  }
0x7b: {  	_ =	shalt  }
0x7c: {  	_ =	shalt  }
0x7d: {  	_ =	shalt  }
0x7e: {  	_ =	shalt  }
0x7f: {  	_ =	shalt  }
0x80: {  	_ =	shalt  }
0x81: {  	_ =	shalt  }
0x82: {  	_ =	shalt  }
0x83: {  	_ =	shalt  }
0x84: {  	_ =	shalt  }
0x85: {  	_ =	shalt  }
0x86: {  	_ =	shalt  }
0x87: {  	_ =	shalt  }
.Lfunc_end0:
.L_simem_size_0:
called_computation_lowered:
.L_overlay_start_0:
0x88: {  	s2 =	sld [smem:$0x3FD9]  }
0x89: {  	s3 =	sld [smem:$0x3FFE];
	_ =	sdelay $0x1  }
0x8a: {  	s1 =	srdreg.scid  }
0x8b: {  	s0 =	sand.u32 $0x1, s1  }
0x8c: {  	s17 =	sshll.u32 s0, $0xA;
	s2 =	sadd.s32 s3, s2  }
0x8d: {  	s2 =	sadd.s32 s2, s17  }
0x8e: {  	[smem:$0x3FC4] =	sst s2  }
0x8f: {  	_ = 	snop  }
0x90: {  	s2 =	sld [smem:$0x3FD0];
	(tm) =	ssettm $0x1  }
0x91: {  	s18 =	sld [smem:$0x3FFB];
	_ =	sdelay $0x3  }
0x92: {  	_ =	strace s18  }
0x93: {  	s3 =	sld [smem:$0x3FFC];
	_ =	sdelay $0x3  }
0x94: {  	_ =	strace s3  }
0x95: {  	s3 =	sld [smem:$0x3FFD];
	_ =	sdelay $0x3  }
0x96: {  	_ =	strace s3  }
0x97: {  	_ =	strace $0x8FFFFFFF  }
0x98: {  	s19 =	sld [smem:$0x3FDB];
	_ =	sdelay $0x1  }
0x99: {  	s4 =	simm.s32 $_scs_section_size  }
0x9a: {  	s5 =	simm.s32 $_size__tile_overlayer_lowered;
	s6 =	simm.s32 $_tile_overlayer_lowered  }
0x9b: {  	s22 =	simm.s32 $0x1BFF;
	s21 =	sshll.u32 s6, $0x1;
	s3 =	sadd.s32 s4, s19  }
0x9c: {  	s7 =	simm.s32 $0x0;
	s20 =	sshll.u32 s5, $0x1;
	s5 =	sadd.s32 s21, s3  }
0x9d: {  	[timem:s7], [sflag:s22] =	dma.local [hbm:s5], s20  }
0x9e: {  	_ =	swait.ge [sflag:s22], s20  }
0x9f: {  	s4 =	ssub.s32 $0x0, s20;
	[sflag:s22] =	ssyncset.done $0x0  }
0xa0: {  	[sflag:s22] =	ssyncadd.s32 s4;
	_ =	sdelay $0x1  }
0xa1: {  	s23 =	simm.s32 $0x1B8B  }
0xa2: {  	_ =	swait.ge [sflag:s23], $0x1  }
0xa3: {  	[sflag:s23] =	ssyncset.done $0x0  }
0xa4: {  	s25 =	simm.s32 $0x1B8E;
	s24 =	sld [smem:$0x3FFE];
	[sflag:s23] =	ssyncadd.s32 $0xFFFFFFFF  }
0xa5: {  	s26 =	simm.s32 $execute0_lowered;
	[smem:$0x3FD2] =	sst s25  }
0xa6: {  	s5 =	sshll.u32 s26, $0x1;
	_ =	strace $0x80000046;
	[dreg:$0x1] =	wrdreg $0xFFFFFFFF  }
0xa7: {  	s28 =	simm.s32 $_size_execute0_lowered;
	s3 =	sadd.s32 s3, s5;
	[dreg:$0x0] =	wrdreg $0x0  }
0xa8: {  	s5 =	sshll.u32 s28, $0x1;
	[dreg:$0x2] =	wrdreg s3  }
0xa9: {  	[dreg:$0x3] =	wrdreg s5  }
0xaa: {  	[dreg:$0x4] =	wrdreg $0xC0  }
0xab: {  	_ =	task [dreg:s7], $0x5FFFF  }
0xac: {  	[dreg:$0x1] =	wrdreg $0xFFFFFFFF  }
0xad: {  	[dreg:$0x0] =	wrdreg $0x60  }
0xae: {  	[dreg:$0x2] =	wrdreg s24  }
0xaf: {  	[dreg:$0x3] =	wrdreg s2  }
0xb0: {  	[dreg:$0x4] =	wrdreg $0x9  }
0xb1: {  	_ =	task.clear_ibuf [dreg:s7], $0x5FFFF;
	_ =	strace $0x90000046  }
0xb2: {  	s29 =	simm.s32 $0x9;
	_ =	strace $0x80000048  }
0xb3: {  	_ =	swait.ge [sflag:s29], $0x1  }
0xb4: {  	[sflag:s29] =	ssyncadd.s32 $0xFFFFFFFF  }
0xb5: {  	_ =	strace $0x90000048  }
0xb6: {  	_ =	sfence  }
0xb7: {  	s30 =	sld [smem:$0x0];
	_ =	sdelay $0x2  }
0xb8: {  	s31 =	sshll.u32 s1, $0xD;
	s1 =	sshrl.u32 s1, $0x2  }
0xb9: {  	s3 =	sand.u32 $0x4000, s31;
	s1 =	sadd.s32 s1, s30  }
0xba: {  	s0 =	sor.u32 s3, s0;
	s1 =	sshll.u32 s1, $0x11  }
0xbb: {  	s0 =	sor.u32 s1, s0  }
0xbc: {  	s0 =	sadd.s32 $0x8F2B, s0  }
0xbd: {  	[sflag:s0] =	ssyncadd.remote.s32 $0x1  }
0xbe: {  	_ =	sfence.sel $0xFFFF  }
0xbf: {  	[dreg:$0x0] =	wrdreg $0xFFFFFFFF;
	(pc) =	sbr.abs _section_cstart, $3  }
0xc0: {  	[dreg:$0x1] =	wrdreg $0xFFFFFFFF  }
0xc1: {  	_ =	task.clear_ibuf [dreg:s7], $0x2FFFF;
	_ =	strace $0x9FFFFFFF  }
0xc2: {  	(tm) =	ssettm $0x7FFFFFFF  }
0xc3: {  	_ =	shalt  }
tec
execute0_lowered:
.L_overlay_start_1:
0x0: {  	(tag) =	ssettag $0x1  }
0x1: {  	v0 =	vimm.s32 $0x76543210;
	v1 =	vimm.s32 $0xFEDCBA98  }
0x2: {  	v2 =	vimm.s32 $0x3210FEDC;
	v3 =	vimm.s32 $0xBA987654;
	v4 =	vimm.s32 $0x10FEDCBA  }
0x3: {  	s0 =	rddreg [dreg:$0x0];
	v5 =	vimm.s32 $0x98765432;
	v6 =	vimm.s32 $0xFEDCBA9;
	v7 =	vimm.s32 $0x87654321  }
0x4: {  	s1 =	srdreg.scid;
	s2 =	stileid.u32;
	vm0 =	vmmov $0xff;
	vm1 =	vmmov $0x1;
	vm2 =	vcmask $0xB08  }
0x5: {  	s6 =	rddreg [dreg:$0x1];
	s13 =	simm.s32 $0x3;
	s19 =	simm.s32 $0x80;
	vm3 =	vmmov $0x3;
	vm4 =	vcmask $0x1310;
	vm5 =	vcmask $0x1B18  }
0x6: {  	s23 =	simm.s32 $0x6D00;
	s24 =	simm.s32 $0x980;
	s25 =	simm.s32 $0x6D80;
	vm6 =	vcmask $0x1710;
	vm7 =	vmmov $0xf;
	vm8 =	vcmask $0x2320  }
0x7: {  	s28 =	simm.s32 $0x6E00;
	s29 =	simm.s32 $0xA80;
	s30 =	simm.s32 $0x6E80;
	vm9 =	vcmask $0x2B28;
	vm10 =	vcmask $0x2720;
	vm11 =	vcmask $0x3330  }
0x8: {  	s31 =	simm.s32 $0xB00;
	s9 =	simm.s32 $0xC00;
	s10 =	simm.s32 $0x7000;
	v0 =	vunpack.c.l.s4.s8 v0;
	v1 =	vunpack.c.l.s4.s8 v1;
	v2 =	vunpack.c.l.s4.s8 v2  }
0x9: {  	s11 =	simm.s32 $0xC800;
	s1 =	sand.u32 $0x1, s1;
	s3 =	sshll.u32 s2, $0x1;
	v3 =	vunpack.c.l.s4.s8 v3;
	v4 =	vunpack.c.l.s4.s8 v4;
	v5 =	vunpack.c.l.s4.s8 v5  }
0xa: {  	s12 =	simm.s32 $0x0;
	s2 =	simm.s32 $0x0;
	v6 =	vunpack.c.l.s4.s8 v6;
	v7 =	vunpack.c.l.s4.s8 v7;
	s5 =	sor.u32 s1, s3;
	v2 =	vunpack.c.0.s8.s32 v2  }
0xb: {  	[smem:$0x7FF] =	sst s2;
	s3 =	sadd.s32 $0x19C00, s0;
	s4 =	smul.u32 $0xC80, s5;
	v3 =	vunpack.c.0.s8.s32 v3;
	v4 =	vunpack.c.0.s8.s32 v4;
	v5 =	vunpack.c.0.s8.s32 v5  }
.Ltmp0:
0xc: {  	s1 =	ssub.s32 $0x2, s1;
	s8 =	sshll.u32 s5, $0x5;
	v1 =	vunpack.c.0.s8.s32 v1;
	v6 =	vunpack.c.0.s8.s32 v6;
	v7 =	vunpack.c.0.s8.s32 v7;
	(pc) =	sbr.rel .LBB2_1-.Ltmp0, $4  }
0xd: {  	vm12 =	vcmask $0x3B38;
	_ =	strace $0x80000047;
	s26 =	sshrl.u32 s1, $0x1;
	v0 =	vunpack.c.0.s8.s32 v0;
	s6 =	sadd.s32 s6, s8;
	v2 =	vcombine.low v3, v2  }
0xe: {  	s8 =	simm.s32 $0x6F80;
	s7 =	sadd.s32 s4, s0;
	s4 =	sadd.s32 $0x19A00, s0;
	v3 =	vcombine.low v5, v4;
	v4 =	vcombine.low v7, v6;
	v1 =	vand.u32 $0xF, v1  }
0xf: {  	vm13 =	vcmask $0x3730;
	vm14 =	vmmov $0xfff;
	s0 =	ssub.s32 s1, s26;
	s26 =	simm.s32 $0xA00;
	s1 =	simm.s32 $0x6F00;
	v0 =	vcombine.low v1, v0  }
0x10: {  	s5 =	sadd.s32 $0xA00, s7;
	s7 =	smax.u32 s0, $0x1;
	s0 =	simm.s32 $0xB80;
	v1 =	vand.u32 $0xF, v2;
	v2 =	vand.u32 $0xF, v3;
	v3 =	vand.u32 $0xF, v4  }
.LBB2_7:
0x11: {  	s12 =	sadd.s32 $0x1, s12  }
0x12: {  	p0 =	sne.s32 s12, s7  }
.Ltmp1:
0x13: {  	_ = 	snop;
	(pc) =	sbr.rel @!p0 .LBB2_8-.Ltmp1, $4  }
0x14: {  	[hbm4b:s6+s2] =	stream.linear.scatter [tilespmem:s11], [sflag:$0x3], $0x100, $0x38;
	[tilespmem:$0xC910] =	vst v63  }
0x15: {  	_ =	swait.ge [sflag:s13], $0x100  }
0x16: {  	[sflag:s13] =	ssyncset.done $0x0  }
0x17: {  	[sflag:s13] =	ssyncadd.s32 $0xFFFFFF00  }
.LBB2_1:
0x18: {  	[tilespmem:s2], [sflag:$0x3] =	stream.linear.gather [hbm4b:s5+s2], $0x6400, $0x38;
	[tilespmem:$0xC910] =	vst v63  }
0x19: {  	_ =	swait.ge [sflag:s13], $0x6400  }
0x1a: {  	[sflag:s13] =	ssyncset.done $0x0  }
0x1b: {  	s14 =	simm.s32 $0xC900;
	[sflag:s13] =	ssyncadd.s32 $0xFFFF9C00  }
0x1c: {  	[tilespmem:s14], [sflag:$0x3] =	stream.linear.gather [hbm4b:s4+s2], $0x10, $0x38;
	[tilespmem:$0xC910] =	vst v63  }
0x1d: {  	_ =	swait.ge [sflag:s13], $0x10  }
0x1e: {  	[sflag:s13] =	ssyncset.done $0x0  }
0x1f: {  	s20 =	simm.s32 $0x6400;
	[sflag:s13] =	ssyncadd.s32 $0xFFFFFFF0  }
0x20: {  	v4 =	vld [tilespmem:$0xC900];
	[tilespmem:s20], [sflag:$0x1] =	stream.indirect.gather [hbm4b:s3+s19], $0x1, s2, s19, $0xb8  }
0x21: {  	s21 =	simm.s32 $0x6480  }
0x22: {  	[tilespmem:s21], [sflag:$0x1] =	stream.indirect.gather [hbm4b:s3+s19], $0x1, s19, s19, $0xb8;
	[tilespmem:$0xC910] =	vst v63  }
0x23: {  	s22 =	simm.s32 $0x6500;
	s15 =	simm.s32 $0x100  }
0x24: {  	[tilespmem:s22], [sflag:$0x1] =	stream.indirect.gather [hbm4b:s3+s19], $0x1, s15, s19, $0xb8;
	[tilespmem:$0xC910] =	vst v63  }
0x25: {  	s16 =	simm.s32 $0x180;
	s17 =	simm.s32 $0x6580  }
0x26: {  	[tilespmem:s17], [sflag:$0x1] =	stream.indirect.gather [hbm4b:s3+s19], $0x1, s16, s19, $0xb8;
	[tilespmem:$0xC910] =	vst v63  }
0x27: {  	s18 =	simm.s32 $0x200;
	s20 =	simm.s32 $0x6600  }
0x28: {  	[tilespmem:s20], [sflag:$0x1] =	stream.indirect.gather [hbm4b:s3+s19], $0x1, s18, s19, $0xb8;
	[tilespmem:$0xC910] =	vst v63  }
0x29: {  	s21 =	simm.s32 $0x280;
	s22 =	simm.s32 $0x6680  }
0x2a: {  	[tilespmem:s22], [sflag:$0x1] =	stream.indirect.gather [hbm4b:s3+s19], $0x1, s21, s19, $0xb8;
	[tilespmem:$0xC910] =	vst v63  }
0x2b: {  	s16 =	simm.s32 $0x300;
	s17 =	simm.s32 $0x6700  }
0x2c: {  	[tilespmem:s17], [sflag:$0x1] =	stream.indirect.gather [hbm4b:s3+s19], $0x1, s16, s19, $0xb8;
	[tilespmem:$0xC910] =	vst v63  }
0x2d: {  	s18 =	simm.s32 $0x380;
	s20 =	simm.s32 $0x6780  }
0x2e: {  	[tilespmem:s20], [sflag:$0x1] =	stream.indirect.gather [hbm4b:s3+s19], $0x1, s18, s19, $0xb8;
	[tilespmem:$0xC910] =	vst v63  }
0x2f: {  	s21 =	simm.s32 $0x400;
	s22 =	simm.s32 $0x6800  }
0x30: {  	[tilespmem:s22], [sflag:$0x1] =	stream.indirect.gather [hbm4b:s3+s19], $0x1, s21, s19, $0xb8;
	[tilespmem:$0xC910] =	vst v63  }
0x31: {  	s16 =	simm.s32 $0x480;
	s17 =	simm.s32 $0x6880  }
0x32: {  	[tilespmem:s17], [sflag:$0x1] =	stream.indirect.gather [hbm4b:s3+s19], $0x1, s16, s19, $0xb8;
	[tilespmem:$0xC910] =	vst v63  }
0x33: {  	s18 =	simm.s32 $0x500;
	s20 =	simm.s32 $0x6900  }
0x34: {  	[tilespmem:s20], [sflag:$0x1] =	stream.indirect.gather [hbm4b:s3+s19], $0x1, s18, s19, $0xb8;
	[tilespmem:$0xC910] =	vst v63  }
0x35: {  	s21 =	simm.s32 $0x580;
	s22 =	simm.s32 $0x6980  }
0x36: {  	[tilespmem:s22], [sflag:$0x1] =	stream.indirect.gather [hbm4b:s3+s19], $0x1, s21, s19, $0xb8;
	[tilespmem:$0xC910] =	vst v63  }
0x37: {  	s16 =	simm.s32 $0x600;
	s17 =	simm.s32 $0x6A00  }
0x38: {  	[tilespmem:s17], [sflag:$0x1] =	stream.indirect.gather [hbm4b:s3+s19], $0x1, s16, s19, $0xb8;
	[tilespmem:$0xC910] =	vst v63  }
0x39: {  	s18 =	simm.s32 $0x680;
	s20 =	simm.s32 $0x6A80  }
0x3a: {  	[tilespmem:s20], [sflag:$0x1] =	stream.indirect.gather [hbm4b:s3+s19], $0x1, s18, s19, $0xb8;
	[tilespmem:$0xC910] =	vst v63  }
0x3b: {  	s21 =	simm.s32 $0x700;
	s22 =	simm.s32 $0x6B00  }
0x3c: {  	[tilespmem:s22], [sflag:$0x1] =	stream.indirect.gather [hbm4b:s3+s19], $0x1, s21, s19, $0xb8;
	[tilespmem:$0xC910] =	vst v63  }
0x3d: {  	s15 =	simm.s32 $0x780;
	s16 =	simm.s32 $0x6B80  }
0x3e: {  	[tilespmem:s16], [sflag:$0x1] =	stream.indirect.gather [hbm4b:s3+s19], $0x1, s15, s19, $0xb8;
	[tilespmem:$0xC910] =	vst v63  }
0x3f: {  	s17 =	simm.s32 $0x800;
	s18 =	simm.s32 $0x6C00  }
0x40: {  	[tilespmem:s18], [sflag:$0x1] =	stream.indirect.gather [hbm4b:s3+s19], $0x1, s17, s19, $0xb8;
	[tilespmem:$0xC910] =	vst v63  }
0x41: {  	s20 =	simm.s32 $0x880;
	s21 =	simm.s32 $0x6C80  }
0x42: {  	[tilespmem:s21], [sflag:$0x1] =	stream.indirect.gather [hbm4b:s3+s19], $0x1, s20, s19, $0xb8;
	[tilespmem:$0xC910] =	vst v63  }
0x43: {  	s22 =	simm.s32 $0x900  }
0x44: {  	[tilespmem:s23], [sflag:$0x1] =	stream.indirect.gather [hbm4b:s3+s19], $0x1, s22, s19, $0xb8;
	[tilespmem:$0xC910] =	vst v63  }
0x45: {  	_ = 	snop  }
0x46: {  	[tilespmem:s25], [sflag:$0x1] =	stream.indirect.gather [hbm4b:s3+s19], $0x1, s24, s19, $0xb8;
	[tilespmem:$0xC910] =	vst v63  }
0x47: {  	_ = 	snop  }
0x48: {  	[tilespmem:s28], [sflag:$0x1] =	stream.indirect.gather [hbm4b:s3+s19], $0x1, s26, s19, $0xb8;
	[tilespmem:$0xC910] =	vst v63  }
0x49: {  	_ = 	snop  }
0x4a: {  	[tilespmem:s30], [sflag:$0x1] =	stream.indirect.gather [hbm4b:s3+s19], $0x1, s29, s19, $0xb8;
	[tilespmem:$0xC910] =	vst v63  }
0x4b: {  	_ = 	snop  }
0x4c: {  	[tilespmem:s1], [sflag:$0x1] =	stream.indirect.gather [hbm4b:s3+s19], $0x1, s31, s19, $0xb8;
	[tilespmem:$0xC910] =	vst v63  }
.Ltmp2:
0x4d: {  	_ = 	snop;
	(pc) =	sbr.rel .LBB2_2-.Ltmp2, $4  }
0x4e: {  	_ = 	snop  }
0x4f: {  	[tilespmem:s8], [sflag:$0x1] =	stream.indirect.gather [hbm4b:s3+s19], $0x1, s0, s19, $0xb8;
	[tilespmem:$0xC910] =	vst v63  }
0x50: {  	s14 =	simm.s32 $0x7080;
	s15 =	simm.s32 $0xC80;
	s16 =	simm.s32 $0x0  }
0x51: {  	[tilespmem:s10], [sflag:$0x1] =	stream.indirect.gather [hbm4b:s3+s19], $0x1, s9, s19, $0xb8;
	[tilespmem:$0xC910] =	vst v63  }
.LBB2_6:
0x52: {  	s18 =	sand.u32 $0x1, s16  }
0x53: {  	s18 =	sadd.s32 $0x1, s18  }
0x54: {  	_ =	swait.ge [sflag:s18], $0x80  }
0x55: {  	[sflag:s18] =	ssyncset.done $0x0  }
0x56: {  	[sflag:s18] =	ssyncadd.s32 $0xFFFFFF80  }
0x57: {  	_ =	swait.ge [sflag:s18], $0x80  }
0x58: {  	[sflag:s18] =	ssyncset.done $0x0  }
0x59: {  	[sflag:s18] =	ssyncadd.s32 $0xFFFFFF80  }
0x5a: {  	_ =	swait.ge [sflag:s18], $0x80  }
0x5b: {  	[sflag:s18] =	ssyncset.done $0x0  }
0x5c: {  	[sflag:s18] =	ssyncadd.s32 $0xFFFFFF80  }
0x5d: {  	_ =	swait.ge [sflag:s18], $0x80  }
0x5e: {  	[sflag:s18] =	ssyncset.done $0x0  }
0x5f: {  	[sflag:s18] =	ssyncadd.s32 $0xFFFFFF80  }
0x60: {  	_ =	swait.ge [sflag:s18], $0x80  }
0x61: {  	[sflag:s18] =	ssyncset.done $0x0  }
0x62: {  	[sflag:s18] =	ssyncadd.s32 $0xFFFFFF80  }
0x63: {  	_ =	swait.ge [sflag:s18], $0x80  }
0x64: {  	[sflag:s18] =	ssyncset.done $0x0  }
0x65: {  	[sflag:s18] =	ssyncadd.s32 $0xFFFFFF80  }
0x66: {  	_ =	swait.ge [sflag:s18], $0x80  }
0x67: {  	[sflag:s18] =	ssyncset.done $0x0  }
0x68: {  	[sflag:s18] =	ssyncadd.s32 $0xFFFFFF80  }
0x69: {  	_ =	swait.ge [sflag:s18], $0x80  }
0x6a: {  	[sflag:s18] =	ssyncset.done $0x0  }
0x6b: {  	[sflag:s18] =	ssyncadd.s32 $0xFFFFFF80  }
0x6c: {  	_ =	swait.ge [sflag:s18], $0x80  }
0x6d: {  	[sflag:s18] =	ssyncset.done $0x0  }
0x6e: {  	[sflag:s18] =	ssyncadd.s32 $0xFFFFFF80  }
0x6f: {  	_ =	swait.ge [sflag:s18], $0x80  }
0x70: {  	[sflag:s18] =	ssyncset.done $0x0  }
0x71: {  	[sflag:s18] =	ssyncadd.s32 $0xFFFFFF80  }
0x72: {  	_ =	swait.ge [sflag:s18], $0x80  }
0x73: {  	[sflag:s18] =	ssyncset.done $0x0  }
0x74: {  	[sflag:s18] =	ssyncadd.s32 $0xFFFFFF80  }
0x75: {  	_ =	swait.ge [sflag:s18], $0x80  }
0x76: {  	[sflag:s18] =	ssyncset.done $0x0  }
0x77: {  	[sflag:s18] =	ssyncadd.s32 $0xFFFFFF80  }
0x78: {  	_ =	swait.ge [sflag:s18], $0x80  }
0x79: {  	[sflag:s18] =	ssyncset.done $0x0  }
0x7a: {  	[sflag:s18] =	ssyncadd.s32 $0xFFFFFF80  }
0x7b: {  	_ =	swait.ge [sflag:s18], $0x80  }
0x7c: {  	[sflag:s18] =	ssyncset.done $0x0  }
0x7d: {  	[sflag:s18] =	ssyncadd.s32 $0xFFFFFF80  }
0x7e: {  	_ =	swait.ge [sflag:s18], $0x80  }
0x7f: {  	[sflag:s18] =	ssyncset.done $0x0  }
0x80: {  	[sflag:s18] =	ssyncadd.s32 $0xFFFFFF80  }
0x81: {  	_ =	swait.ge [sflag:s18], $0x80  }
0x82: {  	[sflag:s18] =	ssyncset.done $0x0  }
0x83: {  	[sflag:s18] =	ssyncadd.s32 $0xFFFFFF80  }
0x84: {  	_ =	swait.ge [sflag:s18], $0x80  }
0x85: {  	[sflag:s18] =	ssyncset.done $0x0  }
0x86: {  	[sflag:s18] =	ssyncadd.s32 $0xFFFFFF80  }
0x87: {  	_ =	swait.ge [sflag:s18], $0x80  }
0x88: {  	[sflag:s18] =	ssyncset.done $0x0  }
0x89: {  	[sflag:s18] =	ssyncadd.s32 $0xFFFFFF80  }
0x8a: {  	_ =	swait.ge [sflag:s18], $0x80  }
0x8b: {  	[sflag:s18] =	ssyncset.done $0x0  }
0x8c: {  	[sflag:s18] =	ssyncadd.s32 $0xFFFFFF80  }
0x8d: {  	_ =	swait.ge [sflag:s18], $0x80  }
0x8e: {  	[sflag:s18] =	ssyncset.done $0x0  }
0x8f: {  	[sflag:s18] =	ssyncadd.s32 $0xFFFFFF80  }
0x90: {  	_ =	swait.ge [sflag:s18], $0x80  }
0x91: {  	[sflag:s18] =	ssyncset.done $0x0  }
0x92: {  	[sflag:s18] =	ssyncadd.s32 $0xFFFFFF80  }
0x93: {  	_ =	swait.ge [sflag:s18], $0x80  }
0x94: {  	[sflag:s18] =	ssyncset.done $0x0  }
0x95: {  	[sflag:s18] =	ssyncadd.s32 $0xFFFFFF80  }
0x96: {  	_ =	swait.ge [sflag:s18], $0x80  }
0x97: {  	[sflag:s18] =	ssyncset.done $0x0  }
0x98: {  	[sflag:s18] =	ssyncadd.s32 $0xFFFFFF80  }
0x99: {  	_ =	swait.ge [sflag:s18], $0x80  }
0x9a: {  	[sflag:s18] =	ssyncset.done $0x0  }
0x9b: {  	[sflag:s18] =	ssyncadd.s32 $0xFFFFFF80  }
0x9c: {  	s20 =	smul.u32 $0x3200, s16;
	_ =	swait.ge [sflag:s18], $0x80  }
0x9d: {  	[sflag:s18] =	ssyncset.done $0x0  }
0x9e: {  	s20 =	sshra.s32 s20, $0x2;
	[sflag:s18] =	ssyncadd.s32 $0xFFFFFF80  }
0x9f: {  	v5 =	vld [tilespmem:s20+$0x64C0]  }
0xa0: {  	v6 =	vld [tilespmem:s20+$0x6400]  }
0xa1: {  	v7 =	vld [tilespmem:s20+$0x64D0]  }
0xa2: {  	v8 =	vld [tilespmem:s20+$0x6410]  }
0xa3: {  	v9 =	vld [tilespmem:s20+$0x64E0]  }
0xa4: {  	v10 =	vld [tilespmem:s20+$0x6420]  }
0xa5: {  	v12 =	vld [tilespmem:s20+$0x6430]  }
0xa6: {  	v17 =	vld [tilespmem:s20+$0x64F0]  }
0xa7: {  	v18 =	vld [tilespmem:s20+$0x6440]  }
0xa8: {  	v25 =	vld [tilespmem:s20+$0x6450]  }
0xa9: {  	v27 =	vld [tilespmem:s20+$0x6500]  }
0xaa: {  	v20 =	vld [tilespmem:s20+$0x6460]  }
0xab: {  	v29 =	vld [tilespmem:s20+$0x6470]  }
0xac: {  	v31 =	vld [tilespmem:s20+$0x6510]  }
0xad: {  	v34 =	vld [tilespmem:s20+$0x6480]  }
0xae: {  	v35 =	vld [tilespmem:s20+$0x6490];
	v11 =	vshll.u32 v5, $0x10  }
0xaf: {  	v37 =	vld [tilespmem:s20+$0x6520];
	v5 =	vand.u32 $0xFFFF0000, v5;
	v14 =	vshll.u32 v6, $0x10;
	v16 =	vshll.u32 v7, $0x10  }
0xb0: {  	v41 =	vld [tilespmem:s20+$0x64A0];
	v7 =	vand.u32 $0xFFFF0000, v7;
	v23 =	vshll.u32 v8, $0x10;
	v24 =	vshll.u32 v9, $0x10  }
0xb1: {  	v42 =	vld [tilespmem:s20+$0x64B0];
	v9 =	vand.u32 $0xFFFF0000, v9;
	v26 =	vshll.u32 v10, $0x10;
	v6 =	vand.u32 $0xFFFF0000, v6  }
0xb2: {  	v44 =	vld [tilespmem:s20+$0x6530];
	v28 =	vshll.u32 v17, $0x10;
	v19 =	vshll.u32 v12, $0x10;
	v17 =	vand.u32 $0xFFFF0000, v17  }
0xb3: {  	v49 =	vld [tilespmem:s20+$0x6540];
	v8 =	vand.u32 $0xFFFF0000, v8;
	v30 =	vshll.u32 v18, $0x10;
	v10 =	vand.u32 $0xFFFF0000, v10  }
0xb4: {  	v53 =	vld [tilespmem:s20+$0x6550];
	v32 =	vshll.u32 v27, $0x10;
	v33 =	vshll.u32 v25, $0x10;
	v12 =	vand.u32 $0xFFFF0000, v12  }
0xb5: {  	v60 =	vld [tilespmem:s20+$0x6570];
	v36 =	vshll.u32 v20, $0x10;
	v38 =	vand.u32 $0xFFFF0000, v18;
	v39 =	vshll.u32 v31, $0x10  }
0xb6: {  	v40 =	vshll.u32 v29, $0x10;
	v43 =	vshll.u32 v34, $0x10;
	v45 =	vand.u32 $0xFFFF0000, v20  }
0xb7: {  	v46 =	vshll.u32 v37, $0x10;
	v47 =	vshll.u32 v35, $0x10;
	v48 =	vshll.u32 v41, $0x10  }
0xb8: {  	v21 =	vld [tilespmem:s20+$0x6650];
	v50 =	vand.u32 $0xFFFF0000, v34;
	v51 =	vshll.u32 v44, $0x10;
	v52 =	vshll.u32 v42, $0x10  }
0xb9: {  	v55 =	vand.u32 $0xFFFF0000, v41;
	v56 =	vshll.u32 v49, $0x10;
	v58 =	vand.u32 $0xFFFF0000, v42  }
0xba: {  	v61 =	vshll.u32 v53, $0x10;
	v62 =	vand.u32 $0xFFFF0000, v53;
	v22 =	vshll.u32 v60, $0x10  }
0xbb: {  	v13 =	vsel vm0, $0x0, v11;
	v15 =	vsel vm0, $0x0, v5;
	v14 =	vadd.f32 $0.0e+00, v14  }
0xbc: {  	v6 =	vadd.f32 $0.0e+00, v6;
	v54 =	vnsel vm0, $0x0, v11;
	v5 =	vnsel vm0, $0x0, v5  }
0xbd: {  	v63 =	vld [tilespmem:s20+$0x6580];
	v11 =	vshll.u32 v21, $0x10;
	v13 =	vadd.f32 v16, v13;
	v7 =	vadd.f32 v7, v15  }
0xbe: {  	v34 =	vld [tilespmem:s20+$0x66A0];
	v15 =	vand.u32 $0xFFFF0000, v31;
	v14 =	vadd.f32 v23, v14;
	v6 =	vadd.f32 v8, v6  }
0xbf: {  	v16 =	vand.u32 $0xFFFF0000, v25;
	v13 =	vadd.f32 v24, v13;
	v7 =	vadd.f32 v9, v7  }
0xc0: {  	v9 =	vand.u32 $0xFFFF0000, v27;
	v27 =	vsel vm0, $0x0, v11;
	v11 =	vnsel vm0, $0x0, v11  }
0xc1: {  	v24 =	vld [tilespmem:s20+$0x6660];
	v14 =	vadd.f32 v26, v14;
	v6 =	vadd.f32 v10, v6;
	v10 =	vand.u32 $0xFFFF0000, v35  }
0xc2: {  	v26 =	vand.u32 $0xFFFF0000, v63;
	v13 =	vadd.f32 v28, v13;
	v7 =	vadd.f32 v17, v7  }
0xc3: {  	v31 =	vld [tilespmem:s20+$0x6690];
	v17 =	vand.u32 $0xFFFF0000, v34;
	v14 =	vadd.f32 v19, v14;
	v6 =	vadd.f32 v12, v6  }
0xc4: {  	v35 =	vld [tilespmem:s20+$0x6590];
	v19 =	vand.u32 $0xFFFF0000, v29;
	v13 =	vadd.f32 v32, v13;
	v7 =	vadd.f32 v9, v7  }
0xc5: {  	v28 =	vld [tilespmem:s20+$0x6680];
	v9 =	vand.u32 $0xFFFF0000, v37;
	v8 =	vadd.f32 v30, v14;
	v6 =	vadd.f32 v38, v6  }
0xc6: {  	v30 =	vshll.u32 v24, $0x10;
	v12 =	vadd.f32 v39, v13;
	v7 =	vadd.f32 v15, v7  }
0xc7: {  	v37 =	vld [tilespmem:s20+$0x66B0];
	v15 =	vand.u32 $0xFFFF0000, v44;
	v8 =	vadd.f32 v33, v8;
	v6 =	vadd.f32 v16, v6  }
0xc8: {  	v41 =	vld [tilespmem:s20+$0x65B0];
	v13 =	vand.u32 $0xFFFF0000, v24;
	v39 =	vshll.u32 v31, $0x10;
	v12 =	vadd.f32 v46, v12  }
0xc9: {  	v57 =	vld [tilespmem:s20+$0x6560];
	v16 =	vand.u32 $0xFFFF0000, v35;
	v8 =	vadd.f32 v36, v8;
	v6 =	vadd.f32 v45, v6  }
0xca: {  	v44 =	vld [tilespmem:s20+$0x66D0];
	v14 =	vand.u32 $0xFFFF0000, v28;
	v7 =	vadd.f32 v9, v7;
	v16 =	vadd.f32 $0.0e+00, v16  }
0xcb: {  	v9 =	vand.u32 $0xFFFF0000, v49;
	v8 =	vadd.f32 v40, v8;
	v6 =	vadd.f32 v19, v6  }
0xcc: {  	v42 =	vld [tilespmem:s20+$0x66C0];
	v36 =	vshll.u32 v28, $0x10;
	v24 =	vshll.u32 v37, $0x10;
	v12 =	vadd.f32 v51, v12  }
0xcd: {  	v45 =	vshll.u32 v41, $0x10;
	v28 =	vld [tilespmem:s20+$0x6640];
	v8 =	vadd.f32 v43, v8;
	v6 =	vadd.f32 v50, v6  }
0xce: {  	v7 =	vadd.f32 v15, v7;
	v15 =	vand.u32 $0xFFFF0000, v31;
	v19 =	vand.u32 $0xFFFF0000, v57  }
0xcf: {  	v53 =	vshll.u32 v44, $0x10;
	v8 =	vadd.f32 v47, v8;
	v6 =	vadd.f32 v10, v6  }
0xd0: {  	v7 =	vadd.f32 v9, v7;
	v9 =	vand.u32 $0xFFFF0000, v60;
	v10 =	vadd.f32 v56, v12;
	v56 =	vld [tilespmem:s20+$0x66F0]  }
0xd1: {  	v46 =	vld [tilespmem:s20+$0x65E0];
	v43 =	vshll.u32 v35, $0x10;
	v8 =	vadd.f32 v48, v8;
	v6 =	vadd.f32 v55, v6  }
0xd2: {  	v49 =	vld [tilespmem:s20+$0x65F0];
	v35 =	vand.u32 $0xFFFF0000, v28;
	v12 =	vand.u32 $0xFFFF0000, v21;
	v47 =	vshll.u32 v42, $0x10  }
0xd3: {  	v38 =	vld [tilespmem:s20+$0x65A0];
	v29 =	vsel vm0, $0x0, v12;
	v8 =	vadd.f32 v52, v8;
	v6 =	vadd.f32 v58, v6  }
0xd4: {  	v12 =	vnsel vm0, $0x0, v12;
	v10 =	vadd.f32 v61, v10;
	v13 =	vadd.f32 v13, v29  }
0xd5: {  	v52 =	vld [tilespmem:s20+$0x6600];
	v29 =	vshll.u32 v56, $0x10;
	v8 =	vadd.f32 v54, v8;
	v5 =	vadd.f32 v5, v6  }
0xd6: {  	v6 =	vadd.f32 v62, v7;
	v7 =	vshll.u32 v57, $0x10;
	v54 =	vshll.u32 v46, $0x10  }
0xd7: {  	v57 =	vshll.u32 v49, $0x10;
	v7 =	vadd.f32 v7, v10;
	v59 =	vperm.xlane v8, v0  }
0xd8: {  	v50 =	vld [tilespmem:s20+$0x66E0];
	v20 =	vperm.xlane v5, v0;
	v6 =	vadd.f32 v19, v6;
	v19 =	vand.u32 $0xFFFF0000, v38  }
0xd9: {  	v7 =	vadd.f32 v22, v7;
	v22 =	vshll.u32 v34, $0x10;
	v16 =	vadd.f32 v19, v16  }
0xda: {  	v55 =	vld [tilespmem:s20+$0x6610];
	v60 =	vshll.u32 v52, $0x10;
	v8 =	vadd.f32 v59, v8;
	v23 =	vadd.f32 v20, v5  }
0xdb: {  	v34 =	vshll.u32 v28, $0x10;
	v5 =	vadd.f32 v9, v6;
	v6 =	vshll.u32 v63, $0x10  }
0xdc: {  	v9 =	vadd.f32 v6, v7;
	v7 =	vld [tilespmem:s20+$0x6670];
	v18 =	vperm.xlane v8, v1;
	v6 =	vperm.xlane v23, v1  }
0xdd: {  	v20 =	vand.u32 $0xFFFF0000, v41;
	v59 =	vshll.u32 v50, $0x10;
	v10 =	vadd.f32 v26, v5;
	v26 =	vld [tilespmem:s20+$0x65D0]  }
0xde: {  	v21 =	vperm.xlane v9, v0;
	v8 =	vadd.f32 v18, v8;
	v6 =	vadd.f32 v6, v23  }
0xdf: {  	v58 =	vld [tilespmem:s20+$0x6620];
	v63 =	vshll.u32 v55, $0x10;
	v16 =	vadd.f32 v20, v16;
	v40 =	vperm.xlane v10, v0  }
0xe0: {  	v61 =	vld [tilespmem:s20+$0x6630];
	v9 =	vadd.f32 v21, v9;
	v25 =	vperm.xlane v8, v2;
	v32 =	vperm.xlane v6, v2  }
0xe1: {  	v23 =	vld [tilespmem:s20+$0x65C0];
	v33 =	vshll.u32 v7, $0x10;
	v7 =	vand.u32 $0xFFFF0000, v7;
	v10 =	vadd.f32 v40, v10  }
0xe2: {  	v13 =	vadd.f32 v7, v13;
	v51 =	vshll.u32 v26, $0x10;
	v26 =	vand.u32 $0xFFFF0000, v26  }
0xe3: {  	v62 =	vld [tilespmem:s20+$0x6700];
	v40 =	vperm.xlane v9, v1;
	v5 =	vadd.f32 v25, v8;
	v8 =	vadd.f32 v30, v27  }
0xe4: {  	v6 =	vadd.f32 v32, v6;
	v25 =	vshll.u32 v38, $0x10;
	v30 =	vshll.u32 v58, $0x10  }
0xe5: {  	v31 =	vld [tilespmem:s20+$0x6710];
	v32 =	vshll.u32 v61, $0x10;
	v13 =	vadd.f32 v14, v13;
	v14 =	vand.u32 $0xFFFF0000, v37  }
0xe6: {  	v48 =	vshll.u32 v23, $0x10;
	v23 =	vand.u32 $0xFFFF0000, v23;
	v9 =	vadd.f32 v40, v9  }
0xe7: {  	v8 =	vadd.f32 v33, v8;
	v7 =	vperm.xlane v5, v3;
	v16 =	vadd.f32 v23, v16  }
0xe8: {  	v23 =	vand.u32 $0xFFFF0000, v52;
	v33 =	vshll.u32 v62, $0x10;
	v13 =	vadd.f32 v15, v13  }
0xe9: {  	v18 =	vadd.f32 v36, v8;
	v8 =	vperm.xlane v6, v3;
	v16 =	vadd.f32 v26, v16  }
0xea: {  	v26 =	vand.u32 $0xFFFF0000, v55;
	v36 =	vshll.u32 v31, $0x10;
	v13 =	vadd.f32 v17, v13  }
0xeb: {  	v5 =	vadd.f32 v7, v5;
	v17 =	vand.u32 $0xFFFF0000, v42;
	v18 =	vadd.f32 v39, v18  }
0xec: {  	v42 =	vperm.xlane v10, v1;
	v6 =	vadd.f32 v8, v6;
	v13 =	vadd.f32 v14, v13  }
0xed: {  	v14 =	vand.u32 $0xFFFF0000, v44;
	v18 =	vadd.f32 v22, v18;
	v22 =	vadd.f32 $0.0e+00, v43  }
0xee: {  	v10 =	vadd.f32 v42, v10;
	v5 =	vsel vm1, v5, v6;
	v13 =	vadd.f32 v17, v13  }
0xef: {  	v18 =	vadd.f32 v24, v18;
	v22 =	vadd.f32 v25, v22;
	v24 =	vand.u32 $0xFFFF0000, v46  }
0xf0: {  	v17 =	vand.u32 $0xFFFF0000, v50;
	v13 =	vadd.f32 v14, v13;
	v16 =	vadd.f32 v24, v16  }
0xf1: {  	v19 =	vadd.f32 v45, v22;
	v18 =	vadd.f32 v47, v18;
	v22 =	vand.u32 $0xFFFF0000, v49  }
0xf2: {  	v14 =	vand.u32 $0xFFFF0000, v56;
	v16 =	vadd.f32 v22, v16;
	v13 =	vadd.f32 v17, v13  }
0xf3: {  	v24 =	vand.u32 $0xFFFF0000, v58;
	v56 =	vld [tilespmem:s20+$0x6730];
	v19 =	vadd.f32 v48, v19;
	v18 =	vadd.f32 v53, v18  }
0xf4: {  	v58 =	vld [tilespmem:s20+$0x6740];
	v47 =	vperm.xlane v10, v2;
	v16 =	vadd.f32 v23, v16;
	v13 =	vadd.f32 v14, v13  }
0xf5: {  	v17 =	vand.u32 $0xFFFF0000, v62;
	v48 =	vld [tilespmem:s20+$0x67E0];
	v19 =	vadd.f32 v51, v19;
	v18 =	vadd.f32 v59, v18  }
0xf6: {  	v22 =	vand.u32 $0xFFFF0000, v61;
	v51 =	vld [tilespmem:s20+$0x67F0];
	v16 =	vadd.f32 v26, v16;
	v13 =	vadd.f32 v17, v13  }
0xf7: {  	v14 =	vand.u32 $0xFFFF0000, v31;
	v19 =	vadd.f32 v54, v19;
	v18 =	vadd.f32 v29, v18  }
0xf8: {  	v28 =	vshll.u32 v56, $0x10;
	v54 =	vld [tilespmem:s20+$0x6720];
	v16 =	vadd.f32 v24, v16;
	v13 =	vadd.f32 v14, v13  }
0xf9: {  	v23 =	vand.u32 $0xFFFF0000, v58;
	v29 =	vld [tilespmem:s20+$0x6760];
	v19 =	vadd.f32 v57, v19;
	v18 =	vadd.f32 v33, v18  }
0xfa: {  	v20 =	vand.u32 $0xFFFF0000, v48;
	v16 =	vadd.f32 v22, v16;
	v41 =	vperm.xlane v13, v0  }
0xfb: {  	v61 =	vshll.u32 v51, $0x10;
	v19 =	vadd.f32 v60, v19;
	v17 =	vadd.f32 v36, v18  }
0xfc: {  	v57 =	vld [tilespmem:s20+$0x6800];
	v18 =	vperm.xlane v9, v2;
	v60 =	vsel vm0, $0x0, v20;
	v20 =	vnsel vm0, $0x0, v20  }
0xfd: {  	v16 =	vadd.f32 v35, v16;
	v13 =	vadd.f32 v41, v13;
	v62 =	vshll.u32 v54, $0x10  }
0xfe: {  	v22 =	vand.u32 $0xFFFF0000, v54;
	v41 =	vshll.u32 v29, $0x10;
	v42 =	vand.u32 $0xFFFF0000, v29  }
0xff: {  	v35 =	vld [tilespmem:s20+$0x6770];
	v19 =	vadd.f32 v63, v19;
	v39 =	vperm.xlane v17, v0;
	v26 =	vadd.f32 $0.0e+00, v62  }
0x100: {  	v27 =	vld [tilespmem:s20+$0x6750];
	v22 =	vadd.f32 $0.0e+00, v22;
	v12 =	vadd.f32 v12, v16;
	v46 =	vperm.xlane v13, v1  }
0x101: {  	v63 =	vld [tilespmem:s20+$0x6810];
	v21 =	vand.u32 $0xFFFF0000, v57;
	v19 =	vadd.f32 v30, v19;
	v43 =	vadd.f32 v39, v17  }
0x102: {  	v30 =	vshll.u32 v57, $0x10;
	v38 =	vperm.xlane v12, v0;
	v50 =	vadd.f32 v46, v13  }
0x103: {  	v26 =	vadd.f32 v28, v26;
	v19 =	vadd.f32 v32, v19;
	v17 =	vperm.xlane v43, v1  }
0x104: {  	v46 =	vand.u32 $0xFFFF0000, v35;
	v12 =	vadd.f32 v38, v12;
	v55 =	vperm.xlane v50, v2  }
0x105: {  	v38 =	vand.u32 $0xFFFF0000, v27;
	v19 =	vadd.f32 v34, v19;
	v17 =	vadd.f32 v17, v43  }
0x106: {  	v36 =	vld [tilespmem:s20+$0x6820];
	v40 =	vshll.u32 v63, $0x10;
	v25 =	vand.u32 $0xFFFF0000, v63;
	v45 =	vperm.xlane v12, v1  }
0x107: {  	v34 =	vshll.u32 v58, $0x10;
	v43 =	vld [tilespmem:s20+$0x6790];
	v11 =	vadd.f32 v11, v19;
	v53 =	vperm.xlane v17, v2  }
0x108: {  	v32 =	vld [tilespmem:s20+$0x6860];
	v19 =	vand.u32 $0xFFFF0000, v51;
	v14 =	vadd.f32 v45, v12;
	v12 =	vadd.f32 v47, v10  }
0x109: {  	v51 =	vld [tilespmem:s20+$0x67B0];
	v19 =	vadd.f32 v19, v60;
	v45 =	vshll.u32 v35, $0x10;
	v37 =	vperm.xlane v11, v0  }
0x10a: {  	v47 =	vld [tilespmem:s20+$0x67A0];
	v10 =	vadd.f32 v53, v17;
	v17 =	vand.u32 $0xFFFF0000, v56;
	v52 =	vperm.xlane v14, v2  }
0x10b: {  	v17 =	vadd.f32 v17, v22;
	v19 =	vadd.f32 v21, v19;
	v21 =	vand.u32 $0xFFFF0000, v36  }
0x10c: {  	v63 =	vld [tilespmem:s20+$0x6850];
	v53 =	vshll.u32 v43, $0x10;
	v54 =	vand.u32 $0xFFFF0000, v43;
	v11 =	vadd.f32 v37, v11  }
0x10d: {  	v39 =	vld [tilespmem:s20+$0x6780];
	v43 =	vand.u32 $0xFFFF0000, v32;
	v37 =	vshll.u32 v27, $0x10;
	v17 =	vadd.f32 v23, v17  }
0x10e: {  	v14 =	vadd.f32 v52, v14;
	v19 =	vadd.f32 v25, v19;
	v44 =	vperm.xlane v11, v1  }
0x10f: {  	v60 =	vshll.u32 v51, $0x10;
	v57 =	vshll.u32 v47, $0x10;
	v17 =	vadd.f32 v38, v17  }
0x110: {  	v52 =	vld [tilespmem:s20+$0x6840];
	v58 =	vand.u32 $0xFFFF0000, v47;
	v19 =	vadd.f32 v21, v19;
	v16 =	vadd.f32 v44, v11  }
0x111: {  	v38 =	vshll.u32 v63, $0x10;
	v11 =	vadd.f32 v18, v9;
	v9 =	vadd.f32 v55, v50  }
0x112: {  	v18 =	vshll.u32 v48, $0x10;
	v48 =	vshll.u32 v36, $0x10;
	v50 =	vand.u32 $0xFFFF0000, v39  }
0x113: {  	v59 =	vsel vm0, $0x0, v18;
	v17 =	vadd.f32 v42, v17;
	v18 =	vnsel vm0, $0x0, v18  }
0x114: {  	v44 =	vld [tilespmem:s20+$0x6830];
	v42 =	vshll.u32 v32, $0x10;
	v49 =	vperm.xlane v16, v2;
	v15 =	vperm.xlane v11, v3  }
0x115: {  	v55 =	vld [tilespmem:s20+$0x67C0];
	v24 =	vadd.f32 v61, v59;
	v61 =	vand.u32 $0xFFFF0000, v51;
	v62 =	vshll.u32 v52, $0x10  }
0x116: {  	v21 =	vand.u32 $0xFFFF0000, v52;
	v17 =	vadd.f32 v46, v17;
	v13 =	vadd.f32 v49, v16  }
0x117: {  	v36 =	vld [tilespmem:s20+$0x6870];
	v16 =	vperm.xlane v12, v3;
	v33 =	vadd.f32 v30, v24;
	v24 =	vadd.f32 v34, v26  }
0x118: {  	v59 =	vld [tilespmem:s20+$0x67D0];
	v49 =	vshll.u32 v39, $0x10;
	v39 =	vand.u32 $0xFFFF0000, v63;
	v11 =	vadd.f32 v15, v11  }
0x119: {  	v17 =	vadd.f32 v50, v17;
	v56 =	vshll.u32 v44, $0x10;
	v23 =	vadd.f32 v37, v24  }
0x11a: {  	v30 =	vshll.u32 v55, $0x10;
	v31 =	vand.u32 $0xFFFF0000, v55;
	v22 =	vadd.f32 v40, v33  }
0x11b: {  	v55 =	vld [tilespmem:s20+$0x6970];
	v24 =	vand.u32 $0xFFFF0000, v44;
	v12 =	vadd.f32 v16, v12;
	v23 =	vadd.f32 v41, v23  }
0x11c: {  	v47 =	vshll.u32 v36, $0x10;
	v40 =	vld [tilespmem:s20+$0x6880];
	v17 =	vadd.f32 v54, v17;
	v19 =	vadd.f32 v24, v19  }
0x11d: {  	v44 =	vld [tilespmem:s20+$0x6890];
	v34 =	vshll.u32 v59, $0x10;
	v22 =	vadd.f32 v48, v22;
	v23 =	vadd.f32 v45, v23  }
0x11e: {  	v35 =	vand.u32 $0xFFFF0000, v59;
	v17 =	vadd.f32 v58, v17;
	v19 =	vadd.f32 v21, v19  }
0x11f: {  	v48 =	vand.u32 $0xFFFF0000, v36;
	v22 =	vadd.f32 v56, v22;
	v23 =	vadd.f32 v49, v23  }
0x120: {  	v58 =	vld [tilespmem:s20+$0x6980];
	v24 =	vshll.u32 v55, $0x10;
	v17 =	vadd.f32 v61, v17;
	v19 =	vadd.f32 v39, v19  }
0x121: {  	v50 =	vshll.u32 v40, $0x10;
	v51 =	vand.u32 $0xFFFF0000, v40;
	v23 =	vadd.f32 v53, v23  }
0x122: {  	v52 =	vshll.u32 v44, $0x10;
	v22 =	vadd.f32 v62, v22;
	v33 =	vadd.f32 v31, v17  }
0x123: {  	v49 =	vld [tilespmem:s20+$0x68A0];
	v17 =	vperm.xlane v13, v3;
	v19 =	vadd.f32 v43, v19;
	v23 =	vadd.f32 v57, v23  }
0x124: {  	v62 =	vld [tilespmem:s20+$0x6990];
	v31 =	vsel vm0, $0x0, v24;
	v41 =	vadd.f32 v38, v22;
	v37 =	vadd.f32 v35, v33  }
0x125: {  	v32 =	vshll.u32 v58, $0x10;
	v19 =	vadd.f32 v48, v19;
	v23 =	vadd.f32 v60, v23  }
0x126: {  	v7 =	vnsel vm0, $0x0, v24;
	v38 =	vld [tilespmem:s20+$0x69B0];
	v31 =	vadd.f32 v32, v31;
	v20 =	vadd.f32 v20, v37  }
0x127: {  	v53 =	vand.u32 $0xFFFF0000, v44;
	v13 =	vadd.f32 v17, v13;
	v37 =	vld [tilespmem:s20+$0x69A0];
	v23 =	vadd.f32 v30, v23  }
0x128: {  	v19 =	vadd.f32 v51, v19;
	v57 =	vshll.u32 v49, $0x10;
	v46 =	vperm.xlane v20, v0  }
0x129: {  	v59 =	vand.u32 $0xFFFF0000, v49;
	v39 =	vshll.u32 v62, $0x10;
	v51 =	vld [tilespmem:s20+$0x68D0];
	v21 =	vadd.f32 v34, v23  }
0x12a: {  	v40 =	vand.u32 $0xFFFF0000, v62;
	v27 =	vadd.f32 v39, v31;
	v20 =	vadd.f32 v46, v20  }
0x12b: {  	v35 =	vld [tilespmem:s20+$0x68C0];
	v19 =	vadd.f32 v53, v19;
	v32 =	vand.u32 $0xFFFF0000, v38;
	v18 =	vadd.f32 v18, v21  }
0x12c: {  	v46 =	vld [tilespmem:s20+$0x68B0];
	v23 =	vand.u32 $0xFFFF0000, v58;
	v43 =	vshll.u32 v37, $0x10;
	v26 =	vperm.xlane v20, v1  }
0x12d: {  	v30 =	vand.u32 $0xFFFF0000, v37;
	v27 =	vadd.f32 v43, v27;
	v45 =	vperm.xlane v18, v0  }
0x12e: {  	v62 =	vshll.u32 v51, $0x10;
	v21 =	vadd.f32 v42, v41;
	v54 =	vadd.f32 v26, v20  }
0x12f: {  	v26 =	vadd.f32 v59, v19;
	v20 =	vperm.xlane v10, v3;
	v18 =	vadd.f32 v45, v18  }
0x130: {  	v41 =	vld [tilespmem:s20+$0x69C0];
	v59 =	vshll.u32 v35, $0x10;
	v35 =	vand.u32 $0xFFFF0000, v35;
	v21 =	vadd.f32 v47, v21  }
0x131: {  	v37 =	vld [tilespmem:s20+$0x6900];
	v47 =	vshll.u32 v38, $0x10;
	v31 =	vand.u32 $0xFFFF0000, v46;
	v25 =	vperm.xlane v18, v1  }
0x132: {  	v61 =	vperm.xlane v54, v2;
	v36 =	vperm.xlane v26, v0;
	v27 =	vadd.f32 v47, v27  }
0x133: {  	v48 =	vld [tilespmem:s20+$0x69E0];
	v21 =	vadd.f32 v50, v21;
	v18 =	vadd.f32 v25, v18;
	v25 =	vand.u32 $0xFFFF0000, v55  }
0x134: {  	v58 =	vadd.f32 $0.0e+00, v31;
	v45 =	vld [tilespmem:s20+$0x69D0];
	v26 =	vadd.f32 v36, v26;
	v33 =	vsel vm0, $0x0, v25  }
0x135: {  	v50 =	vshll.u32 v41, $0x10;
	v56 =	vadd.f32 v52, v21;
	v23 =	vadd.f32 v23, v33  }
0x136: {  	v47 =	vshll.u32 v37, $0x10;
	v27 =	vadd.f32 v50, v27;
	v44 =	vperm.xlane v26, v1  }
0x137: {  	v29 =	vand.u32 $0xFFFF0000, v41;
	v22 =	vadd.f32 v57, v56;
	v23 =	vadd.f32 v40, v23  }
0x138: {  	v36 =	vld [tilespmem:s20+$0x68F0];
	v55 =	vshll.u32 v48, $0x10;
	v56 =	vshll.u32 v46, $0x10;
	v26 =	vadd.f32 v44, v26  }
0x139: {  	v52 =	vshll.u32 v45, $0x10;
	v60 =	vperm.xlane v18, v2;
	v23 =	vadd.f32 v30, v23  }
0x13a: {  	v41 =	vld [tilespmem:s20+$0x6A10];
	v63 =	vperm.xlane v22, v0;
	v27 =	vadd.f32 v52, v27;
	v33 =	vadd.f32 $0.0e+00, v56  }
0x13b: {  	v57 =	vld [tilespmem:s20+$0x68E0];
	v53 =	vand.u32 $0xFFFF0000, v45;
	v19 =	vadd.f32 v60, v18;
	v23 =	vadd.f32 v32, v23  }
0x13c: {  	v46 =	vld [tilespmem:s20+$0x6930];
	v34 =	vperm.xlane v26, v2;
	v18 =	vadd.f32 v61, v54;
	v22 =	vadd.f32 v63, v22  }
0x13d: {  	v44 =	vshll.u32 v36, $0x10;
	v27 =	vadd.f32 v55, v27;
	v29 =	vadd.f32 v29, v23  }
0x13e: {  	v36 =	vand.u32 $0xFFFF0000, v36;
	v52 =	vld [tilespmem:s20+$0x6940];
	v31 =	vadd.f32 v59, v33;
	v23 =	vadd.f32 v34, v26  }
0x13f: {  	v50 =	vshll.u32 v41, $0x10;
	v54 =	vld [tilespmem:s20+$0x69F0];
	v26 =	vadd.f32 v53, v29;
	v29 =	vadd.f32 v35, v58  }
0x140: {  	v40 =	vshll.u32 v57, $0x10;
	v42 =	vperm.xlane v22, v1;
	v32 =	vand.u32 $0xFFFF0000, v51  }
0x141: {  	v60 =	vld [tilespmem:s20+$0x6A00];
	v33 =	vand.u32 $0xFFFF0000, v46;
	v31 =	vadd.f32 v62, v31;
	v29 =	vadd.f32 v32, v29  }
0x142: {  	v63 =	vld [tilespmem:s20+$0x6910];
	v30 =	vand.u32 $0xFFFF0000, v48;
	v22 =	vadd.f32 v42, v22;
	v42 =	vand.u32 $0xFFFF0000, v57  }
0x143: {  	v59 =	vshll.u32 v52, $0x10;
	v31 =	vadd.f32 v40, v31;
	v29 =	vadd.f32 v42, v29  }
0x144: {  	v45 =	vld [tilespmem:s20+$0x6920];
	v57 =	vshll.u32 v46, $0x10;
	v61 =	vshll.u32 v54, $0x10;
	v49 =	vperm.xlane v22, v2  }
0x145: {  	v28 =	vand.u32 $0xFFFF0000, v54;
	v31 =	vadd.f32 v44, v31;
	v29 =	vadd.f32 v36, v29  }
0x146: {  	v43 =	vshll.u32 v60, $0x10;
	v22 =	vadd.f32 v49, v22;
	v49 =	vand.u32 $0xFFFF0000, v37  }
0x147: {  	v48 =	vld [tilespmem:s20+$0x6A20];
	v51 =	vshll.u32 v63, $0x10;
	v31 =	vadd.f32 v47, v31;
	v29 =	vadd.f32 v49, v29  }
0x148: {  	v27 =	vadd.f32 v61, v27;
	v35 =	vand.u32 $0xFFFF0000, v63;
	v26 =	vadd.f32 v30, v26  }
0x149: {  	v54 =	vshll.u32 v45, $0x10;
	v31 =	vadd.f32 v51, v31;
	v29 =	vadd.f32 v35, v29  }
0x14a: {  	v34 =	vand.u32 $0xFFFF0000, v45;
	v27 =	vadd.f32 v43, v27;
	v26 =	vadd.f32 v28, v26  }
0x14b: {  	v53 =	vld [tilespmem:s20+$0x6950];
	v30 =	vand.u32 $0xFFFF0000, v60;
	v31 =	vadd.f32 v54, v31;
	v29 =	vadd.f32 v34, v29  }
0x14c: {  	v55 =	vld [tilespmem:s20+$0x6A30];
	v56 =	vshll.u32 v48, $0x10;
	v27 =	vadd.f32 v50, v27;
	v26 =	vadd.f32 v30, v26  }
0x14d: {  	v58 =	vld [tilespmem:s20+$0x6960];
	v28 =	vand.u32 $0xFFFF0000, v41;
	v31 =	vadd.f32 v57, v31;
	v29 =	vadd.f32 v33, v29  }
0x14e: {  	v60 =	vand.u32 $0xFFFF0000, v52;
	v27 =	vadd.f32 v56, v27;
	v26 =	vadd.f32 v28, v26  }
0x14f: {  	v30 =	vand.u32 $0xFFFF0000, v48;
	v31 =	vadd.f32 v59, v31;
	v29 =	vadd.f32 v60, v29  }
0x150: {  	v62 =	vshll.u32 v53, $0x10;
	v63 =	vand.u32 $0xFFFF0000, v53;
	v26 =	vadd.f32 v30, v26  }
0x151: {  	v28 =	vand.u32 $0xFFFF0000, v55;
	v30 =	vadd.f32 v62, v31;
	v29 =	vadd.f32 v63, v29  }
0x152: {  	v37 =	vand.u32 $0xFFFF0000, v58;
	v36 =	vshll.u32 v58, $0x10;
	v26 =	vadd.f32 v28, v26  }
0x153: {  	v61 =	vshll.u32 v55, $0x10;
	v30 =	vadd.f32 v36, v30;
	v28 =	vadd.f32 v37, v29  }
0x154: {  	v38 =	vperm.xlane v9, v3;
	v39 =	vnsel vm0, $0x0, v25;
	v27 =	vadd.f32 v61, v27  }
0x155: {  	v21 =	vperm.xlane v14, v3;
	v7 =	vadd.f32 v7, v30;
	v8 =	vadd.f32 v39, v28  }
0x156: {  	v10 =	vadd.f32 v20, v10;
	v44 =	vperm.xlane v27, v0;
	v45 =	vperm.xlane v26, v0  }
0x157: {  	v9 =	vadd.f32 v38, v9;
	v42 =	vperm.xlane v7, v0;
	v43 =	vperm.xlane v8, v0  }
0x158: {  	v40 =	vperm.xlane v19, v3;
	v48 =	vadd.f32 v44, v27;
	v49 =	vadd.f32 v45, v26  }
0x159: {  	v47 =	vperm.xlane v23, v3;
	v7 =	vadd.f32 v42, v7;
	v8 =	vadd.f32 v43, v8  }
0x15a: {  	v9 =	vsel vm5, v10, v9;
	v52 =	vperm.xlane v48, v1;
	v53 =	vperm.xlane v49, v1  }
0x15b: {  	v14 =	vadd.f32 v21, v14;
	v50 =	vperm.xlane v7, v1;
	v51 =	vperm.xlane v8, v1  }
0x15c: {  	v46 =	vperm.xlane v22, v3;
	v55 =	vadd.f32 v52, v48;
	v56 =	vadd.f32 v53, v49  }
0x15d: {  	v41 =	vperm.xlane v18, v3;
	v6 =	vadd.f32 v50, v7;
	v7 =	vadd.f32 v51, v8  }
0x15e: {  	v15 =	vadd.f32 v47, v23;
	v60 =	vperm.xlane v55, v2;
	v61 =	vperm.xlane v56, v2  }
0x15f: {  	v57 =	vadd.f32 v40, v19;
	v58 =	vperm.xlane v6, v2;
	v59 =	vperm.xlane v7, v2  }
0x160: {  	v54 =	vsel vm2, v11, v12;
	v11 =	vadd.f32 v60, v55;
	v12 =	vadd.f32 v61, v56  }
0x161: {  	v5 =	vsel vm3, v5, v54;
	v6 =	vadd.f32 v58, v6;
	v7 =	vadd.f32 v59, v7  }
0x162: {  	v18 =	vadd.f32 v41, v18;
	v26 =	vperm.xlane v11, v3;
	v27 =	vperm.xlane v12, v3  }
0x163: {  	v63 =	vadd.f32 v46, v22;
	v24 =	vperm.xlane v6, v3;
	v25 =	vperm.xlane v7, v3  }
0x164: {  	v62 =	vsel vm4, v13, v14;
	v28 =	vadd.f32 v26, v11;
	v29 =	vadd.f32 v27, v12  }
0x165: {  	v6 =	vadd.f32 v24, v6;
	v8 =	vsel vm6, v62, v9;
	v7 =	vadd.f32 v25, v7  }
0x166: {  	v30 =	vsel vm8, v57, v18;
	v31 =	vsel vm9, v63, v15;
	v5 =	vsel vm7, v5, v8  }
0x167: {  	v8 =	vsel vm10, v30, v31;
	v6 =	vsel vm11, v6, v7;
	v7 =	vsel vm12, v28, v29  }
0x168: {  	v5 =	vsel vm0, v5, v8;
	v6 =	vsel vm13, v6, v7  }
0x169: {  	v5 =	vsel vm14, v5, v6  }
0x16a: {  	v5 =	vmul.f32 $4.999999890e-03, v5;
	_ =	sdelay $0x1  }
0x16b: {  	v5 =	vadd.f32 v5, v4;
	_ =	sdelay $0x1  }
0x16c: {  	v5 =	vsub.f32 $0.0e+00, v5;
	_ =	sdelay $0x1  }
0x16d: {  	v5 =	vmul.f32 $1.442695020e+00, v5;
	_ =	sdelay $0x1  }
0x16e: {  	(erf) = vpow2.f32 v5;
	_ =	sdelay $0x8  }
0x16f: {  	v5 =	vpop (erf)  }
0x170: {  	v5 =	vadd.f32 $1.000000000e+00, v5;
	_ =	sdelay $0x1  }
0x171: {  	(erf) = vrcp.f32 v5;
	_ =	sdelay $0x6  }
0x172: {  	s18 =	sshllo.u32 s16, $0x1  }
0x173: {  	s21 =	sshll.u32 s16, $0x5;
	s22 =	smul.u32 $0x1900, s18  }
0x174: {  	s16 =	sand.u32 $0x3FFFFFE0, s21;
	v5 =	vpop (erf)  }
0x175: {  	s21 =	sshra.s32 s22, $0x2;
	[tilespmem:s16+$0xC800] =	vst v5  }
0x176: {  	v5 =	vld [tilespmem:s21+$0x64C0]  }
0x177: {  	v6 =	vld [tilespmem:s21+$0x6400]  }
0x178: {  	v7 =	vld [tilespmem:s21+$0x64D0]  }
0x179: {  	v32 =	vld [tilespmem:s21+$0x6410]  }
0x17a: {  	v33 =	vld [tilespmem:s21+$0x64E0]  }
0x17b: {  	v34 =	vld [tilespmem:s21+$0x6420]  }
0x17c: {  	v36 =	vld [tilespmem:s21+$0x6430]  }
0x17d: {  	v41 =	vld [tilespmem:s21+$0x64F0]  }
0x17e: {  	v43 =	vld [tilespmem:s21+$0x6440]  }
0x17f: {  	v45 =	vld [tilespmem:s21+$0x6450]  }
0x180: {  	v47 =	vld [tilespmem:s21+$0x6500]  }
0x181: {  	v50 =	vld [tilespmem:s21+$0x6460]  }
0x182: {  	v51 =	vld [tilespmem:s21+$0x6470]  }
0x183: {  	v53 =	vld [tilespmem:s21+$0x6510];
	v35 =	vshll.u32 v5, $0x10  }
0x184: {  	v56 =	vld [tilespmem:s21+$0x6480];
	v5 =	vand.u32 $0xFFFF0000, v5;
	v38 =	vshll.u32 v6, $0x10;
	v40 =	vshll.u32 v7, $0x10  }
0x185: {  	v57 =	vld [tilespmem:s21+$0x6490];
	v7 =	vand.u32 $0xFFFF0000, v7;
	v42 =	vshll.u32 v32, $0x10;
	v44 =	vshll.u32 v33, $0x10  }
0x186: {  	v59 =	vld [tilespmem:s21+$0x6520];
	v9 =	vand.u32 $0xFFFF0000, v33;
	v46 =	vshll.u32 v34, $0x10;
	v6 =	vand.u32 $0xFFFF0000, v6  }
0x187: {  	v63 =	vld [tilespmem:s21+$0x64A0];
	v48 =	vshll.u32 v41, $0x10;
	v49 =	vshll.u32 v36, $0x10;
	v17 =	vand.u32 $0xFFFF0000, v41  }
0x188: {  	v21 =	vld [tilespmem:s21+$0x64B0];
	v8 =	vand.u32 $0xFFFF0000, v32;
	v52 =	vshll.u32 v43, $0x10;
	v10 =	vand.u32 $0xFFFF0000, v34  }
0x189: {  	v23 =	vld [tilespmem:s21+$0x6530];
	v54 =	vshll.u32 v47, $0x10;
	v55 =	vshll.u32 v45, $0x10;
	v12 =	vand.u32 $0xFFFF0000, v36  }
0x18a: {  	v58 =	vshll.u32 v50, $0x10;
	v60 =	vand.u32 $0xFFFF0000, v43;
	v61 =	vshll.u32 v53, $0x10  }
0x18b: {  	v62 =	vshll.u32 v51, $0x10;
	v15 =	vand.u32 $0xFFFF0000, v53;
	v16 =	vand.u32 $0xFFFF0000, v45  }
0x18c: {  	v28 =	vld [tilespmem:s21+$0x6540];
	v22 =	vshll.u32 v56, $0x10;
	v24 =	vand.u32 $0xFFFF0000, v50;
	v25 =	vshll.u32 v59, $0x10  }
0x18d: {  	v26 =	vshll.u32 v57, $0x10;
	v19 =	vand.u32 $0xFFFF0000, v51;
	v27 =	vshll.u32 v63, $0x10  }
0x18e: {  	v29 =	vand.u32 $0xFFFF0000, v56;
	v30 =	vshll.u32 v23, $0x10;
	v31 =	vshll.u32 v21, $0x10  }
0x18f: {  	v34 =	vand.u32 $0xFFFF0000, v63;
	v37 =	vsel vm0, $0x0, v35;
	v39 =	vsel vm0, $0x0, v5  }
0x190: {  	v32 =	vld [tilespmem:s21+$0x6550];
	v14 =	vadd.f32 $0.0e+00, v38;
	v6 =	vadd.f32 $0.0e+00, v6;
	v33 =	vnsel vm0, $0x0, v35  }
0x191: {  	v36 =	vld [tilespmem:s21+$0x6560];
	v35 =	vshll.u32 v28, $0x10;
	v13 =	vadd.f32 v40, v37;
	v7 =	vadd.f32 v7, v39  }
0x192: {  	v5 =	vnsel vm0, $0x0, v5;
	v39 =	vld [tilespmem:s21+$0x6570];
	v14 =	vadd.f32 v42, v14;
	v6 =	vadd.f32 v8, v6  }
0x193: {  	v37 =	vand.u32 $0xFFFF0000, v21;
	v13 =	vadd.f32 v44, v13;
	v7 =	vadd.f32 v9, v7  }
0x194: {  	v42 =	vld [tilespmem:s21+$0x6580];
	v9 =	vand.u32 $0xFFFF0000, v47;
	v14 =	vadd.f32 v46, v14;
	v6 =	vadd.f32 v10, v6  }
0x195: {  	v53 =	vld [tilespmem:s21+$0x6680];
	v10 =	vand.u32 $0xFFFF0000, v57;
	v40 =	vshll.u32 v32, $0x10;
	v41 =	vand.u32 $0xFFFF0000, v32  }
0x196: {  	v44 =	vand.u32 $0xFFFF0000, v36;
	v46 =	vld [tilespmem:s21+$0x6650];
	v13 =	vadd.f32 v48, v13;
	v7 =	vadd.f32 v17, v7  }
0x197: {  	v32 =	vld [tilespmem:s21+$0x65C0];
	v14 =	vadd.f32 v49, v14;
	v6 =	vadd.f32 v12, v6;
	v47 =	vshll.u32 v39, $0x10  }
0x198: {  	v13 =	vadd.f32 v54, v13;
	v7 =	vadd.f32 v9, v7;
	v9 =	vand.u32 $0xFFFF0000, v59  }
0x199: {  	v49 =	vld [tilespmem:s21+$0x6660];
	v51 =	vand.u32 $0xFFFF0000, v42;
	v8 =	vadd.f32 v52, v14;
	v6 =	vadd.f32 v60, v6  }
0x19a: {  	v14 =	vand.u32 $0xFFFF0000, v53;
	v12 =	vadd.f32 v61, v13;
	v7 =	vadd.f32 v15, v7  }
0x19b: {  	v59 =	vld [tilespmem:s21+$0x66A0];
	v15 =	vand.u32 $0xFFFF0000, v23;
	v11 =	vshll.u32 v46, $0x10;
	v61 =	vshll.u32 v53, $0x10  }
0x19c: {  	v60 =	vld [tilespmem:s21+$0x6590];
	v23 =	vand.u32 $0xFFFF0000, v32;
	v8 =	vadd.f32 v55, v8;
	v6 =	vadd.f32 v16, v6  }
0x19d: {  	v56 =	vld [tilespmem:s21+$0x6690];
	v52 =	vsel vm0, $0x0, v11;
	v11 =	vnsel vm0, $0x0, v11;
	v12 =	vadd.f32 v25, v12  }
0x19e: {  	v63 =	vld [tilespmem:s21+$0x65A0];
	v7 =	vadd.f32 v9, v7;
	v9 =	vand.u32 $0xFFFF0000, v28;
	v55 =	vshll.u32 v49, $0x10  }
0x19f: {  	v13 =	vand.u32 $0xFFFF0000, v49;
	v8 =	vadd.f32 v58, v8;
	v6 =	vadd.f32 v24, v6  }
0x1a0: {  	v28 =	vld [tilespmem:s21+$0x65B0];
	v17 =	vand.u32 $0xFFFF0000, v59;
	v12 =	vadd.f32 v30, v12;
	v7 =	vadd.f32 v15, v7  }
0x1a1: {  	v30 =	vld [tilespmem:s21+$0x66C0];
	v16 =	vand.u32 $0xFFFF0000, v60;
	v8 =	vadd.f32 v62, v8;
	v6 =	vadd.f32 v19, v6  }
0x1a2: {  	v15 =	vand.u32 $0xFFFF0000, v56;
	v16 =	vadd.f32 $0.0e+00, v16;
	v7 =	vadd.f32 v9, v7  }
0x1a3: {  	v19 =	vand.u32 $0xFFFF0000, v63;
	v8 =	vadd.f32 v22, v8;
	v6 =	vadd.f32 v29, v6  }
0x1a4: {  	v9 =	vand.u32 $0xFFFF0000, v39;
	v29 =	vshll.u32 v59, $0x10;
	v16 =	vadd.f32 v19, v16  }
0x1a5: {  	v20 =	vand.u32 $0xFFFF0000, v28;
	v8 =	vadd.f32 v26, v8;
	v6 =	vadd.f32 v10, v6  }
0x1a6: {  	v59 =	vld [tilespmem:s21+$0x6710];
	v10 =	vadd.f32 v35, v12;
	v12 =	vand.u32 $0xFFFF0000, v46;
	v39 =	vshll.u32 v30, $0x10  }
0x1a7: {  	v16 =	vadd.f32 v20, v16;
	v54 =	vsel vm0, $0x0, v12;
	v8 =	vadd.f32 v27, v8  }
0x1a8: {  	v53 =	vld [tilespmem:s21+$0x6630];
	v12 =	vnsel vm0, $0x0, v12;
	v6 =	vadd.f32 v34, v6;
	v10 =	vadd.f32 v40, v10  }
0x1a9: {  	v35 =	vld [tilespmem:s21+$0x65D0];
	v13 =	vadd.f32 v13, v54;
	v27 =	vshll.u32 v56, $0x10;
	v34 =	vshll.u32 v63, $0x10  }
0x1aa: {  	v40 =	vshll.u32 v32, $0x10;
	v16 =	vadd.f32 v23, v16;
	v8 =	vadd.f32 v31, v8  }
0x1ab: {  	v20 =	vshll.u32 v59, $0x10;
	v6 =	vadd.f32 v37, v6;
	v31 =	vshll.u32 v60, $0x10  }
0x1ac: {  	v62 =	vld [tilespmem:s21+$0x66B0];
	v37 =	vshll.u32 v28, $0x10;
	v22 =	vadd.f32 $0.0e+00, v31;
	v8 =	vadd.f32 v33, v8  }
0x1ad: {  	v56 =	vld [tilespmem:s21+$0x6640];
	v5 =	vadd.f32 v5, v6;
	v6 =	vadd.f32 v41, v7;
	v7 =	vshll.u32 v36, $0x10  }
0x1ae: {  	v60 =	vshll.u32 v53, $0x10;
	v26 =	vand.u32 $0xFFFF0000, v35;
	v36 =	vld [tilespmem:s21+$0x66D0];
	v7 =	vadd.f32 v7, v10  }
0x1af: {  	v41 =	vld [tilespmem:s21+$0x65F0];
	v16 =	vadd.f32 v26, v16;
	v22 =	vadd.f32 v34, v22;
	v38 =	vperm.xlane v8, v0  }
0x1b0: {  	v45 =	vperm.xlane v5, v0;
	v6 =	vadd.f32 v44, v6;
	v7 =	vadd.f32 v47, v7  }
0x1b1: {  	v33 =	vshll.u32 v62, $0x10;
	v44 =	vld [tilespmem:s21+$0x6600];
	v19 =	vadd.f32 v37, v22;
	v8 =	vadd.f32 v38, v8  }
0x1b2: {  	v47 =	vld [tilespmem:s21+$0x6610];
	v48 =	vadd.f32 v45, v5;
	v5 =	vadd.f32 v9, v6;
	v6 =	vshll.u32 v42, $0x10  }
0x1b3: {  	v63 =	vand.u32 $0xFFFF0000, v56;
	v38 =	vld [tilespmem:s21+$0x65E0];
	v9 =	vadd.f32 v6, v7;
	v19 =	vadd.f32 v40, v19  }
0x1b4: {  	v42 =	vld [tilespmem:s21+$0x66E0];
	v45 =	vshll.u32 v36, $0x10;
	v49 =	vshll.u32 v41, $0x10;
	v43 =	vperm.xlane v8, v1  }
0x1b5: {  	v7 =	vld [tilespmem:s21+$0x6670];
	v22 =	vand.u32 $0xFFFF0000, v41;
	v6 =	vperm.xlane v48, v1;
	v10 =	vadd.f32 v51, v5  }
0x1b6: {  	v21 =	vperm.xlane v9, v0;
	v23 =	vand.u32 $0xFFFF0000, v44;
	v8 =	vadd.f32 v43, v8  }
0x1b7: {  	v6 =	vadd.f32 v6, v48;
	v43 =	vshll.u32 v35, $0x10;
	v26 =	vand.u32 $0xFFFF0000, v47  }
0x1b8: {  	v19 =	vadd.f32 v43, v19;
	v46 =	vshll.u32 v38, $0x10;
	v24 =	vand.u32 $0xFFFF0000, v38  }
0x1b9: {  	v51 =	vshll.u32 v42, $0x10;
	v9 =	vadd.f32 v21, v9;
	v50 =	vperm.xlane v8, v2  }
0x1ba: {  	v48 =	vld [tilespmem:s21+$0x66F0];
	v58 =	vshll.u32 v7, $0x10;
	v7 =	vand.u32 $0xFFFF0000, v7;
	v16 =	vadd.f32 v24, v16  }
0x1bb: {  	v57 =	vperm.xlane v6, v2;
	v13 =	vadd.f32 v7, v13;
	v19 =	vadd.f32 v46, v19  }
0x1bc: {  	v25 =	vperm.xlane v9, v1;
	v5 =	vadd.f32 v50, v8;
	v8 =	vadd.f32 v55, v52  }
0x1bd: {  	v6 =	vadd.f32 v57, v6;
	v16 =	vadd.f32 v22, v16;
	v52 =	vshll.u32 v44, $0x10  }
0x1be: {  	v54 =	vld [tilespmem:s21+$0x6700];
	v55 =	vshll.u32 v47, $0x10;
	v22 =	vand.u32 $0xFFFF0000, v53;
	v13 =	vadd.f32 v14, v13  }
0x1bf: {  	v14 =	vand.u32 $0xFFFF0000, v62;
	v19 =	vadd.f32 v49, v19;
	v57 =	vshll.u32 v48, $0x10  }
0x1c0: {  	v50 =	vld [tilespmem:s21+$0x6620];
	v62 =	vshll.u32 v56, $0x10;
	v9 =	vadd.f32 v25, v9;
	v8 =	vadd.f32 v58, v8  }
0x1c1: {  	v41 =	vld [tilespmem:s21+$0x6730];
	v7 =	vperm.xlane v5, v3;
	v16 =	vadd.f32 v23, v16;
	v13 =	vadd.f32 v15, v13  }
0x1c2: {  	v49 =	vld [tilespmem:s21+$0x6810];
	v15 =	vperm.xlane v10, v0;
	v19 =	vadd.f32 v52, v19;
	v18 =	vadd.f32 v61, v8  }
0x1c3: {  	v8 =	vperm.xlane v6, v3;
	v16 =	vadd.f32 v26, v16;
	v61 =	vshll.u32 v54, $0x10  }
0x1c4: {  	v5 =	vadd.f32 v7, v5;
	v13 =	vadd.f32 v17, v13;
	v17 =	vand.u32 $0xFFFF0000, v30  }
0x1c5: {  	v19 =	vadd.f32 v55, v19;
	v58 =	vshll.u32 v50, $0x10;
	v24 =	vand.u32 $0xFFFF0000, v50  }
0x1c6: {  	v10 =	vadd.f32 v15, v10;
	v50 =	vshll.u32 v41, $0x10;
	v18 =	vadd.f32 v27, v18  }
0x1c7: {  	v16 =	vadd.f32 v24, v16;
	v25 =	vand.u32 $0xFFFF0000, v49;
	v6 =	vadd.f32 v8, v6  }
0x1c8: {  	v13 =	vadd.f32 v14, v13;
	v14 =	vand.u32 $0xFFFF0000, v36;
	v19 =	vadd.f32 v58, v19  }
0x1c9: {  	v27 =	vperm.xlane v10, v1;
	v36 =	vld [tilespmem:s21+$0x67F0];
	v18 =	vadd.f32 v29, v18;
	v16 =	vadd.f32 v22, v16  }
0x1ca: {  	v13 =	vadd.f32 v17, v13;
	v17 =	vand.u32 $0xFFFF0000, v42;
	v19 =	vadd.f32 v60, v19  }
0x1cb: {  	v43 =	vld [tilespmem:s21+$0x6740];
	v10 =	vadd.f32 v27, v10;
	v60 =	vshll.u32 v49, $0x10;
	v18 =	vadd.f32 v33, v18  }
0x1cc: {  	v42 =	vld [tilespmem:s21+$0x6800];
	v16 =	vadd.f32 v63, v16;
	v13 =	vadd.f32 v14, v13;
	v14 =	vand.u32 $0xFFFF0000, v48  }
0x1cd: {  	v63 =	vld [tilespmem:s21+$0x6790];
	v19 =	vadd.f32 v62, v19;
	v32 =	vperm.xlane v10, v2;
	v18 =	vadd.f32 v39, v18  }
0x1ce: {  	v12 =	vadd.f32 v12, v16;
	v46 =	vshll.u32 v36, $0x10;
	v13 =	vadd.f32 v17, v13  }
0x1cf: {  	v48 =	vld [tilespmem:s21+$0x6750];
	v17 =	vand.u32 $0xFFFF0000, v54;
	v11 =	vadd.f32 v11, v19;
	v19 =	vand.u32 $0xFFFF0000, v36  }
0x1d0: {  	v39 =	vld [tilespmem:s21+$0x6720];
	v54 =	vshll.u32 v43, $0x10;
	v18 =	vadd.f32 v45, v18;
	v23 =	vperm.xlane v12, v0  }
0x1d1: {  	v52 =	vshll.u32 v42, $0x10;
	v21 =	vand.u32 $0xFFFF0000, v42;
	v13 =	vadd.f32 v14, v13  }
0x1d2: {  	v14 =	vand.u32 $0xFFFF0000, v59;
	v22 =	vperm.xlane v11, v0;
	v42 =	vshll.u32 v63, $0x10  }
0x1d3: {  	v18 =	vadd.f32 v51, v18;
	v12 =	vadd.f32 v23, v12;
	v23 =	vand.u32 $0xFFFF0000, v43  }
0x1d4: {  	v59 =	vld [tilespmem:s21+$0x6780];
	v58 =	vand.u32 $0xFFFF0000, v48;
	v43 =	vand.u32 $0xFFFF0000, v63;
	v13 =	vadd.f32 v17, v13  }
0x1d5: {  	v51 =	vld [tilespmem:s21+$0x6760];
	v11 =	vadd.f32 v22, v11;
	v22 =	vand.u32 $0xFFFF0000, v39;
	v18 =	vadd.f32 v57, v18  }
0x1d6: {  	v33 =	vld [tilespmem:s21+$0x67E0];
	v47 =	vshll.u32 v39, $0x10;
	v30 =	vperm.xlane v12, v1;
	v22 =	vadd.f32 $0.0e+00, v22  }
0x1d7: {  	v13 =	vadd.f32 v14, v13;
	v29 =	vperm.xlane v11, v1;
	v18 =	vadd.f32 v61, v18  }
0x1d8: {  	v36 =	vld [tilespmem:s21+$0x67A0];
	v57 =	vshll.u32 v48, $0x10;
	v14 =	vadd.f32 v30, v12;
	v12 =	vadd.f32 v32, v10  }
0x1d9: {  	v39 =	vand.u32 $0xFFFF0000, v59;
	v26 =	vperm.xlane v13, v0;
	v16 =	vadd.f32 v29, v11  }
0x1da: {  	v56 =	vld [tilespmem:s21+$0x6820];
	v61 =	vshll.u32 v51, $0x10;
	v62 =	vand.u32 $0xFFFF0000, v51;
	v17 =	vadd.f32 v20, v18  }
0x1db: {  	v18 =	vperm.xlane v9, v2;
	v37 =	vperm.xlane v14, v2;
	v20 =	vand.u32 $0xFFFF0000, v33  }
0x1dc: {  	v13 =	vadd.f32 v26, v13;
	v34 =	vperm.xlane v16, v2;
	v45 =	vsel vm0, $0x0, v20  }
0x1dd: {  	v26 =	vadd.f32 $0.0e+00, v47;
	v47 =	vand.u32 $0xFFFF0000, v36;
	v20 =	vnsel vm0, $0x0, v20  }
0x1de: {  	v24 =	vperm.xlane v17, v0;
	v11 =	vadd.f32 v18, v9;
	v14 =	vadd.f32 v37, v14  }
0x1df: {  	v18 =	vshll.u32 v33, $0x10;
	v19 =	vadd.f32 v19, v45;
	v37 =	vshll.u32 v56, $0x10  }
0x1e0: {  	v55 =	vld [tilespmem:s21+$0x6770];
	v31 =	vperm.xlane v13, v1;
	v44 =	vsel vm0, $0x0, v18;
	v28 =	vadd.f32 v24, v17  }
0x1e1: {  	v26 =	vadd.f32 v50, v26;
	v18 =	vnsel vm0, $0x0, v18;
	v15 =	vperm.xlane v11, v3  }
0x1e2: {  	v33 =	vld [tilespmem:s21+$0x6830];
	v24 =	vadd.f32 v46, v44;
	v35 =	vadd.f32 v31, v13;
	v17 =	vperm.xlane v28, v1  }
0x1e3: {  	v19 =	vadd.f32 v21, v19;
	v21 =	vand.u32 $0xFFFF0000, v56;
	v46 =	vshll.u32 v36, $0x10  }
0x1e4: {  	v13 =	vadd.f32 v34, v16;
	v40 =	vperm.xlane v35, v2;
	v17 =	vadd.f32 v17, v28  }
0x1e5: {  	v44 =	vld [tilespmem:s21+$0x67C0];
	v16 =	vperm.xlane v12, v3;
	v34 =	vshll.u32 v55, $0x10;
	v53 =	vadd.f32 v52, v24  }
0x1e6: {  	v24 =	vadd.f32 v54, v26;
	v9 =	vadd.f32 v40, v35;
	v40 =	vld [tilespmem:s21+$0x67B0];
	v38 =	vperm.xlane v17, v2  }
0x1e7: {  	v19 =	vadd.f32 v25, v19;
	v11 =	vadd.f32 v15, v11;
	v45 =	vshll.u32 v33, $0x10  }
0x1e8: {  	v48 =	vld [tilespmem:s21+$0x67D0];
	v12 =	vadd.f32 v16, v12;
	v10 =	vadd.f32 v38, v17;
	v17 =	vand.u32 $0xFFFF0000, v41  }
0x1e9: {  	v19 =	vadd.f32 v21, v19;
	v35 =	vand.u32 $0xFFFF0000, v55;
	v41 =	vld [tilespmem:s21+$0x6840];
	v17 =	vadd.f32 v17, v22  }
0x1ea: {  	v54 =	vand.u32 $0xFFFF0000, v44;
	v55 =	vld [tilespmem:s21+$0x6860];
	v38 =	vshll.u32 v59, $0x10;
	v22 =	vadd.f32 v60, v53  }
0x1eb: {  	v52 =	vld [tilespmem:s21+$0x6850];
	v53 =	vshll.u32 v44, $0x10;
	v49 =	vshll.u32 v40, $0x10;
	v17 =	vadd.f32 v23, v17  }
0x1ec: {  	v23 =	vadd.f32 v57, v24;
	v22 =	vadd.f32 v37, v22;
	v24 =	vand.u32 $0xFFFF0000, v33  }
0x1ed: {  	v50 =	vand.u32 $0xFFFF0000, v40;
	v19 =	vadd.f32 v24, v19;
	v17 =	vadd.f32 v58, v17  }
0x1ee: {  	v63 =	vld [tilespmem:s21+$0x6880];
	v57 =	vshll.u32 v48, $0x10;
	v23 =	vadd.f32 v61, v23;
	v21 =	vand.u32 $0xFFFF0000, v41  }
0x1ef: {  	v59 =	vld [tilespmem:s21+$0x6870];
	v33 =	vshll.u32 v55, $0x10;
	v19 =	vadd.f32 v21, v19;
	v17 =	vadd.f32 v62, v17  }
0x1f0: {  	v22 =	vadd.f32 v45, v22;
	v23 =	vadd.f32 v34, v23;
	v62 =	vand.u32 $0xFFFF0000, v52  }
0x1f1: {  	v51 =	vshll.u32 v41, $0x10;
	v19 =	vadd.f32 v62, v19;
	v17 =	vadd.f32 v35, v17  }
0x1f2: {  	v40 =	vld [tilespmem:s21+$0x68A0];
	v61 =	vshll.u32 v52, $0x10;
	v34 =	vand.u32 $0xFFFF0000, v55;
	v23 =	vadd.f32 v38, v23  }
0x1f3: {  	v41 =	vshll.u32 v63, $0x10;
	v35 =	vld [tilespmem:s21+$0x6890];
	v19 =	vadd.f32 v34, v19;
	v17 =	vadd.f32 v39, v17  }
0x1f4: {  	v22 =	vadd.f32 v51, v22;
	v23 =	vadd.f32 v42, v23;
	v39 =	vand.u32 $0xFFFF0000, v59  }
0x1f5: {  	v42 =	vand.u32 $0xFFFF0000, v63;
	v63 =	vld [tilespmem:s21+$0x69C0];
	v19 =	vadd.f32 v39, v19;
	v17 =	vadd.f32 v43, v17  }
0x1f6: {  	v58 =	vand.u32 $0xFFFF0000, v48;
	v32 =	vadd.f32 v61, v22;
	v23 =	vadd.f32 v46, v23;
	v46 =	vld [tilespmem:s21+$0x6970]  }
0x1f7: {  	v48 =	vshll.u32 v40, $0x10;
	v19 =	vadd.f32 v42, v19;
	v17 =	vadd.f32 v47, v17  }
0x1f8: {  	v38 =	vshll.u32 v59, $0x10;
	v44 =	vand.u32 $0xFFFF0000, v35;
	v23 =	vadd.f32 v49, v23;
	v49 =	vld [tilespmem:s21+$0x6980]  }
0x1f9: {  	v43 =	vshll.u32 v35, $0x10;
	v19 =	vadd.f32 v44, v19;
	v17 =	vadd.f32 v50, v17  }
0x1fa: {  	v39 =	vld [tilespmem:s21+$0x69D0];
	v44 =	vshll.u32 v63, $0x10;
	v29 =	vand.u32 $0xFFFF0000, v63;
	v23 =	vadd.f32 v53, v23  }
0x1fb: {  	v50 =	vand.u32 $0xFFFF0000, v40;
	v53 =	vld [tilespmem:s21+$0x6990];
	v24 =	vshll.u32 v46, $0x10;
	v56 =	vadd.f32 v54, v17  }
0x1fc: {  	v17 =	vperm.xlane v13, v3;
	v21 =	vadd.f32 v57, v23;
	v57 =	vsel vm0, $0x0, v24  }
0x1fd: {  	v40 =	vld [tilespmem:s21+$0x68B0];
	v7 =	vnsel vm0, $0x0, v24;
	v23 =	vand.u32 $0xFFFF0000, v49;
	v60 =	vadd.f32 v58, v56  }
0x1fe: {  	v18 =	vadd.f32 v18, v21;
	v21 =	vadd.f32 v33, v32;
	v56 =	vld [tilespmem:s21+$0x69A0];
	v58 =	vshll.u32 v49, $0x10  }
0x1ff: {  	v49 =	vand.u32 $0xFFFF0000, v39;
	v31 =	vadd.f32 v58, v57;
	v20 =	vadd.f32 v20, v60  }
0x200: {  	v61 =	vshll.u32 v53, $0x10;
	v36 =	vperm.xlane v18, v0;
	v21 =	vadd.f32 v38, v21  }
0x201: {  	v13 =	vadd.f32 v17, v13;
	v60 =	vld [tilespmem:s21+$0x69B0];
	v27 =	vadd.f32 v61, v31;
	v37 =	vperm.xlane v20, v0  }
0x202: {  	v62 =	vand.u32 $0xFFFF0000, v53;
	v18 =	vadd.f32 v36, v18;
	v21 =	vadd.f32 v41, v21  }
0x203: {  	v53 =	vld [tilespmem:s21+$0x68E0];
	v31 =	vand.u32 $0xFFFF0000, v40;
	v30 =	vand.u32 $0xFFFF0000, v56;
	v20 =	vadd.f32 v37, v20  }
0x204: {  	v25 =	vperm.xlane v18, v1;
	v47 =	vadd.f32 v43, v21;
	v37 =	vshll.u32 v56, $0x10  }
0x205: {  	v21 =	vperm.xlane v14, v3;
	v27 =	vadd.f32 v37, v27;
	v26 =	vperm.xlane v20, v1  }
0x206: {  	v41 =	vshll.u32 v60, $0x10;
	v18 =	vadd.f32 v25, v18;
	v22 =	vadd.f32 v48, v47  }
0x207: {  	v32 =	vand.u32 $0xFFFF0000, v60;
	v45 =	vadd.f32 v26, v20;
	v26 =	vadd.f32 v50, v19  }
0x208: {  	v42 =	vld [tilespmem:s21+$0x69E0];
	v25 =	vand.u32 $0xFFFF0000, v46;
	v48 =	vshll.u32 v39, $0x10;
	v39 =	vand.u32 $0xFFFF0000, v53  }
0x209: {  	v60 =	vld [tilespmem:s21+$0x6900];
	v59 =	vsel vm0, $0x0, v25;
	v27 =	vadd.f32 v41, v27;
	v55 =	vperm.xlane v26, v0  }
0x20a: {  	v46 =	vld [tilespmem:s21+$0x68C0];
	v14 =	vadd.f32 v21, v14;
	v51 =	vperm.xlane v18, v2;
	v23 =	vadd.f32 v23, v59  }
0x20b: {  	v54 =	vperm.xlane v22, v0;
	v27 =	vadd.f32 v44, v27;
	v26 =	vadd.f32 v55, v26  }
0x20c: {  	v52 =	vperm.xlane v45, v2;
	v19 =	vadd.f32 v51, v18;
	v23 =	vadd.f32 v62, v23  }
0x20d: {  	v47 =	vld [tilespmem:s21+$0x68D0];
	v22 =	vadd.f32 v54, v22;
	v51 =	vshll.u32 v42, $0x10;
	v38 =	vperm.xlane v26, v1  }
0x20e: {  	v62 =	vshll.u32 v53, $0x10;
	v44 =	vshll.u32 v60, $0x10;
	v23 =	vadd.f32 v30, v23  }
0x20f: {  	v61 =	vld [tilespmem:s21+$0x6910];
	v27 =	vadd.f32 v48, v27;
	v56 =	vshll.u32 v46, $0x10;
	v26 =	vadd.f32 v38, v26  }
0x210: {  	v18 =	vadd.f32 v52, v45;
	v52 =	vshll.u32 v40, $0x10;
	v23 =	vadd.f32 v32, v23  }
0x211: {  	v50 =	vld [tilespmem:s21+$0x69F0];
	v35 =	vand.u32 $0xFFFF0000, v46;
	v33 =	vadd.f32 $0.0e+00, v52;
	v45 =	vperm.xlane v26, v2  }
0x212: {  	v59 =	vshll.u32 v47, $0x10;
	v55 =	vadd.f32 $0.0e+00, v31;
	v29 =	vadd.f32 v29, v23  }
0x213: {  	v46 =	vand.u32 $0xFFFF0000, v60;
	v31 =	vadd.f32 v56, v33;
	v23 =	vadd.f32 v45, v26  }
0x214: {  	v54 =	vld [tilespmem:s21+$0x68F0];
	v48 =	vshll.u32 v61, $0x10;
	v26 =	vadd.f32 v49, v29;
	v29 =	vadd.f32 v35, v55  }
0x215: {  	v57 =	vld [tilespmem:s21+$0x6A00];
	v36 =	vperm.xlane v22, v1;
	v27 =	vadd.f32 v51, v27;
	v32 =	vand.u32 $0xFFFF0000, v47  }
0x216: {  	v63 =	vld [tilespmem:s21+$0x6A10];
	v58 =	vshll.u32 v50, $0x10;
	v31 =	vadd.f32 v59, v31;
	v29 =	vadd.f32 v32, v29  }
0x217: {  	v30 =	vand.u32 $0xFFFF0000, v42;
	v42 =	vld [tilespmem:s21+$0x6920];
	v22 =	vadd.f32 v36, v22;
	v27 =	vadd.f32 v58, v27  }
0x218: {  	v28 =	vand.u32 $0xFFFF0000, v50;
	v31 =	vadd.f32 v62, v31;
	v29 =	vadd.f32 v39, v29  }
0x219: {  	v50 =	vld [tilespmem:s21+$0x6950];
	v41 =	vshll.u32 v54, $0x10;
	v36 =	vand.u32 $0xFFFF0000, v54;
	v43 =	vperm.xlane v22, v2  }
0x21a: {  	v40 =	vshll.u32 v57, $0x10;
	v31 =	vadd.f32 v41, v31;
	v29 =	vadd.f32 v36, v29  }
0x21b: {  	v47 =	vshll.u32 v63, $0x10;
	v27 =	vadd.f32 v40, v27;
	v22 =	vadd.f32 v43, v22  }
0x21c: {  	v51 =	vshll.u32 v42, $0x10;
	v43 =	vld [tilespmem:s21+$0x6930];
	v31 =	vadd.f32 v44, v31;
	v29 =	vadd.f32 v46, v29  }
0x21d: {  	v34 =	vand.u32 $0xFFFF0000, v42;
	v35 =	vand.u32 $0xFFFF0000, v61;
	v26 =	vadd.f32 v30, v26  }
0x21e: {  	v59 =	vshll.u32 v50, $0x10;
	v49 =	vld [tilespmem:s21+$0x6940];
	v31 =	vadd.f32 v48, v31;
	v29 =	vadd.f32 v35, v29  }
0x21f: {  	v60 =	vand.u32 $0xFFFF0000, v50;
	v27 =	vadd.f32 v47, v27;
	v45 =	vld [tilespmem:s21+$0x6A20];
	v26 =	vadd.f32 v28, v26  }
0x220: {  	v55 =	vld [tilespmem:s21+$0x6960];
	v30 =	vand.u32 $0xFFFF0000, v57;
	v31 =	vadd.f32 v51, v31;
	v29 =	vadd.f32 v34, v29  }
0x221: {  	v52 =	vld [tilespmem:s21+$0x6A30];
	v54 =	vshll.u32 v43, $0x10;
	v33 =	vand.u32 $0xFFFF0000, v43;
	v26 =	vadd.f32 v30, v26  }
0x222: {  	v28 =	vand.u32 $0xFFFF0000, v63;
	v31 =	vadd.f32 v54, v31;
	v29 =	vadd.f32 v33, v29  }
0x223: {  	v56 =	vshll.u32 v49, $0x10;
	v57 =	vand.u32 $0xFFFF0000, v49;
	v26 =	vadd.f32 v28, v26  }
0x224: {  	v30 =	vand.u32 $0xFFFF0000, v45;
	v31 =	vadd.f32 v56, v31;
	v29 =	vadd.f32 v57, v29  }
0x225: {  	v53 =	vshll.u32 v45, $0x10;
	v61 =	vshll.u32 v55, $0x10;
	v26 =	vadd.f32 v30, v26  }
0x226: {  	v28 =	vand.u32 $0xFFFF0000, v52;
	v30 =	vadd.f32 v59, v31;
	v29 =	vadd.f32 v60, v29  }
0x227: {  	v62 =	vand.u32 $0xFFFF0000, v55;
	v27 =	vadd.f32 v53, v27;
	v26 =	vadd.f32 v28, v26  }
0x228: {  	v58 =	vshll.u32 v52, $0x10;
	v30 =	vadd.f32 v61, v30;
	v28 =	vadd.f32 v62, v29  }
0x229: {  	v20 =	vperm.xlane v10, v3;
	v27 =	vadd.f32 v58, v27;
	v29 =	vnsel vm0, $0x0, v25  }
0x22a: {  	v32 =	vperm.xlane v19, v3;
	v7 =	vadd.f32 v7, v30;
	v8 =	vadd.f32 v29, v28  }
0x22b: {  	v10 =	vadd.f32 v20, v10;
	v36 =	vperm.xlane v27, v0;
	v37 =	vperm.xlane v26, v0  }
0x22c: {  	v49 =	vadd.f32 v32, v19;
	v34 =	vperm.xlane v7, v0;
	v35 =	vperm.xlane v8, v0  }
0x22d: {  	v38 =	vperm.xlane v22, v3;
	v40 =	vadd.f32 v36, v27;
	v41 =	vadd.f32 v37, v26  }
0x22e: {  	v63 =	vperm.xlane v9, v3;
	v7 =	vadd.f32 v34, v7;
	v8 =	vadd.f32 v35, v8  }
0x22f: {  	v55 =	vadd.f32 v38, v22;
	v44 =	vperm.xlane v40, v1;
	v45 =	vperm.xlane v41, v1  }
0x230: {  	v9 =	vadd.f32 v63, v9;
	v42 =	vperm.xlane v7, v1;
	v43 =	vperm.xlane v8, v1  }
0x231: {  	v39 =	vperm.xlane v23, v3;
	v47 =	vadd.f32 v44, v40;
	v48 =	vadd.f32 v45, v41  }
0x232: {  	v5 =	vsel vm1, v5, v6;
	v6 =	vadd.f32 v42, v7;
	v7 =	vadd.f32 v43, v8  }
0x233: {  	v15 =	vadd.f32 v39, v23;
	v52 =	vperm.xlane v47, v2;
	v53 =	vperm.xlane v48, v2  }
0x234: {  	v46 =	vsel vm2, v11, v12;
	v50 =	vperm.xlane v6, v2;
	v51 =	vperm.xlane v7, v2  }
0x235: {  	v9 =	vsel vm5, v10, v9;
	v11 =	vadd.f32 v52, v47;
	v12 =	vadd.f32 v53, v48  }
0x236: {  	v33 =	vperm.xlane v18, v3;
	v6 =	vadd.f32 v50, v6;
	v7 =	vadd.f32 v51, v7  }
0x237: {  	v5 =	vsel vm3, v5, v46;
	v58 =	vperm.xlane v11, v3;
	v59 =	vperm.xlane v12, v3  }
0x238: {  	v18 =	vadd.f32 v33, v18;
	v56 =	vperm.xlane v6, v3;
	v57 =	vperm.xlane v7, v3  }
0x239: {  	v54 =	vsel vm4, v13, v14;
	v60 =	vadd.f32 v58, v11;
	v61 =	vadd.f32 v59, v12  }
0x23a: {  	v8 =	vsel vm6, v54, v9;
	v6 =	vadd.f32 v56, v6;
	v7 =	vadd.f32 v57, v7  }
0x23b: {  	v63 =	vsel vm9, v55, v15;
	v62 =	vsel vm8, v49, v18;
	v5 =	vsel vm7, v5, v8  }
0x23c: {  	v8 =	vsel vm10, v62, v63;
	v6 =	vsel vm11, v6, v7;
	v7 =	vsel vm12, v60, v61  }
0x23d: {  	v5 =	vsel vm0, v5, v8;
	v6 =	vsel vm13, v6, v7  }
0x23e: {  	v5 =	vsel vm14, v5, v6  }
0x23f: {  	v5 =	vmul.f32 $4.999999890e-03, v5;
	_ =	sdelay $0x1  }
0x240: {  	v5 =	vadd.f32 v5, v4;
	_ =	sdelay $0x1  }
0x241: {  	v5 =	vsub.f32 $0.0e+00, v5;
	_ =	sdelay $0x1  }
0x242: {  	v5 =	vmul.f32 $1.442695020e+00, v5;
	_ =	sdelay $0x1  }
0x243: {  	(erf) = vpow2.f32 v5;
	_ =	sdelay $0x8  }
0x244: {  	v5 =	vpop (erf)  }
0x245: {  	v5 =	vadd.f32 $1.000000000e+00, v5;
	_ =	sdelay $0x1  }
0x246: {  	(erf) = vrcp.f32 v5;
	_ =	sdelay $0x4  }
0x247: {  	p0 =	sne.s32 s17, $0x8  }
.Ltmp3:
0x248: {  	_ = 	snop;
	(pc) =	sbr.rel @!p0 .LBB2_7-.Ltmp3, $4  }
0x249: {  	_ = 	snop  }
0x24a: {  	s22 =	sshll.u32 s18, $0x4  }
0x24b: {  	s16 =	sand.u32 $0x3FFFFFF0, s22;
	v5 =	vpop (erf)  }
0x24c: {  	s14 =	sadd.s32 $0xC80, s14;
	s15 =	sadd.s32 $0xC80, s15;
	[tilespmem:s16+$0xC800] =	vst v5;
	s16 =	smov.u32 s17  }
.LBB2_2:
0x24d: {  	p0 =	seq.s32 s16, $0x7  }
.Ltmp4:
0x24e: {  	_ = 	snop;
	(pc) =	sbr.rel @p0 .LBB2_6-.Ltmp4, $2  }
0x24f: {  	_ =	sdelay $0x2  }
0x250: {  	s17 =	sadd.s32 $0x1, s16  }
0x251: {  	s18 =	sand.u32 $0x1, s17;
	s20 =	simm.s32 $0x200  }
0x252: {  	s21 =	sadd.s32 $0x0, s14;
	s22 =	sadd.s32 $0x0, s15;
	s18 =	sadd.s32 $0x1, s18  }
.LBB2_4:
0x253: {  	[tilespmem:s21], [sflag:s18] =	stream.indirect.gather [hbm4b:s3+s19], $0x1, s22, s19, $0xb8;
	[tilespmem:$0xC910] =	vst v63  }
0x254: {  	s21 =	smov.u32 s20;
	p0 =	sne.s32 s20, $0x3000  }
.Ltmp5:
0x255: {  	s20 =	sadd.s32 $0x200, s20;
	(pc) =	sbr.rel @p0 .LBB2_4-.Ltmp5, $3  }
0x256: {  	_ =	sdelay $0x1  }
0x257: {  	s22 =	sshra.s32 s21, $0x2  }
0x258: {  	s21 =	sadd.s32 s22, s14;
	s22 =	sadd.s32 s22, s15  }
.Ltmp6:
0x259: {  	(pc) =	sbr.rel .LBB2_6-.Ltmp6, $2  }
0x25a: {  	_ =	sdelay $0x2  }
0x25b: {  	[tilespmem:s21], [sflag:s18] =	stream.indirect.gather [hbm4b:s3+s19], $0x1, s22, s19, $0xb8;
	[tilespmem:$0xC910] =	vst v63  }
.LBB2_8:
0x25c: {  	_ =	sfence.sel $0x180000  }
0x25d: {  	[bflag:$0x0] =	sbarrier.arrive $0xFFFF  }
0x25e: {  	_ =	strace $0x90000047  }
0x25f: {  	s0 =	stileid.u32;
	[bflag:$0x2] =	sbarrier.arrive $0xFFFF  }
0x260: {  	p0 =	sne.s32 s0, $0x0;
	s0 =	rddreg [dreg:$0x2]  }
0x261: {  	s0 =	sadd.s32 @!p0 $0x100000, s0  }
0x262: {  	[sflag:s0] =	ssyncadd.tile.s32 @!p0 $0x1;
	_ =	shalt  }
.Lfunc_end2:
_tile_overlayer_lowered:
.L_overlay_start_2:
0x263: {  	(tag) =	ssettag $0x2  }
0x264: {  	s0 =	rddreg [dreg:$0x0];
	s2 =	stileid.u32  }
0x265: {  	s1 =	rddreg [dreg:$0x1];
	p0 =	sne.s32 s2, $0x0  }
0x266: {  	s3 =	rddreg [dreg:$0x2];
	[bflag:$0x3] =	sbarrier.arrive $0xFFFF;
	s2 =	simm.s32 @!p0 $0x1C03  }
0x267: {  	[timem:s3], [sflag:s2] =	dma.local @!p0 [hbm:s0], s1  }
0x268: {  	s0 =	simm.s32 @!p0 $0x3  }
0x269: {  	_ =	swait.ge @!p0 [sflag:s0], s1  }
0x26a: {  	s1 =	ssub.s32 @!p0 $0x0, s1;
	[sflag:s0] =	ssyncset.done @!p0 $0x0  }
0x26b: {  	[sflag:s0] =	ssyncadd.s32 @!p0 s1  }
0x26c: {  	[bflag:$0x3] =	sbarrier.arrive $0xFFFF  }
0x26d: {  	_ =	shalt  }

</sc_bundles>
